<compile_context>
chip_gen: v7x
topology: tpu7x:2x2x1
jax: 0.10.2.dev20260603
libtpu: 0.0.44.dev20260713+nightly
codegen_flags: <defaults>
</compile_context>

<pallas_src>
import functools

import jax
import jax.numpy as jnp
from jax import lax
from jax.experimental import pallas as pl
from jax.experimental.pallas import tpu as pltpu
from jax.experimental.pallas import tpu_sc as plsc

_N = 10000
_E = 320000
_D = 128
_H = 16
_C = 3

_NC = 2
_NS = 16
_NT = _NC * _NS
_B = 128
_CHUNKS = _E // _B
_CPC = _CHUNKS // _NC
_NBMAX = 80
_NPAD = 10112
_RPT = _NPAD // _NS
_NBUF = 24
_PF = 16
_SLAG = 8


def _copy_chunks(ei_hbm, which, v_ref, cid, sid):
  base = cid * _CPC

  @pl.when(sid == 0)
  def _():
    pltpu.sync_copy(ei_hbm.at[pl.ds(base, 80), which],
                    v_ref.at[pl.ds(0, 80)])

  @pl.when(sid > 0)
  def _():
    pltpu.sync_copy(ei_hbm.at[pl.ds(base + sid * 78 + 2, 78), which],
                    v_ref.at[pl.ds(0, 78)])


def _deg_body(ei_hbm, ones_hbm, zero_hbm, out_hbm, dst_v, ones_v, acc_sh, sem):
  cid = lax.axis_index("c")
  sid = lax.axis_index("s")
  ng = jnp.where(sid == 0, 80, 78)
  _copy_chunks(ei_hbm, 1, dst_v, cid, sid)
  pltpu.sync_copy(ones_hbm, ones_v)
  pltpu.sync_copy(zero_hbm.at[pl.ds(sid * _RPT, _RPT)],
                  acc_sh.at[pl.ds(sid * _RPT, _RPT)])
  plsc.subcore_barrier()

  def body(j, carry):
    @pl.when(j >= _SLAG)
    def _():
      pltpu.make_async_copy(
          ones_v, acc_sh.at[dst_v.at[j - _SLAG]], sem).wait()

    pltpu.async_copy(ones_v, acc_sh.at[dst_v.at[j]], sem, add=True)
    return carry

  lax.fori_loop(0, ng, body, 0)

  def drain(j, carry):
    pltpu.make_async_copy(ones_v, acc_sh.at[dst_v.at[j]], sem).wait()
    return carry

  lax.fori_loop(ng - _SLAG, ng, drain, 0)
  plsc.subcore_barrier()
  pltpu.sync_copy(acc_sh.at[pl.ds(sid * _RPT, _RPT)],
                  out_hbm.at[cid, pl.ds(sid * _RPT, _RPT)])


@functools.cache
def _deg_kernel():
  return functools.partial(
      pl.kernel,
      out_type=jax.ShapeDtypeStruct((_NC, _NPAD, _H), jnp.float32),
      mesh=plsc.VectorSubcoreMesh(core_axis_name="c", subcore_axis_name="s"),
      scratch_types=[
          pltpu.VMEM((_NBMAX, _B), jnp.int32),
          pltpu.VMEM((_B, _H), jnp.float32),
          pltpu.VMEM_SHARED((_NPAD, _H), jnp.float32),
          pltpu.SemaphoreType.DMA,
      ],
      compiler_params=pltpu.CompilerParams(use_tc_tiling_on_sc=False),
  )(_deg_body)


def _agg_body(hp_hbm, ei_hbm, zero_hbm, out_hbm,
              src_v, dst_v, rows_v, acc_sh, sem_g, sem_s):
  cid = lax.axis_index("c")
  sid = lax.axis_index("s")
  ng = jnp.where(sid == 0, 80, 78)
  _copy_chunks(ei_hbm, 0, src_v, cid, sid)
  _copy_chunks(ei_hbm, 1, dst_v, cid, sid)
  pltpu.sync_copy(zero_hbm.at[pl.ds(sid * _RPT, _RPT)],
                  acc_sh.at[pl.ds(sid * _RPT, _RPT)])
  plsc.subcore_barrier()

  def _sidx(j):
    return src_v.at[j]

  def _didx(j):
    return dst_v.at[j]

  for b in range(_PF):
    pltpu.async_copy(hp_hbm.at[_sidx(b)], rows_v.at[b], sem_g)

  def body(j, carry):
    b = lax.rem(j, _NBUF)

    @pl.when(j >= _SLAG)
    def _():
      jd = j - _SLAG
      pltpu.make_async_copy(rows_v.at[lax.rem(jd, _NBUF)],
                            acc_sh.at[_didx(jd)], sem_s).wait()

    pltpu.make_async_copy(hp_hbm.at[_sidx(j)], rows_v.at[b], sem_g).wait()
    pltpu.async_copy(rows_v.at[b], acc_sh.at[_didx(j)], sem_s, add=True)

    @pl.when(j + _PF < ng)
    def _():
      pltpu.async_copy(hp_hbm.at[_sidx(j + _PF)],
                       rows_v.at[lax.rem(j + _PF, _NBUF)], sem_g)

    return carry

  lax.fori_loop(0, ng, body, 0)

  def drain(j, carry):
    pltpu.make_async_copy(rows_v.at[lax.rem(j, _NBUF)],
                          acc_sh.at[_didx(j)], sem_s).wait()
    return carry

  lax.fori_loop(ng - _SLAG, ng, drain, 0)
  plsc.subcore_barrier()
  pltpu.sync_copy(acc_sh.at[pl.ds(sid * _RPT, _RPT)],
                  out_hbm.at[cid, pl.ds(sid * _RPT, _RPT)])


@functools.cache
def _agg_kernel(width):
  return functools.partial(
      pl.kernel,
      out_type=jax.ShapeDtypeStruct((_NC, _NPAD, width), jnp.float32),
      mesh=plsc.VectorSubcoreMesh(core_axis_name="c", subcore_axis_name="s"),
      scratch_types=[
          pltpu.VMEM((_NBMAX, _B), jnp.int32),
          pltpu.VMEM((_NBMAX, _B), jnp.int32),
          pltpu.VMEM((_NBUF, _B, width), jnp.float32),
          pltpu.VMEM_SHARED((_NPAD, width), jnp.float32),
          pltpu.SemaphoreType.DMA,
          pltpu.SemaphoreType.DMA,
      ],
      compiler_params=pltpu.CompilerParams(use_tc_tiling_on_sc=False),
  )(_agg_body)



_PR = _NPAD * _H // 128
_XR = _N * _H // 128


def _dis_of(d_ref):
  return lax.rsqrt(1.0 + d_ref[0] + d_ref[1])


def _fwd1_body(x_ref, w_ref, o_ref):
  xb = x_ref[...]
  h1 = jnp.concatenate(
      [jnp.dot(xb[:, k, :], w_ref[...], preferred_element_type=jnp.float32)
       for k in range(8)], axis=1)
  o_ref[...] = jnp.concatenate(
      [h1, jnp.zeros((_PR - _XR, 128), jnp.float32)], axis=0)


def _scale_body(h_ref, d_ref, o_ref):
  o_ref[...] = h_ref[...] * _dis_of(d_ref)


def _layer1_body(a_ref, hp_ref, d_ref, b1_ref, w2_ref, o_ref):
  dis = _dis_of(d_ref)
  out1 = dis * (a_ref[0] + a_ref[1] + hp_ref[...]) + b1_ref[...]
  g = dis * jnp.maximum(out1, 0.0)
  o_ref[...] = jnp.concatenate(
      [jnp.dot(g[:, 16 * k:16 * k + 16], w2_ref[...],
               preferred_element_type=jnp.float32)
       for k in range(8)], axis=1)


def _layer2_body(c_ref, zp_ref, d_ref, b2_ref, o_ref):
  out2 = _dis_of(d_ref) * (c_ref[0] + c_ref[1] + zp_ref[...]) + b2_ref[...]
  lane = lax.broadcasted_iota(jnp.int32, (_PR, 128), 1)
  mask3 = (lane % 16) < _C
  r1 = pltpu.roll(out2, 127, axis=1)
  r2 = pltpu.roll(out2, 126, axis=1)
  ms = jnp.maximum(jnp.maximum(out2, r1), r2)
  ms0 = jnp.where((lane % 16) == 0, ms, 0.0)
  ri = lax.broadcasted_iota(jnp.int32, (128, 128), 0)
  cj = lax.broadcasted_iota(jnp.int32, (128, 128), 1)
  gb = (ri == (cj // 16) * 16).astype(jnp.float32)
  gs = ((ri // 16) == (cj // 16)).astype(jnp.float32)
  mz = jnp.dot(ms0, gb, preferred_element_type=jnp.float32)
  e = jnp.where(mask3, jnp.exp(out2 - mz), 0.0)
  s = jnp.dot(e, gs, preferred_element_type=jnp.float32)
  o_ref[...] = out2 - mz - jnp.log(s)


_fwd1 = pl.pallas_call(
    _fwd1_body,
    out_shape=jax.ShapeDtypeStruct((_PR, 128), jnp.float32),
)

_scale = pl.pallas_call(
    _scale_body,
    out_shape=jax.ShapeDtypeStruct((_PR, 128), jnp.float32),
)

_layer1 = pl.pallas_call(
    _layer1_body,
    out_shape=jax.ShapeDtypeStruct((_PR, 128), jnp.float32),
)

_layer2 = pl.pallas_call(
    _layer2_body,
    out_shape=jax.ShapeDtypeStruct((_PR, 128), jnp.float32),
)



@jax.jit
def kernel(x, edge_index, W1, b1, W2, b2):
  ei3 = jnp.transpose(edge_index.reshape(2, _CHUNKS, _B), (1, 0, 2))

  ones16 = jnp.ones((_B, _H), jnp.float32)
  zero16 = jnp.zeros((_NPAD, _H), jnp.float32)
  w2p = jnp.concatenate([W2, jnp.zeros((_H, _H - _C), jnp.float32)], axis=1)
  b1t = jnp.tile(b1, 8).reshape(1, 128)
  b2t = jnp.tile(jnp.concatenate([b2, jnp.zeros((_H - _C,), jnp.float32)]),
                 8).reshape(1, 128)
  x3 = x.reshape(_XR, 8, _D)

  degp = _deg_kernel()(ei3, ones16, zero16)
  h1 = _fwd1(x3, W1)
  dp = degp.reshape(_NC, _PR, 128)
  h1p = _scale(h1, dp)
  agg1 = _agg_kernel(_H)(h1p.reshape(_NPAD, _H), ei3, zero16)
  zp = _layer1(agg1.reshape(_NC, _PR, 128), h1p, dp, b1t, w2p)
  agg2 = _agg_kernel(_H)(zp.reshape(_NPAD, _H), ei3, zero16)
  out = _layer2(agg2.reshape(_NC, _PR, 128), zp, dp, b2t)
  return out.reshape(_NPAD, _H)[:_N, :_C]

# --- scband reference (transcript-rebuilt; emitter-appended) ---
"""Pipeline reference for scband-net-16801912062043 (READ-ONLY COPY).

The authoritative reference and input builder live on the scoring server;
editing this copy changes nothing except your own understanding.
"""

import jax, jax.numpy as jnp
import numpy as np

N = 10000
E = 320000
D = 128
H = 16
C = 3


def setup_inputs(seed: int = 0) -> dict:
    key = jax.random.key(seed)
    k1, k2, k3, k4 = jax.random.split(key, 4)
    x = jax.random.normal(k1, (N, D), dtype=jnp.float32)
    edge_index = jax.random.randint(k2, (2, E), 0, N, dtype=jnp.int32)
    # GCNConv weights (glorot-style scale) and biases
    W1 = jax.random.normal(k3, (D, H), dtype=jnp.float32) * (1.0 / np.sqrt(D))
    b1 = jnp.zeros((H,), dtype=jnp.float32)
    W2 = jax.random.normal(k4, (H, C), dtype=jnp.float32) * (1.0 / np.sqrt(H))
    b2 = jnp.zeros((C,), dtype=jnp.float32)
    return {"x": x, "edge_index": edge_index, "W1": W1, "b1": b1, "W2": W2, "b2": b2}


def gcn_conv(x, edge_index, W, b):
    # PyG GCNConv: add self-loops, symmetric D^{-1/2}(A+I)D^{-1/2} normalization
    n = x.shape[0]
    loop = jnp.arange(n, dtype=edge_index.dtype)
    src = jnp.concatenate([edge_index[0], loop])
    dst = jnp.concatenate([edge_index[1], loop])
    ones = jnp.ones(src.shape[0], dtype=x.dtype)
    deg = jax.ops.segment_sum(ones, dst, num_segments=n)
    deg_inv_sqrt = jnp.where(deg > 0, 1.0 / jnp.sqrt(deg), 0.0)
    norm = deg_inv_sqrt[src] * deg_inv_sqrt[dst]
    h = x @ W
    msg = h[src] * norm[:, None]
    out = jax.ops.segment_sum(msg, dst, num_segments=n)
    return out + b


def reference(x, edge_index, W1, b1, W2, b2):
    h = gcn_conv(x, edge_index, W1, b1)
    h = jax.nn.relu(h)
    # F.dropout(training=self.training) is identity in eval mode
    h = gcn_conv(h, edge_index, W2, b2)
    return jax.nn.log_softmax(h, axis=1)

if __name__ == "__main__":
    import jax
    _d = setup_inputs()
    print(jax.jit(kernel)(*tuple(_d.values())))

</pallas_src>

<mosaic_0001>
#map = affine_map<(d0, d1) -> (0, 0)>
#map1 = affine_map<(d0, d1) -> (0, 0, 0)>
module attributes {stable_mosaic.version = 14 : i64} {
  func.func @_agg_body(%arg0: i32, %arg1: i32, %arg2: memref<10112x16xf32, #tpu.memory_space<hbm>>, %arg3: memref<2500x2x128xi32, #tpu.memory_space<hbm>>, %arg4: memref<10112x16xf32, #tpu.memory_space<hbm>>, %arg5: memref<2x10112x16xf32, #tpu.memory_space<hbm>>, %arg6: memref<80x128xi32, #tpu.memory_space<vmem>>, %arg7: memref<80x128xi32, #tpu.memory_space<vmem>>, %arg8: memref<24x128x16xf32, #tpu.memory_space<vmem>>, %arg9: memref<10112x16xf32, #tpu.memory_space<vmem_shared>>, %arg10: memref<!tpu.dma_semaphore, #tpu.memory_space<semaphore_mem>>, %arg11: memref<!tpu.dma_semaphore, #tpu.memory_space<semaphore_mem>>) attributes {dimension_semantics = [#tpu.dimension_semantics<core_parallel>, #tpu.dimension_semantics<subcore_parallel>], iteration_bounds = array<i64: 2, 16>, scalar_prefetch = 0 : i64, scratch_operands = 6 : i64, tpu.core_type = #tpu.core_type<sc_vector_subcore>, window_params = [{transform_indices = #map}, {transform_indices = #map1}, {transform_indices = #map}, {transform_indices = #map1}]} {
    %eq3A = arith.constant 0 : i32
    %eq3A_0 = arith.cmpi eq, %arg1, %eq3A : i32
    %jit3A = arith.constant 80 : i32
    %jit3A_1 = arith.constant 78 : i32
    %select_n3A = arith.select %eq3A_0, %jit3A, %jit3A_1 : i32
    %mul3A = arith.constant 1250 : i32
    %mul3A_2 = arith.muli %arg0, %mul3A : i32
    %eq3A_3 = arith.constant 0 : i32
    %eq3A_4 = arith.cmpi eq, %arg1, %eq3A_3 : i32
    %convert_element_type3A = arith.extui %eq3A_4 : i1 to i32
    %cond3A = arith.constant 0 : i32
    %cond3A_5 = arith.cmpi ne, %convert_element_type3A, %cond3A : i32
    scf.if %cond3A_5 {
      %run_scoped3A = arith.constant 0 : i32
      "tpu.region"() ({
        %run_scoped3A_241 = tpu.sem_alloc : memref<!tpu.dma_semaphore, #tpu.memory_space<semaphore_mem>>
        %dma_start3A_242 = arith.constant 0 : i32
        %dma_start3A_243 = arith.constant 0 : i32
        %dma_start3A_244 = tpu.memref_slice %arg6[%dma_start3A_242, %dma_start3A_243] : memref<80x128xi32, #tpu.memory_space<vmem>> -> memref<80x128xi32, #tpu.memory_space<vmem>>
        %dma_start3A_245 = arith.constant 0 : i32
        %dma_start3A_246 = tpu.memref_slice %arg3[%mul3A_2, %run_scoped3A, %dma_start3A_245] : memref<2500x2x128xi32, #tpu.memory_space<hbm>> -> memref<80x1x128xi32, #tpu.memory_space<hbm>>
        %dma_start3A_247 = tpu.memref_squeeze %dma_start3A_246 : memref<80x1x128xi32, #tpu.memory_space<hbm>> -> memref<80x128xi32, #tpu.memory_space<hbm>>
        %dma_start3A_248 = arith.constant 0 : i32
        %dma_start3A_249 = arith.constant 0 : i32
        %dma_start3A_250 = tpu.memref_slice %arg6[%dma_start3A_248, %dma_start3A_249] : memref<80x128xi32, #tpu.memory_space<vmem>> -> memref<80x128xi32, #tpu.memory_space<vmem>>
        %dma_start3A_251 = arith.constant 0 : i32
        %dma_start3A_252 = tpu.memref_slice %arg3[%mul3A_2, %run_scoped3A, %dma_start3A_251] : memref<2500x2x128xi32, #tpu.memory_space<hbm>> -> memref<80x1x128xi32, #tpu.memory_space<hbm>>
        %dma_start3A_253 = tpu.memref_squeeze %dma_start3A_252 : memref<80x1x128xi32, #tpu.memory_space<hbm>> -> memref<80x128xi32, #tpu.memory_space<hbm>>
        tpu.enqueue_dma source(%dma_start3A_253 : memref<80x128xi32, #tpu.memory_space<hbm>>) target(%dma_start3A_250 : memref<80x128xi32, #tpu.memory_space<vmem>>) target_semaphore(%run_scoped3A_241 : memref<!tpu.dma_semaphore, #tpu.memory_space<semaphore_mem>>)
        %dma_wait3A = arith.constant 0 : i32
        %dma_wait3A_254 = arith.constant 0 : i32
        %dma_wait3A_255 = tpu.memref_slice %arg6[%dma_wait3A, %dma_wait3A_254] : memref<80x128xi32, #tpu.memory_space<vmem>> -> memref<80x128xi32, #tpu.memory_space<vmem>>
        %dma_wait3A_256 = arith.constant 0 : i32
        %dma_wait3A_257 = tpu.memref_slice %arg3[%mul3A_2, %run_scoped3A, %dma_wait3A_256] : memref<2500x2x128xi32, #tpu.memory_space<hbm>> -> memref<80x1x128xi32, #tpu.memory_space<hbm>>
        %dma_wait3A_258 = tpu.memref_squeeze %dma_wait3A_257 : memref<80x1x128xi32, #tpu.memory_space<hbm>> -> memref<80x128xi32, #tpu.memory_space<hbm>>
        %dma_wait3A_259 = arith.constant 0 : i32
        %dma_wait3A_260 = arith.constant 0 : i32
        %dma_wait3A_261 = tpu.memref_slice %arg6[%dma_wait3A_259, %dma_wait3A_260] : memref<80x128xi32, #tpu.memory_space<vmem>> -> memref<80x128xi32, #tpu.memory_space<vmem>>
        %dma_wait3A_262 = arith.constant 0 : i32
        %dma_wait3A_263 = tpu.memref_slice %arg3[%mul3A_2, %run_scoped3A, %dma_wait3A_262] : memref<2500x2x128xi32, #tpu.memory_space<hbm>> -> memref<80x1x128xi32, #tpu.memory_space<hbm>>
        %dma_wait3A_264 = tpu.memref_squeeze %dma_wait3A_263 : memref<80x1x128xi32, #tpu.memory_space<hbm>> -> memref<80x128xi32, #tpu.memory_space<hbm>>
        tpu.wait_dma2 semaphore(%run_scoped3A_241 : memref<!tpu.dma_semaphore, #tpu.memory_space<semaphore_mem>>) src(%dma_wait3A_264 : memref<80x128xi32, #tpu.memory_space<hbm>>) dst(%dma_wait3A_261 : memref<80x128xi32, #tpu.memory_space<vmem>>)
        tpu.yield
      }) : () -> ()
    } else {
    }
    %gt3A = arith.constant 0 : i32
    %gt3A_6 = arith.cmpi sgt, %arg1, %gt3A : i32
    %convert_element_type3A_7 = arith.extui %gt3A_6 : i1 to i32
    %cond3A_8 = arith.constant 0 : i32
    %cond3A_9 = arith.cmpi ne, %convert_element_type3A_7, %cond3A_8 : i32
    scf.if %cond3A_9 {
      %mul3A_241 = arith.constant 78 : i32
      %mul3A_242 = arith.muli %arg1, %mul3A_241 : i32
      %add3A = arith.addi %mul3A_2, %mul3A_242 : i32
      %add3A_243 = arith.constant 2 : i32
      %add3A_244 = arith.addi %add3A, %add3A_243 : i32
      %run_scoped3A = arith.constant 0 : i32
      "tpu.region"() ({
        %run_scoped3A_245 = tpu.sem_alloc : memref<!tpu.dma_semaphore, #tpu.memory_space<semaphore_mem>>
        %dma_start3A_246 = arith.constant 0 : i32
        %dma_start3A_247 = arith.constant 0 : i32
        %dma_start3A_248 = tpu.memref_slice %arg6[%dma_start3A_246, %dma_start3A_247] : memref<80x128xi32, #tpu.memory_space<vmem>> -> memref<78x128xi32, #tpu.memory_space<vmem>>
        %dma_start3A_249 = arith.constant 0 : i32
        %dma_start3A_250 = tpu.memref_slice %arg3[%add3A_244, %run_scoped3A, %dma_start3A_249] : memref<2500x2x128xi32, #tpu.memory_space<hbm>> -> memref<78x1x128xi32, #tpu.memory_space<hbm>>
        %dma_start3A_251 = tpu.memref_squeeze %dma_start3A_250 : memref<78x1x128xi32, #tpu.memory_space<hbm>> -> memref<78x128xi32, #tpu.memory_space<hbm>>
        %dma_start3A_252 = arith.constant 0 : i32
        %dma_start3A_253 = arith.constant 0 : i32
        %dma_start3A_254 = tpu.memref_slice %arg6[%dma_start3A_252, %dma_start3A_253] : memref<80x128xi32, #tpu.memory_space<vmem>> -> memref<78x128xi32, #tpu.memory_space<vmem>>
        %dma_start3A_255 = arith.constant 0 : i32
        %dma_start3A_256 = tpu.memref_slice %arg3[%add3A_244, %run_scoped3A, %dma_start3A_255] : memref<2500x2x128xi32, #tpu.memory_space<hbm>> -> memref<78x1x128xi32, #tpu.memory_space<hbm>>
        %dma_start3A_257 = tpu.memref_squeeze %dma_start3A_256 : memref<78x1x128xi32, #tpu.memory_space<hbm>> -> memref<78x128xi32, #tpu.memory_space<hbm>>
        tpu.enqueue_dma source(%dma_start3A_257 : memref<78x128xi32, #tpu.memory_space<hbm>>) target(%dma_start3A_254 : memref<78x128xi32, #tpu.memory_space<vmem>>) target_semaphore(%run_scoped3A_245 : memref<!tpu.dma_semaphore, #tpu.memory_space<semaphore_mem>>)
        %dma_wait3A = arith.constant 0 : i32
        %dma_wait3A_258 = arith.constant 0 : i32
        %dma_wait3A_259 = tpu.memref_slice %arg6[%dma_wait3A, %dma_wait3A_258] : memref<80x128xi32, #tpu.memory_space<vmem>> -> memref<78x128xi32, #tpu.memory_space<vmem>>
        %dma_wait3A_260 = arith.constant 0 : i32
        %dma_wait3A_261 = tpu.memref_slice %arg3[%add3A_244, %run_scoped3A, %dma_wait3A_260] : memref<2500x2x128xi32, #tpu.memory_space<hbm>> -> memref<78x1x128xi32, #tpu.memory_space<hbm>>
        %dma_wait3A_262 = tpu.memref_squeeze %dma_wait3A_261 : memref<78x1x128xi32, #tpu.memory_space<hbm>> -> memref<78x128xi32, #tpu.memory_space<hbm>>
        %dma_wait3A_263 = arith.constant 0 : i32
        %dma_wait3A_264 = arith.constant 0 : i32
        %dma_wait3A_265 = tpu.memref_slice %arg6[%dma_wait3A_263, %dma_wait3A_264] : memref<80x128xi32, #tpu.memory_space<vmem>> -> memref<78x128xi32, #tpu.memory_space<vmem>>
        %dma_wait3A_266 = arith.constant 0 : i32
        %dma_wait3A_267 = tpu.memref_slice %arg3[%add3A_244, %run_scoped3A, %dma_wait3A_266] : memref<2500x2x128xi32, #tpu.memory_space<hbm>> -> memref<78x1x128xi32, #tpu.memory_space<hbm>>
        %dma_wait3A_268 = tpu.memref_squeeze %dma_wait3A_267 : memref<78x1x128xi32, #tpu.memory_space<hbm>> -> memref<78x128xi32, #tpu.memory_space<hbm>>
        tpu.wait_dma2 semaphore(%run_scoped3A_245 : memref<!tpu.dma_semaphore, #tpu.memory_space<semaphore_mem>>) src(%dma_wait3A_268 : memref<78x128xi32, #tpu.memory_space<hbm>>) dst(%dma_wait3A_265 : memref<78x128xi32, #tpu.memory_space<vmem>>)
        tpu.yield
      }) : () -> ()
    } else {
    }
    %mul3A_10 = arith.constant 1250 : i32
    %mul3A_11 = arith.muli %arg0, %mul3A_10 : i32
    %eq3A_12 = arith.constant 0 : i32
    %eq3A_13 = arith.cmpi eq, %arg1, %eq3A_12 : i32
    %convert_element_type3A_14 = arith.extui %eq3A_13 : i1 to i32
    %cond3A_15 = arith.constant 0 : i32
    %cond3A_16 = arith.cmpi ne, %convert_element_type3A_14, %cond3A_15 : i32
    scf.if %cond3A_16 {
      %run_scoped3A = arith.constant 1 : i32
      "tpu.region"() ({
        %run_scoped3A_241 = tpu.sem_alloc : memref<!tpu.dma_semaphore, #tpu.memory_space<semaphore_mem>>
        %dma_start3A_242 = arith.constant 0 : i32
        %dma_start3A_243 = arith.constant 0 : i32
        %dma_start3A_244 = tpu.memref_slice %arg7[%dma_start3A_242, %dma_start3A_243] : memref<80x128xi32, #tpu.memory_space<vmem>> -> memref<80x128xi32, #tpu.memory_space<vmem>>
        %dma_start3A_245 = arith.constant 0 : i32
        %dma_start3A_246 = tpu.memref_slice %arg3[%mul3A_11, %run_scoped3A, %dma_start3A_245] : memref<2500x2x128xi32, #tpu.memory_space<hbm>> -> memref<80x1x128xi32, #tpu.memory_space<hbm>>
        %dma_start3A_247 = tpu.memref_squeeze %dma_start3A_246 : memref<80x1x128xi32, #tpu.memory_space<hbm>> -> memref<80x128xi32, #tpu.memory_space<hbm>>
        %dma_start3A_248 = arith.constant 0 : i32
        %dma_start3A_249 = arith.constant 0 : i32
        %dma_start3A_250 = tpu.memref_slice %arg7[%dma_start3A_248, %dma_start3A_249] : memref<80x128xi32, #tpu.memory_space<vmem>> -> memref<80x128xi32, #tpu.memory_space<vmem>>
        %dma_start3A_251 = arith.constant 0 : i32
        %dma_start3A_252 = tpu.memref_slice %arg3[%mul3A_11, %run_scoped3A, %dma_start3A_251] : memref<2500x2x128xi32, #tpu.memory_space<hbm>> -> memref<80x1x128xi32, #tpu.memory_space<hbm>>
        %dma_start3A_253 = tpu.memref_squeeze %dma_start3A_252 : memref<80x1x128xi32, #tpu.memory_space<hbm>> -> memref<80x128xi32, #tpu.memory_space<hbm>>
        tpu.enqueue_dma source(%dma_start3A_253 : memref<80x128xi32, #tpu.memory_space<hbm>>) target(%dma_start3A_250 : memref<80x128xi32, #tpu.memory_space<vmem>>) target_semaphore(%run_scoped3A_241 : memref<!tpu.dma_semaphore, #tpu.memory_space<semaphore_mem>>)
        %dma_wait3A = arith.constant 0 : i32
        %dma_wait3A_254 = arith.constant 0 : i32
        %dma_wait3A_255 = tpu.memref_slice %arg7[%dma_wait3A, %dma_wait3A_254] : memref<80x128xi32, #tpu.memory_space<vmem>> -> memref<80x128xi32, #tpu.memory_space<vmem>>
        %dma_wait3A_256 = arith.constant 0 : i32
        %dma_wait3A_257 = tpu.memref_slice %arg3[%mul3A_11, %run_scoped3A, %dma_wait3A_256] : memref<2500x2x128xi32, #tpu.memory_space<hbm>> -> memref<80x1x128xi32, #tpu.memory_space<hbm>>
        %dma_wait3A_258 = tpu.memref_squeeze %dma_wait3A_257 : memref<80x1x128xi32, #tpu.memory_space<hbm>> -> memref<80x128xi32, #tpu.memory_space<hbm>>
        %dma_wait3A_259 = arith.constant 0 : i32
        %dma_wait3A_260 = arith.constant 0 : i32
        %dma_wait3A_261 = tpu.memref_slice %arg7[%dma_wait3A_259, %dma_wait3A_260] : memref<80x128xi32, #tpu.memory_space<vmem>> -> memref<80x128xi32, #tpu.memory_space<vmem>>
        %dma_wait3A_262 = arith.constant 0 : i32
        %dma_wait3A_263 = tpu.memref_slice %arg3[%mul3A_11, %run_scoped3A, %dma_wait3A_262] : memref<2500x2x128xi32, #tpu.memory_space<hbm>> -> memref<80x1x128xi32, #tpu.memory_space<hbm>>
        %dma_wait3A_264 = tpu.memref_squeeze %dma_wait3A_263 : memref<80x1x128xi32, #tpu.memory_space<hbm>> -> memref<80x128xi32, #tpu.memory_space<hbm>>
        tpu.wait_dma2 semaphore(%run_scoped3A_241 : memref<!tpu.dma_semaphore, #tpu.memory_space<semaphore_mem>>) src(%dma_wait3A_264 : memref<80x128xi32, #tpu.memory_space<hbm>>) dst(%dma_wait3A_261 : memref<80x128xi32, #tpu.memory_space<vmem>>)
        tpu.yield
      }) : () -> ()
    } else {
    }
    %gt3A_17 = arith.constant 0 : i32
    %gt3A_18 = arith.cmpi sgt, %arg1, %gt3A_17 : i32
    %convert_element_type3A_19 = arith.extui %gt3A_18 : i1 to i32
    %cond3A_20 = arith.constant 0 : i32
    %cond3A_21 = arith.cmpi ne, %convert_element_type3A_19, %cond3A_20 : i32
    scf.if %cond3A_21 {
      %mul3A_241 = arith.constant 78 : i32
      %mul3A_242 = arith.muli %arg1, %mul3A_241 : i32
      %add3A = arith.addi %mul3A_11, %mul3A_242 : i32
      %add3A_243 = arith.constant 2 : i32
      %add3A_244 = arith.addi %add3A, %add3A_243 : i32
      %run_scoped3A = arith.constant 1 : i32
      "tpu.region"() ({
        %run_scoped3A_245 = tpu.sem_alloc : memref<!tpu.dma_semaphore, #tpu.memory_space<semaphore_mem>>
        %dma_start3A_246 = arith.constant 0 : i32
        %dma_start3A_247 = arith.constant 0 : i32
        %dma_start3A_248 = tpu.memref_slice %arg7[%dma_start3A_246, %dma_start3A_247] : memref<80x128xi32, #tpu.memory_space<vmem>> -> memref<78x128xi32, #tpu.memory_space<vmem>>
        %dma_start3A_249 = arith.constant 0 : i32
        %dma_start3A_250 = tpu.memref_slice %arg3[%add3A_244, %run_scoped3A, %dma_start3A_249] : memref<2500x2x128xi32, #tpu.memory_space<hbm>> -> memref<78x1x128xi32, #tpu.memory_space<hbm>>
        %dma_start3A_251 = tpu.memref_squeeze %dma_start3A_250 : memref<78x1x128xi32, #tpu.memory_space<hbm>> -> memref<78x128xi32, #tpu.memory_space<hbm>>
        %dma_start3A_252 = arith.constant 0 : i32
        %dma_start3A_253 = arith.constant 0 : i32
        %dma_start3A_254 = tpu.memref_slice %arg7[%dma_start3A_252, %dma_start3A_253] : memref<80x128xi32, #tpu.memory_space<vmem>> -> memref<78x128xi32, #tpu.memory_space<vmem>>
        %dma_start3A_255 = arith.constant 0 : i32
        %dma_start3A_256 = tpu.memref_slice %arg3[%add3A_244, %run_scoped3A, %dma_start3A_255] : memref<2500x2x128xi32, #tpu.memory_space<hbm>> -> memref<78x1x128xi32, #tpu.memory_space<hbm>>
        %dma_start3A_257 = tpu.memref_squeeze %dma_start3A_256 : memref<78x1x128xi32, #tpu.memory_space<hbm>> -> memref<78x128xi32, #tpu.memory_space<hbm>>
        tpu.enqueue_dma source(%dma_start3A_257 : memref<78x128xi32, #tpu.memory_space<hbm>>) target(%dma_start3A_254 : memref<78x128xi32, #tpu.memory_space<vmem>>) target_semaphore(%run_scoped3A_245 : memref<!tpu.dma_semaphore, #tpu.memory_space<semaphore_mem>>)
        %dma_wait3A = arith.constant 0 : i32
        %dma_wait3A_258 = arith.constant 0 : i32
        %dma_wait3A_259 = tpu.memref_slice %arg7[%dma_wait3A, %dma_wait3A_258] : memref<80x128xi32, #tpu.memory_space<vmem>> -> memref<78x128xi32, #tpu.memory_space<vmem>>
        %dma_wait3A_260 = arith.constant 0 : i32
        %dma_wait3A_261 = tpu.memref_slice %arg3[%add3A_244, %run_scoped3A, %dma_wait3A_260] : memref<2500x2x128xi32, #tpu.memory_space<hbm>> -> memref<78x1x128xi32, #tpu.memory_space<hbm>>
        %dma_wait3A_262 = tpu.memref_squeeze %dma_wait3A_261 : memref<78x1x128xi32, #tpu.memory_space<hbm>> -> memref<78x128xi32, #tpu.memory_space<hbm>>
        %dma_wait3A_263 = arith.constant 0 : i32
        %dma_wait3A_264 = arith.constant 0 : i32
        %dma_wait3A_265 = tpu.memref_slice %arg7[%dma_wait3A_263, %dma_wait3A_264] : memref<80x128xi32, #tpu.memory_space<vmem>> -> memref<78x128xi32, #tpu.memory_space<vmem>>
        %dma_wait3A_266 = arith.constant 0 : i32
        %dma_wait3A_267 = tpu.memref_slice %arg3[%add3A_244, %run_scoped3A, %dma_wait3A_266] : memref<2500x2x128xi32, #tpu.memory_space<hbm>> -> memref<78x1x128xi32, #tpu.memory_space<hbm>>
        %dma_wait3A_268 = tpu.memref_squeeze %dma_wait3A_267 : memref<78x1x128xi32, #tpu.memory_space<hbm>> -> memref<78x128xi32, #tpu.memory_space<hbm>>
        tpu.wait_dma2 semaphore(%run_scoped3A_245 : memref<!tpu.dma_semaphore, #tpu.memory_space<semaphore_mem>>) src(%dma_wait3A_268 : memref<78x128xi32, #tpu.memory_space<hbm>>) dst(%dma_wait3A_265 : memref<78x128xi32, #tpu.memory_space<vmem>>)
        tpu.yield
      }) : () -> ()
    } else {
    }
    %mul3A_22 = arith.constant 632 : i32
    %mul3A_23 = arith.muli %arg1, %mul3A_22 : i32
    %mul3A_24 = arith.constant 632 : i32
    %mul3A_25 = arith.muli %arg1, %mul3A_24 : i32
    "tpu.region"() ({
      %run_scoped3A = tpu.sem_alloc : memref<!tpu.dma_semaphore, #tpu.memory_space<semaphore_mem>>
      %dma_start3A_241 = arith.constant 0 : i32
      %dma_start3A_242 = tpu.memref_slice %arg9[%mul3A_25, %dma_start3A_241] : memref<10112x16xf32, #tpu.memory_space<vmem_shared>> -> memref<632x16xf32, #tpu.memory_space<vmem_shared>>
      %dma_start3A_243 = arith.constant 0 : i32
      %dma_start3A_244 = tpu.memref_slice %arg4[%mul3A_23, %dma_start3A_243] : memref<10112x16xf32, #tpu.memory_space<hbm>> -> memref<632x16xf32, #tpu.memory_space<hbm>>
      tpu.enqueue_dma source(%dma_start3A_244 : memref<632x16xf32, #tpu.memory_space<hbm>>) target(%dma_start3A_242 : memref<632x16xf32, #tpu.memory_space<vmem_shared>>) target_semaphore(%run_scoped3A : memref<!tpu.dma_semaphore, #tpu.memory_space<semaphore_mem>>)
      %dma_wait3A = arith.constant 0 : i32
      %dma_wait3A_245 = tpu.memref_slice %arg9[%mul3A_25, %dma_wait3A] : memref<10112x16xf32, #tpu.memory_space<vmem_shared>> -> memref<632x16xf32, #tpu.memory_space<vmem_shared>>
      %dma_wait3A_246 = arith.constant 0 : i32
      %dma_wait3A_247 = tpu.memref_slice %arg4[%mul3A_23, %dma_wait3A_246] : memref<10112x16xf32, #tpu.memory_space<hbm>> -> memref<632x16xf32, #tpu.memory_space<hbm>>
      tpu.wait_dma2 semaphore(%run_scoped3A : memref<!tpu.dma_semaphore, #tpu.memory_space<semaphore_mem>>) src(%dma_wait3A_247 : memref<632x16xf32, #tpu.memory_space<hbm>>) dst(%dma_wait3A_245 : memref<632x16xf32, #tpu.memory_space<vmem_shared>>)
      tpu.yield
    }) : () -> ()
    %barrier3A = arith.constant 0 : index
    tpu.barrier barrier_id(%barrier3A)
    %dma_start3A = arith.constant 0 : i32
    %dma_start3A_26 = arith.constant 0 : i32
    %dma_start3A_27 = arith.constant 0 : i32
    %dma_start3A_28 = arith.constant 0 : i32
    %dma_start3A_29 = tpu.memref_slice %arg8[%dma_start3A_26, %dma_start3A_27, %dma_start3A_28] : memref<24x128x16xf32, #tpu.memory_space<vmem>> -> memref<1x128x16xf32, #tpu.memory_space<vmem>>
    %dma_start3A_30 = tpu.memref_squeeze %dma_start3A_29 : memref<1x128x16xf32, #tpu.memory_space<vmem>> -> memref<128x16xf32, #tpu.memory_space<vmem>>
    %dma_start3A_31 = arith.constant 0 : i32
    %dma_start3A_32 = tpu.memref_slice %arg6[%dma_start3A, %dma_start3A_31] : memref<80x128xi32, #tpu.memory_space<vmem>> -> memref<1x128xi32, #tpu.memory_space<vmem>>
    %dma_start3A_33 = tpu.memref_squeeze %dma_start3A_32 : memref<1x128xi32, #tpu.memory_space<vmem>> -> memref<128xi32, #tpu.memory_space<vmem>>
    %dma_start3A_34 = arith.constant 0 : i32
    %dma_start3A_35 = arith.constant 0 : i32
    %dma_start3A_36 = tpu.memref_slice %arg2[%dma_start3A_34, %dma_start3A_35] : memref<10112x16xf32, #tpu.memory_space<hbm>> -> memref<10112x16xf32, #tpu.memory_space<hbm>>
    tpu.enqueue_indirect_dma source(%dma_start3A_36 : memref<10112x16xf32, #tpu.memory_space<hbm>>) target(%dma_start3A_30 : memref<128x16xf32, #tpu.memory_space<vmem>>) offsets(%dma_start3A_33 : memref<128xi32, #tpu.memory_space<vmem>>) semaphore(%arg10 : memref<!tpu.dma_semaphore, #tpu.memory_space<semaphore_mem>>)
    %dma_start3A_37 = arith.constant 1 : i32
    %dma_start3A_38 = arith.constant 1 : i32
    %dma_start3A_39 = arith.constant 0 : i32
    %dma_start3A_40 = arith.constant 0 : i32
    %dma_start3A_41 = tpu.memref_slice %arg8[%dma_start3A_38, %dma_start3A_39, %dma_start3A_40] : memref<24x128x16xf32, #tpu.memory_space<vmem>> -> memref<1x128x16xf32, #tpu.memory_space<vmem>>
    %dma_start3A_42 = tpu.memref_squeeze %dma_start3A_41 : memref<1x128x16xf32, #tpu.memory_space<vmem>> -> memref<128x16xf32, #tpu.memory_space<vmem>>
    %dma_start3A_43 = arith.constant 0 : i32
    %dma_start3A_44 = tpu.memref_slice %arg6[%dma_start3A_37, %dma_start3A_43] : memref<80x128xi32, #tpu.memory_space<vmem>> -> memref<1x128xi32, #tpu.memory_space<vmem>>
    %dma_start3A_45 = tpu.memref_squeeze %dma_start3A_44 : memref<1x128xi32, #tpu.memory_space<vmem>> -> memref<128xi32, #tpu.memory_space<vmem>>
    %dma_start3A_46 = arith.constant 0 : i32
    %dma_start3A_47 = arith.constant 0 : i32
    %dma_start3A_48 = tpu.memref_slice %arg2[%dma_start3A_46, %dma_start3A_47] : memref<10112x16xf32, #tpu.memory_space<hbm>> -> memref<10112x16xf32, #tpu.memory_space<hbm>>
    tpu.enqueue_indirect_dma source(%dma_start3A_48 : memref<10112x16xf32, #tpu.memory_space<hbm>>) target(%dma_start3A_42 : memref<128x16xf32, #tpu.memory_space<vmem>>) offsets(%dma_start3A_45 : memref<128xi32, #tpu.memory_space<vmem>>) semaphore(%arg10 : memref<!tpu.dma_semaphore, #tpu.memory_space<semaphore_mem>>)
    %dma_start3A_49 = arith.constant 2 : i32
    %dma_start3A_50 = arith.constant 2 : i32
    %dma_start3A_51 = arith.constant 0 : i32
    %dma_start3A_52 = arith.constant 0 : i32
    %dma_start3A_53 = tpu.memref_slice %arg8[%dma_start3A_50, %dma_start3A_51, %dma_start3A_52] : memref<24x128x16xf32, #tpu.memory_space<vmem>> -> memref<1x128x16xf32, #tpu.memory_space<vmem>>
    %dma_start3A_54 = tpu.memref_squeeze %dma_start3A_53 : memref<1x128x16xf32, #tpu.memory_space<vmem>> -> memref<128x16xf32, #tpu.memory_space<vmem>>
    %dma_start3A_55 = arith.constant 0 : i32
    %dma_start3A_56 = tpu.memref_slice %arg6[%dma_start3A_49, %dma_start3A_55] : memref<80x128xi32, #tpu.memory_space<vmem>> -> memref<1x128xi32, #tpu.memory_space<vmem>>
    %dma_start3A_57 = tpu.memref_squeeze %dma_start3A_56 : memref<1x128xi32, #tpu.memory_space<vmem>> -> memref<128xi32, #tpu.memory_space<vmem>>
    %dma_start3A_58 = arith.constant 0 : i32
    %dma_start3A_59 = arith.constant 0 : i32
    %dma_start3A_60 = tpu.memref_slice %arg2[%dma_start3A_58, %dma_start3A_59] : memref<10112x16xf32, #tpu.memory_space<hbm>> -> memref<10112x16xf32, #tpu.memory_space<hbm>>
    tpu.enqueue_indirect_dma source(%dma_start3A_60 : memref<10112x16xf32, #tpu.memory_space<hbm>>) target(%dma_start3A_54 : memref<128x16xf32, #tpu.memory_space<vmem>>) offsets(%dma_start3A_57 : memref<128xi32, #tpu.memory_space<vmem>>) semaphore(%arg10 : memref<!tpu.dma_semaphore, #tpu.memory_space<semaphore_mem>>)
    %dma_start3A_61 = arith.constant 3 : i32
    %dma_start3A_62 = arith.constant 3 : i32
    %dma_start3A_63 = arith.constant 0 : i32
    %dma_start3A_64 = arith.constant 0 : i32
    %dma_start3A_65 = tpu.memref_slice %arg8[%dma_start3A_62, %dma_start3A_63, %dma_start3A_64] : memref<24x128x16xf32, #tpu.memory_space<vmem>> -> memref<1x128x16xf32, #tpu.memory_space<vmem>>
    %dma_start3A_66 = tpu.memref_squeeze %dma_start3A_65 : memref<1x128x16xf32, #tpu.memory_space<vmem>> -> memref<128x16xf32, #tpu.memory_space<vmem>>
    %dma_start3A_67 = arith.constant 0 : i32
    %dma_start3A_68 = tpu.memref_slice %arg6[%dma_start3A_61, %dma_start3A_67] : memref<80x128xi32, #tpu.memory_space<vmem>> -> memref<1x128xi32, #tpu.memory_space<vmem>>
    %dma_start3A_69 = tpu.memref_squeeze %dma_start3A_68 : memref<1x128xi32, #tpu.memory_space<vmem>> -> memref<128xi32, #tpu.memory_space<vmem>>
    %dma_start3A_70 = arith.constant 0 : i32
    %dma_start3A_71 = arith.constant 0 : i32
    %dma_start3A_72 = tpu.memref_slice %arg2[%dma_start3A_70, %dma_start3A_71] : memref<10112x16xf32, #tpu.memory_space<hbm>> -> memref<10112x16xf32, #tpu.memory_space<hbm>>
    tpu.enqueue_indirect_dma source(%dma_start3A_72 : memref<10112x16xf32, #tpu.memory_space<hbm>>) target(%dma_start3A_66 : memref<128x16xf32, #tpu.memory_space<vmem>>) offsets(%dma_start3A_69 : memref<128xi32, #tpu.memory_space<vmem>>) semaphore(%arg10 : memref<!tpu.dma_semaphore, #tpu.memory_space<semaphore_mem>>)
    %dma_start3A_73 = arith.constant 4 : i32
    %dma_start3A_74 = arith.constant 4 : i32
    %dma_start3A_75 = arith.constant 0 : i32
    %dma_start3A_76 = arith.constant 0 : i32
    %dma_start3A_77 = tpu.memref_slice %arg8[%dma_start3A_74, %dma_start3A_75, %dma_start3A_76] : memref<24x128x16xf32, #tpu.memory_space<vmem>> -> memref<1x128x16xf32, #tpu.memory_space<vmem>>
    %dma_start3A_78 = tpu.memref_squeeze %dma_start3A_77 : memref<1x128x16xf32, #tpu.memory_space<vmem>> -> memref<128x16xf32, #tpu.memory_space<vmem>>
    %dma_start3A_79 = arith.constant 0 : i32
    %dma_start3A_80 = tpu.memref_slice %arg6[%dma_start3A_73, %dma_start3A_79] : memref<80x128xi32, #tpu.memory_space<vmem>> -> memref<1x128xi32, #tpu.memory_space<vmem>>
    %dma_start3A_81 = tpu.memref_squeeze %dma_start3A_80 : memref<1x128xi32, #tpu.memory_space<vmem>> -> memref<128xi32, #tpu.memory_space<vmem>>
    %dma_start3A_82 = arith.constant 0 : i32
    %dma_start3A_83 = arith.constant 0 : i32
    %dma_start3A_84 = tpu.memref_slice %arg2[%dma_start3A_82, %dma_start3A_83] : memref<10112x16xf32, #tpu.memory_space<hbm>> -> memref<10112x16xf32, #tpu.memory_space<hbm>>
    tpu.enqueue_indirect_dma source(%dma_start3A_84 : memref<10112x16xf32, #tpu.memory_space<hbm>>) target(%dma_start3A_78 : memref<128x16xf32, #tpu.memory_space<vmem>>) offsets(%dma_start3A_81 : memref<128xi32, #tpu.memory_space<vmem>>) semaphore(%arg10 : memref<!tpu.dma_semaphore, #tpu.memory_space<semaphore_mem>>)
    %dma_start3A_85 = arith.constant 5 : i32
    %dma_start3A_86 = arith.constant 5 : i32
    %dma_start3A_87 = arith.constant 0 : i32
    %dma_start3A_88 = arith.constant 0 : i32
    %dma_start3A_89 = tpu.memref_slice %arg8[%dma_start3A_86, %dma_start3A_87, %dma_start3A_88] : memref<24x128x16xf32, #tpu.memory_space<vmem>> -> memref<1x128x16xf32, #tpu.memory_space<vmem>>
    %dma_start3A_90 = tpu.memref_squeeze %dma_start3A_89 : memref<1x128x16xf32, #tpu.memory_space<vmem>> -> memref<128x16xf32, #tpu.memory_space<vmem>>
    %dma_start3A_91 = arith.constant 0 : i32
    %dma_start3A_92 = tpu.memref_slice %arg6[%dma_start3A_85, %dma_start3A_91] : memref<80x128xi32, #tpu.memory_space<vmem>> -> memref<1x128xi32, #tpu.memory_space<vmem>>
    %dma_start3A_93 = tpu.memref_squeeze %dma_start3A_92 : memref<1x128xi32, #tpu.memory_space<vmem>> -> memref<128xi32, #tpu.memory_space<vmem>>
    %dma_start3A_94 = arith.constant 0 : i32
    %dma_start3A_95 = arith.constant 0 : i32
    %dma_start3A_96 = tpu.memref_slice %arg2[%dma_start3A_94, %dma_start3A_95] : memref<10112x16xf32, #tpu.memory_space<hbm>> -> memref<10112x16xf32, #tpu.memory_space<hbm>>
    tpu.enqueue_indirect_dma source(%dma_start3A_96 : memref<10112x16xf32, #tpu.memory_space<hbm>>) target(%dma_start3A_90 : memref<128x16xf32, #tpu.memory_space<vmem>>) offsets(%dma_start3A_93 : memref<128xi32, #tpu.memory_space<vmem>>) semaphore(%arg10 : memref<!tpu.dma_semaphore, #tpu.memory_space<semaphore_mem>>)
    %dma_start3A_97 = arith.constant 6 : i32
    %dma_start3A_98 = arith.constant 6 : i32
    %dma_start3A_99 = arith.constant 0 : i32
    %dma_start3A_100 = arith.constant 0 : i32
    %dma_start3A_101 = tpu.memref_slice %arg8[%dma_start3A_98, %dma_start3A_99, %dma_start3A_100] : memref<24x128x16xf32, #tpu.memory_space<vmem>> -> memref<1x128x16xf32, #tpu.memory_space<vmem>>
    %dma_start3A_102 = tpu.memref_squeeze %dma_start3A_101 : memref<1x128x16xf32, #tpu.memory_space<vmem>> -> memref<128x16xf32, #tpu.memory_space<vmem>>
    %dma_start3A_103 = arith.constant 0 : i32
    %dma_start3A_104 = tpu.memref_slice %arg6[%dma_start3A_97, %dma_start3A_103] : memref<80x128xi32, #tpu.memory_space<vmem>> -> memref<1x128xi32, #tpu.memory_space<vmem>>
    %dma_start3A_105 = tpu.memref_squeeze %dma_start3A_104 : memref<1x128xi32, #tpu.memory_space<vmem>> -> memref<128xi32, #tpu.memory_space<vmem>>
    %dma_start3A_106 = arith.constant 0 : i32
    %dma_start3A_107 = arith.constant 0 : i32
    %dma_start3A_108 = tpu.memref_slice %arg2[%dma_start3A_106, %dma_start3A_107] : memref<10112x16xf32, #tpu.memory_space<hbm>> -> memref<10112x16xf32, #tpu.memory_space<hbm>>
    tpu.enqueue_indirect_dma source(%dma_start3A_108 : memref<10112x16xf32, #tpu.memory_space<hbm>>) target(%dma_start3A_102 : memref<128x16xf32, #tpu.memory_space<vmem>>) offsets(%dma_start3A_105 : memref<128xi32, #tpu.memory_space<vmem>>) semaphore(%arg10 : memref<!tpu.dma_semaphore, #tpu.memory_space<semaphore_mem>>)
    %dma_start3A_109 = arith.constant 7 : i32
    %dma_start3A_110 = arith.constant 7 : i32
    %dma_start3A_111 = arith.constant 0 : i32
    %dma_start3A_112 = arith.constant 0 : i32
    %dma_start3A_113 = tpu.memref_slice %arg8[%dma_start3A_110, %dma_start3A_111, %dma_start3A_112] : memref<24x128x16xf32, #tpu.memory_space<vmem>> -> memref<1x128x16xf32, #tpu.memory_space<vmem>>
    %dma_start3A_114 = tpu.memref_squeeze %dma_start3A_113 : memref<1x128x16xf32, #tpu.memory_space<vmem>> -> memref<128x16xf32, #tpu.memory_space<vmem>>
    %dma_start3A_115 = arith.constant 0 : i32
    %dma_start3A_116 = tpu.memref_slice %arg6[%dma_start3A_109, %dma_start3A_115] : memref<80x128xi32, #tpu.memory_space<vmem>> -> memref<1x128xi32, #tpu.memory_space<vmem>>
    %dma_start3A_117 = tpu.memref_squeeze %dma_start3A_116 : memref<1x128xi32, #tpu.memory_space<vmem>> -> memref<128xi32, #tpu.memory_space<vmem>>
    %dma_start3A_118 = arith.constant 0 : i32
    %dma_start3A_119 = arith.constant 0 : i32
    %dma_start3A_120 = tpu.memref_slice %arg2[%dma_start3A_118, %dma_start3A_119] : memref<10112x16xf32, #tpu.memory_space<hbm>> -> memref<10112x16xf32, #tpu.memory_space<hbm>>
    tpu.enqueue_indirect_dma source(%dma_start3A_120 : memref<10112x16xf32, #tpu.memory_space<hbm>>) target(%dma_start3A_114 : memref<128x16xf32, #tpu.memory_space<vmem>>) offsets(%dma_start3A_117 : memref<128xi32, #tpu.memory_space<vmem>>) semaphore(%arg10 : memref<!tpu.dma_semaphore, #tpu.memory_space<semaphore_mem>>)
    %dma_start3A_121 = arith.constant 8 : i32
    %dma_start3A_122 = arith.constant 8 : i32
    %dma_start3A_123 = arith.constant 0 : i32
    %dma_start3A_124 = arith.constant 0 : i32
    %dma_start3A_125 = tpu.memref_slice %arg8[%dma_start3A_122, %dma_start3A_123, %dma_start3A_124] : memref<24x128x16xf32, #tpu.memory_space<vmem>> -> memref<1x128x16xf32, #tpu.memory_space<vmem>>
    %dma_start3A_126 = tpu.memref_squeeze %dma_start3A_125 : memref<1x128x16xf32, #tpu.memory_space<vmem>> -> memref<128x16xf32, #tpu.memory_space<vmem>>
    %dma_start3A_127 = arith.constant 0 : i32
    %dma_start3A_128 = tpu.memref_slice %arg6[%dma_start3A_121, %dma_start3A_127] : memref<80x128xi32, #tpu.memory_space<vmem>> -> memref<1x128xi32, #tpu.memory_space<vmem>>
    %dma_start3A_129 = tpu.memref_squeeze %dma_start3A_128 : memref<1x128xi32, #tpu.memory_space<vmem>> -> memref<128xi32, #tpu.memory_space<vmem>>
    %dma_start3A_130 = arith.constant 0 : i32
    %dma_start3A_131 = arith.constant 0 : i32
    %dma_start3A_132 = tpu.memref_slice %arg2[%dma_start3A_130, %dma_start3A_131] : memref<10112x16xf32, #tpu.memory_space<hbm>> -> memref<10112x16xf32, #tpu.memory_space<hbm>>
    tpu.enqueue_indirect_dma source(%dma_start3A_132 : memref<10112x16xf32, #tpu.memory_space<hbm>>) target(%dma_start3A_126 : memref<128x16xf32, #tpu.memory_space<vmem>>) offsets(%dma_start3A_129 : memref<128xi32, #tpu.memory_space<vmem>>) semaphore(%arg10 : memref<!tpu.dma_semaphore, #tpu.memory_space<semaphore_mem>>)
    %dma_start3A_133 = arith.constant 9 : i32
    %dma_start3A_134 = arith.constant 9 : i32
    %dma_start3A_135 = arith.constant 0 : i32
    %dma_start3A_136 = arith.constant 0 : i32
    %dma_start3A_137 = tpu.memref_slice %arg8[%dma_start3A_134, %dma_start3A_135, %dma_start3A_136] : memref<24x128x16xf32, #tpu.memory_space<vmem>> -> memref<1x128x16xf32, #tpu.memory_space<vmem>>
    %dma_start3A_138 = tpu.memref_squeeze %dma_start3A_137 : memref<1x128x16xf32, #tpu.memory_space<vmem>> -> memref<128x16xf32, #tpu.memory_space<vmem>>
    %dma_start3A_139 = arith.constant 0 : i32
    %dma_start3A_140 = tpu.memref_slice %arg6[%dma_start3A_133, %dma_start3A_139] : memref<80x128xi32, #tpu.memory_space<vmem>> -> memref<1x128xi32, #tpu.memory_space<vmem>>
    %dma_start3A_141 = tpu.memref_squeeze %dma_start3A_140 : memref<1x128xi32, #tpu.memory_space<vmem>> -> memref<128xi32, #tpu.memory_space<vmem>>
    %dma_start3A_142 = arith.constant 0 : i32
    %dma_start3A_143 = arith.constant 0 : i32
    %dma_start3A_144 = tpu.memref_slice %arg2[%dma_start3A_142, %dma_start3A_143] : memref<10112x16xf32, #tpu.memory_space<hbm>> -> memref<10112x16xf32, #tpu.memory_space<hbm>>
    tpu.enqueue_indirect_dma source(%dma_start3A_144 : memref<10112x16xf32, #tpu.memory_space<hbm>>) target(%dma_start3A_138 : memref<128x16xf32, #tpu.memory_space<vmem>>) offsets(%dma_start3A_141 : memref<128xi32, #tpu.memory_space<vmem>>) semaphore(%arg10 : memref<!tpu.dma_semaphore, #tpu.memory_space<semaphore_mem>>)
    %dma_start3A_145 = arith.constant 10 : i32
    %dma_start3A_146 = arith.constant 10 : i32
    %dma_start3A_147 = arith.constant 0 : i32
    %dma_start3A_148 = arith.constant 0 : i32
    %dma_start3A_149 = tpu.memref_slice %arg8[%dma_start3A_146, %dma_start3A_147, %dma_start3A_148] : memref<24x128x16xf32, #tpu.memory_space<vmem>> -> memref<1x128x16xf32, #tpu.memory_space<vmem>>
    %dma_start3A_150 = tpu.memref_squeeze %dma_start3A_149 : memref<1x128x16xf32, #tpu.memory_space<vmem>> -> memref<128x16xf32, #tpu.memory_space<vmem>>
    %dma_start3A_151 = arith.constant 0 : i32
    %dma_start3A_152 = tpu.memref_slice %arg6[%dma_start3A_145, %dma_start3A_151] : memref<80x128xi32, #tpu.memory_space<vmem>> -> memref<1x128xi32, #tpu.memory_space<vmem>>
    %dma_start3A_153 = tpu.memref_squeeze %dma_start3A_152 : memref<1x128xi32, #tpu.memory_space<vmem>> -> memref<128xi32, #tpu.memory_space<vmem>>
    %dma_start3A_154 = arith.constant 0 : i32
    %dma_start3A_155 = arith.constant 0 : i32
    %dma_start3A_156 = tpu.memref_slice %arg2[%dma_start3A_154, %dma_start3A_155] : memref<10112x16xf32, #tpu.memory_space<hbm>> -> memref<10112x16xf32, #tpu.memory_space<hbm>>
    tpu.enqueue_indirect_dma source(%dma_start3A_156 : memref<10112x16xf32, #tpu.memory_space<hbm>>) target(%dma_start3A_150 : memref<128x16xf32, #tpu.memory_space<vmem>>) offsets(%dma_start3A_153 : memref<128xi32, #tpu.memory_space<vmem>>) semaphore(%arg10 : memref<!tpu.dma_semaphore, #tpu.memory_space<semaphore_mem>>)
    %dma_start3A_157 = arith.constant 11 : i32
    %dma_start3A_158 = arith.constant 11 : i32
    %dma_start3A_159 = arith.constant 0 : i32
    %dma_start3A_160 = arith.constant 0 : i32
    %dma_start3A_161 = tpu.memref_slice %arg8[%dma_start3A_158, %dma_start3A_159, %dma_start3A_160] : memref<24x128x16xf32, #tpu.memory_space<vmem>> -> memref<1x128x16xf32, #tpu.memory_space<vmem>>
    %dma_start3A_162 = tpu.memref_squeeze %dma_start3A_161 : memref<1x128x16xf32, #tpu.memory_space<vmem>> -> memref<128x16xf32, #tpu.memory_space<vmem>>
    %dma_start3A_163 = arith.constant 0 : i32
    %dma_start3A_164 = tpu.memref_slice %arg6[%dma_start3A_157, %dma_start3A_163] : memref<80x128xi32, #tpu.memory_space<vmem>> -> memref<1x128xi32, #tpu.memory_space<vmem>>
    %dma_start3A_165 = tpu.memref_squeeze %dma_start3A_164 : memref<1x128xi32, #tpu.memory_space<vmem>> -> memref<128xi32, #tpu.memory_space<vmem>>
    %dma_start3A_166 = arith.constant 0 : i32
    %dma_start3A_167 = arith.constant 0 : i32
    %dma_start3A_168 = tpu.memref_slice %arg2[%dma_start3A_166, %dma_start3A_167] : memref<10112x16xf32, #tpu.memory_space<hbm>> -> memref<10112x16xf32, #tpu.memory_space<hbm>>
    tpu.enqueue_indirect_dma source(%dma_start3A_168 : memref<10112x16xf32, #tpu.memory_space<hbm>>) target(%dma_start3A_162 : memref<128x16xf32, #tpu.memory_space<vmem>>) offsets(%dma_start3A_165 : memref<128xi32, #tpu.memory_space<vmem>>) semaphore(%arg10 : memref<!tpu.dma_semaphore, #tpu.memory_space<semaphore_mem>>)
    %dma_start3A_169 = arith.constant 12 : i32
    %dma_start3A_170 = arith.constant 12 : i32
    %dma_start3A_171 = arith.constant 0 : i32
    %dma_start3A_172 = arith.constant 0 : i32
    %dma_start3A_173 = tpu.memref_slice %arg8[%dma_start3A_170, %dma_start3A_171, %dma_start3A_172] : memref<24x128x16xf32, #tpu.memory_space<vmem>> -> memref<1x128x16xf32, #tpu.memory_space<vmem>>
    %dma_start3A_174 = tpu.memref_squeeze %dma_start3A_173 : memref<1x128x16xf32, #tpu.memory_space<vmem>> -> memref<128x16xf32, #tpu.memory_space<vmem>>
    %dma_start3A_175 = arith.constant 0 : i32
    %dma_start3A_176 = tpu.memref_slice %arg6[%dma_start3A_169, %dma_start3A_175] : memref<80x128xi32, #tpu.memory_space<vmem>> -> memref<1x128xi32, #tpu.memory_space<vmem>>
    %dma_start3A_177 = tpu.memref_squeeze %dma_start3A_176 : memref<1x128xi32, #tpu.memory_space<vmem>> -> memref<128xi32, #tpu.memory_space<vmem>>
    %dma_start3A_178 = arith.constant 0 : i32
    %dma_start3A_179 = arith.constant 0 : i32
    %dma_start3A_180 = tpu.memref_slice %arg2[%dma_start3A_178, %dma_start3A_179] : memref<10112x16xf32, #tpu.memory_space<hbm>> -> memref<10112x16xf32, #tpu.memory_space<hbm>>
    tpu.enqueue_indirect_dma source(%dma_start3A_180 : memref<10112x16xf32, #tpu.memory_space<hbm>>) target(%dma_start3A_174 : memref<128x16xf32, #tpu.memory_space<vmem>>) offsets(%dma_start3A_177 : memref<128xi32, #tpu.memory_space<vmem>>) semaphore(%arg10 : memref<!tpu.dma_semaphore, #tpu.memory_space<semaphore_mem>>)
    %dma_start3A_181 = arith.constant 13 : i32
    %dma_start3A_182 = arith.constant 13 : i32
    %dma_start3A_183 = arith.constant 0 : i32
    %dma_start3A_184 = arith.constant 0 : i32
    %dma_start3A_185 = tpu.memref_slice %arg8[%dma_start3A_182, %dma_start3A_183, %dma_start3A_184] : memref<24x128x16xf32, #tpu.memory_space<vmem>> -> memref<1x128x16xf32, #tpu.memory_space<vmem>>
    %dma_start3A_186 = tpu.memref_squeeze %dma_start3A_185 : memref<1x128x16xf32, #tpu.memory_space<vmem>> -> memref<128x16xf32, #tpu.memory_space<vmem>>
    %dma_start3A_187 = arith.constant 0 : i32
    %dma_start3A_188 = tpu.memref_slice %arg6[%dma_start3A_181, %dma_start3A_187] : memref<80x128xi32, #tpu.memory_space<vmem>> -> memref<1x128xi32, #tpu.memory_space<vmem>>
    %dma_start3A_189 = tpu.memref_squeeze %dma_start3A_188 : memref<1x128xi32, #tpu.memory_space<vmem>> -> memref<128xi32, #tpu.memory_space<vmem>>
    %dma_start3A_190 = arith.constant 0 : i32
    %dma_start3A_191 = arith.constant 0 : i32
    %dma_start3A_192 = tpu.memref_slice %arg2[%dma_start3A_190, %dma_start3A_191] : memref<10112x16xf32, #tpu.memory_space<hbm>> -> memref<10112x16xf32, #tpu.memory_space<hbm>>
    tpu.enqueue_indirect_dma source(%dma_start3A_192 : memref<10112x16xf32, #tpu.memory_space<hbm>>) target(%dma_start3A_186 : memref<128x16xf32, #tpu.memory_space<vmem>>) offsets(%dma_start3A_189 : memref<128xi32, #tpu.memory_space<vmem>>) semaphore(%arg10 : memref<!tpu.dma_semaphore, #tpu.memory_space<semaphore_mem>>)
    %dma_start3A_193 = arith.constant 14 : i32
    %dma_start3A_194 = arith.constant 14 : i32
    %dma_start3A_195 = arith.constant 0 : i32
    %dma_start3A_196 = arith.constant 0 : i32
    %dma_start3A_197 = tpu.memref_slice %arg8[%dma_start3A_194, %dma_start3A_195, %dma_start3A_196] : memref<24x128x16xf32, #tpu.memory_space<vmem>> -> memref<1x128x16xf32, #tpu.memory_space<vmem>>
    %dma_start3A_198 = tpu.memref_squeeze %dma_start3A_197 : memref<1x128x16xf32, #tpu.memory_space<vmem>> -> memref<128x16xf32, #tpu.memory_space<vmem>>
    %dma_start3A_199 = arith.constant 0 : i32
    %dma_start3A_200 = tpu.memref_slice %arg6[%dma_start3A_193, %dma_start3A_199] : memref<80x128xi32, #tpu.memory_space<vmem>> -> memref<1x128xi32, #tpu.memory_space<vmem>>
    %dma_start3A_201 = tpu.memref_squeeze %dma_start3A_200 : memref<1x128xi32, #tpu.memory_space<vmem>> -> memref<128xi32, #tpu.memory_space<vmem>>
    %dma_start3A_202 = arith.constant 0 : i32
    %dma_start3A_203 = arith.constant 0 : i32
    %dma_start3A_204 = tpu.memref_slice %arg2[%dma_start3A_202, %dma_start3A_203] : memref<10112x16xf32, #tpu.memory_space<hbm>> -> memref<10112x16xf32, #tpu.memory_space<hbm>>
    tpu.enqueue_indirect_dma source(%dma_start3A_204 : memref<10112x16xf32, #tpu.memory_space<hbm>>) target(%dma_start3A_198 : memref<128x16xf32, #tpu.memory_space<vmem>>) offsets(%dma_start3A_201 : memref<128xi32, #tpu.memory_space<vmem>>) semaphore(%arg10 : memref<!tpu.dma_semaphore, #tpu.memory_space<semaphore_mem>>)
    %dma_start3A_205 = arith.constant 15 : i32
    %dma_start3A_206 = arith.constant 15 : i32
    %dma_start3A_207 = arith.constant 0 : i32
    %dma_start3A_208 = arith.constant 0 : i32
    %dma_start3A_209 = tpu.memref_slice %arg8[%dma_start3A_206, %dma_start3A_207, %dma_start3A_208] : memref<24x128x16xf32, #tpu.memory_space<vmem>> -> memref<1x128x16xf32, #tpu.memory_space<vmem>>
    %dma_start3A_210 = tpu.memref_squeeze %dma_start3A_209 : memref<1x128x16xf32, #tpu.memory_space<vmem>> -> memref<128x16xf32, #tpu.memory_space<vmem>>
    %dma_start3A_211 = arith.constant 0 : i32
    %dma_start3A_212 = tpu.memref_slice %arg6[%dma_start3A_205, %dma_start3A_211] : memref<80x128xi32, #tpu.memory_space<vmem>> -> memref<1x128xi32, #tpu.memory_space<vmem>>
    %dma_start3A_213 = tpu.memref_squeeze %dma_start3A_212 : memref<1x128xi32, #tpu.memory_space<vmem>> -> memref<128xi32, #tpu.memory_space<vmem>>
    %dma_start3A_214 = arith.constant 0 : i32
    %dma_start3A_215 = arith.constant 0 : i32
    %dma_start3A_216 = tpu.memref_slice %arg2[%dma_start3A_214, %dma_start3A_215] : memref<10112x16xf32, #tpu.memory_space<hbm>> -> memref<10112x16xf32, #tpu.memory_space<hbm>>
    tpu.enqueue_indirect_dma source(%dma_start3A_216 : memref<10112x16xf32, #tpu.memory_space<hbm>>) target(%dma_start3A_210 : memref<128x16xf32, #tpu.memory_space<vmem>>) offsets(%dma_start3A_213 : memref<128xi32, #tpu.memory_space<vmem>>) semaphore(%arg10 : memref<!tpu.dma_semaphore, #tpu.memory_space<semaphore_mem>>)
    %while3A = arith.constant 0 : i32
    %while3A_217 = arith.constant 0 : i32
    %while3A_218 = arith.subi %select_n3A, %while3A_217 : i32
    %while3A_219 = arith.addi %while3A_217, %while3A_218 : i32
    %while3A_220 = arith.constant 1 : i32
    %while3A_221 = arith.divsi %while3A_218, %while3A_220 : i32
    %while3A_222 = arith.muli %while3A_221, %while3A_220 : i32
    %while3A_223 = arith.addi %while3A_217, %while3A_222 : i32
    %while3A_224 = arith.constant 1 : i32
    scf.for %while3A_241 = %while3A_217 to %while3A_223 step %while3A_224  : i32 {
      %rem3A = arith.constant 24 : i32
      %rem3A_242 = arith.remsi %while3A_241, %rem3A : i32
      %ge3A = arith.constant 8 : i32
      %ge3A_243 = arith.cmpi sge, %while3A_241, %ge3A : i32
      %convert_element_type3A_244 = arith.extui %ge3A_243 : i1 to i32
      %cond3A_245 = arith.constant 0 : i32
      %cond3A_246 = arith.cmpi ne, %convert_element_type3A_244, %cond3A_245 : i32
      scf.if %cond3A_246 {
        %sub3A_270 = arith.constant 8 : i32
        %sub3A_271 = arith.subi %while3A_241, %sub3A_270 : i32
        %rem3A_272 = arith.constant 24 : i32
        %rem3A_273 = arith.remsi %sub3A_271, %rem3A_272 : i32
        %dma_wait3A_274 = arith.constant 0 : i32
        %dma_wait3A_275 = arith.constant 0 : i32
        %dma_wait3A_276 = tpu.memref_slice %arg8[%rem3A_273, %dma_wait3A_274, %dma_wait3A_275] : memref<24x128x16xf32, #tpu.memory_space<vmem>> -> memref<1x128x16xf32, #tpu.memory_space<vmem>>
        %dma_wait3A_277 = tpu.memref_squeeze %dma_wait3A_276 : memref<1x128x16xf32, #tpu.memory_space<vmem>> -> memref<128x16xf32, #tpu.memory_space<vmem>>
        %dma_wait3A_278 = arith.constant 0 : i32
        %dma_wait3A_279 = tpu.memref_slice %arg7[%sub3A_271, %dma_wait3A_278] : memref<80x128xi32, #tpu.memory_space<vmem>> -> memref<1x128xi32, #tpu.memory_space<vmem>>
        %dma_wait3A_280 = tpu.memref_squeeze %dma_wait3A_279 : memref<1x128xi32, #tpu.memory_space<vmem>> -> memref<128xi32, #tpu.memory_space<vmem>>
        %dma_wait3A_281 = arith.constant 0 : i32
        %dma_wait3A_282 = arith.constant 0 : i32
        %dma_wait3A_283 = tpu.memref_slice %arg9[%dma_wait3A_281, %dma_wait3A_282] : memref<10112x16xf32, #tpu.memory_space<vmem_shared>> -> memref<10112x16xf32, #tpu.memory_space<vmem_shared>>
        tpu.wait_indirect_dma semaphore(%arg11 : memref<!tpu.dma_semaphore, #tpu.memory_space<semaphore_mem>>) src(%dma_wait3A_277 : memref<128x16xf32, #tpu.memory_space<vmem>>) dst(%dma_wait3A_283 : memref<10112x16xf32, #tpu.memory_space<vmem_shared>>)
      } else {
      }
      %dma_wait3A = arith.constant 0 : i32
      %dma_wait3A_247 = arith.constant 0 : i32
      %dma_wait3A_248 = tpu.memref_slice %arg8[%rem3A_242, %dma_wait3A, %dma_wait3A_247] : memref<24x128x16xf32, #tpu.memory_space<vmem>> -> memref<1x128x16xf32, #tpu.memory_space<vmem>>
      %dma_wait3A_249 = tpu.memref_squeeze %dma_wait3A_248 : memref<1x128x16xf32, #tpu.memory_space<vmem>> -> memref<128x16xf32, #tpu.memory_space<vmem>>
      %dma_wait3A_250 = arith.constant 0 : i32
      %dma_wait3A_251 = tpu.memref_slice %arg6[%while3A_241, %dma_wait3A_250] : memref<80x128xi32, #tpu.memory_space<vmem>> -> memref<1x128xi32, #tpu.memory_space<vmem>>
      %dma_wait3A_252 = tpu.memref_squeeze %dma_wait3A_251 : memref<1x128xi32, #tpu.memory_space<vmem>> -> memref<128xi32, #tpu.memory_space<vmem>>
      %dma_wait3A_253 = arith.constant 0 : i32
      %dma_wait3A_254 = arith.constant 0 : i32
      %dma_wait3A_255 = tpu.memref_slice %arg2[%dma_wait3A_253, %dma_wait3A_254] : memref<10112x16xf32, #tpu.memory_space<hbm>> -> memref<10112x16xf32, #tpu.memory_space<hbm>>
      tpu.wait_indirect_dma semaphore(%arg10 : memref<!tpu.dma_semaphore, #tpu.memory_space<semaphore_mem>>) src(%dma_wait3A_255 : memref<10112x16xf32, #tpu.memory_space<hbm>>) dst(%dma_wait3A_249 : memref<128x16xf32, #tpu.memory_space<vmem>>)
      %dma_start3A_256 = arith.constant 0 : i32
      %dma_start3A_257 = arith.constant 0 : i32
      %dma_start3A_258 = tpu.memref_slice %arg8[%rem3A_242, %dma_start3A_256, %dma_start3A_257] : memref<24x128x16xf32, #tpu.memory_space<vmem>> -> memref<1x128x16xf32, #tpu.memory_space<vmem>>
      %dma_start3A_259 = tpu.memref_squeeze %dma_start3A_258 : memref<1x128x16xf32, #tpu.memory_space<vmem>> -> memref<128x16xf32, #tpu.memory_space<vmem>>
      %dma_start3A_260 = arith.constant 0 : i32
      %dma_start3A_261 = tpu.memref_slice %arg7[%while3A_241, %dma_start3A_260] : memref<80x128xi32, #tpu.memory_space<vmem>> -> memref<1x128xi32, #tpu.memory_space<vmem>>
      %dma_start3A_262 = tpu.memref_squeeze %dma_start3A_261 : memref<1x128xi32, #tpu.memory_space<vmem>> -> memref<128xi32, #tpu.memory_space<vmem>>
      %dma_start3A_263 = arith.constant 0 : i32
      %dma_start3A_264 = arith.constant 0 : i32
      %dma_start3A_265 = tpu.memref_slice %arg9[%dma_start3A_263, %dma_start3A_264] : memref<10112x16xf32, #tpu.memory_space<vmem_shared>> -> memref<10112x16xf32, #tpu.memory_space<vmem_shared>>
      tpu.enqueue_indirect_dma source(%dma_start3A_259 : memref<128x16xf32, #tpu.memory_space<vmem>>) target(%dma_start3A_265 : memref<10112x16xf32, #tpu.memory_space<vmem_shared>>) offsets(%dma_start3A_262 : memref<128xi32, #tpu.memory_space<vmem>>) semaphore(%arg11 : memref<!tpu.dma_semaphore, #tpu.memory_space<semaphore_mem>>) {add = true}
      %add3A = arith.constant 16 : i32
      %add3A_266 = arith.addi %while3A_241, %add3A : i32
      %lt3A = arith.cmpi slt, %add3A_266, %select_n3A : i32
      %convert_element_type3A_267 = arith.extui %lt3A : i1 to i32
      %cond3A_268 = arith.constant 0 : i32
      %cond3A_269 = arith.cmpi ne, %convert_element_type3A_267, %cond3A_268 : i32
      scf.if %cond3A_269 {
        %add3A_270 = arith.constant 16 : i32
        %add3A_271 = arith.addi %while3A_241, %add3A_270 : i32
        %add3A_272 = arith.constant 16 : i32
        %add3A_273 = arith.addi %while3A_241, %add3A_272 : i32
        %rem3A_274 = arith.constant 24 : i32
        %rem3A_275 = arith.remsi %add3A_273, %rem3A_274 : i32
        %dma_start3A_276 = arith.constant 0 : i32
        %dma_start3A_277 = arith.constant 0 : i32
        %dma_start3A_278 = tpu.memref_slice %arg8[%rem3A_275, %dma_start3A_276, %dma_start3A_277] : memref<24x128x16xf32, #tpu.memory_space<vmem>> -> memref<1x128x16xf32, #tpu.memory_space<vmem>>
        %dma_start3A_279 = tpu.memref_squeeze %dma_start3A_278 : memref<1x128x16xf32, #tpu.memory_space<vmem>> -> memref<128x16xf32, #tpu.memory_space<vmem>>
        %dma_start3A_280 = arith.constant 0 : i32
        %dma_start3A_281 = tpu.memref_slice %arg6[%add3A_271, %dma_start3A_280] : memref<80x128xi32, #tpu.memory_space<vmem>> -> memref<1x128xi32, #tpu.memory_space<vmem>>
        %dma_start3A_282 = tpu.memref_squeeze %dma_start3A_281 : memref<1x128xi32, #tpu.memory_space<vmem>> -> memref<128xi32, #tpu.memory_space<vmem>>
        %dma_start3A_283 = arith.constant 0 : i32
        %dma_start3A_284 = arith.constant 0 : i32
        %dma_start3A_285 = tpu.memref_slice %arg2[%dma_start3A_283, %dma_start3A_284] : memref<10112x16xf32, #tpu.memory_space<hbm>> -> memref<10112x16xf32, #tpu.memory_space<hbm>>
        tpu.enqueue_indirect_dma source(%dma_start3A_285 : memref<10112x16xf32, #tpu.memory_space<hbm>>) target(%dma_start3A_279 : memref<128x16xf32, #tpu.memory_space<vmem>>) offsets(%dma_start3A_282 : memref<128xi32, #tpu.memory_space<vmem>>) semaphore(%arg10 : memref<!tpu.dma_semaphore, #tpu.memory_space<semaphore_mem>>)
      } else {
      }
    }
    %while3A_225 = arith.constant 1 : i32
    scf.for %while3A_241 = %while3A_223 to %while3A_219 step %while3A_225  : i32 {
      %rem3A = arith.constant 24 : i32
      %rem3A_242 = arith.remsi %while3A_241, %rem3A : i32
      %ge3A = arith.constant 8 : i32
      %ge3A_243 = arith.cmpi sge, %while3A_241, %ge3A : i32
      %convert_element_type3A_244 = arith.extui %ge3A_243 : i1 to i32
      %cond3A_245 = arith.constant 0 : i32
      %cond3A_246 = arith.cmpi ne, %convert_element_type3A_244, %cond3A_245 : i32
      scf.if %cond3A_246 {
        %sub3A_270 = arith.constant 8 : i32
        %sub3A_271 = arith.subi %while3A_241, %sub3A_270 : i32
        %rem3A_272 = arith.constant 24 : i32
        %rem3A_273 = arith.remsi %sub3A_271, %rem3A_272 : i32
        %dma_wait3A_274 = arith.constant 0 : i32
        %dma_wait3A_275 = arith.constant 0 : i32
        %dma_wait3A_276 = tpu.memref_slice %arg8[%rem3A_273, %dma_wait3A_274, %dma_wait3A_275] : memref<24x128x16xf32, #tpu.memory_space<vmem>> -> memref<1x128x16xf32, #tpu.memory_space<vmem>>
        %dma_wait3A_277 = tpu.memref_squeeze %dma_wait3A_276 : memref<1x128x16xf32, #tpu.memory_space<vmem>> -> memref<128x16xf32, #tpu.memory_space<vmem>>
        %dma_wait3A_278 = arith.constant 0 : i32
        %dma_wait3A_279 = tpu.memref_slice %arg7[%sub3A_271, %dma_wait3A_278] : memref<80x128xi32, #tpu.memory_space<vmem>> -> memref<1x128xi32, #tpu.memory_space<vmem>>
        %dma_wait3A_280 = tpu.memref_squeeze %dma_wait3A_279 : memref<1x128xi32, #tpu.memory_space<vmem>> -> memref<128xi32, #tpu.memory_space<vmem>>
        %dma_wait3A_281 = arith.constant 0 : i32
        %dma_wait3A_282 = arith.constant 0 : i32
        %dma_wait3A_283 = tpu.memref_slice %arg9[%dma_wait3A_281, %dma_wait3A_282] : memref<10112x16xf32, #tpu.memory_space<vmem_shared>> -> memref<10112x16xf32, #tpu.memory_space<vmem_shared>>
        tpu.wait_indirect_dma semaphore(%arg11 : memref<!tpu.dma_semaphore, #tpu.memory_space<semaphore_mem>>) src(%dma_wait3A_277 : memref<128x16xf32, #tpu.memory_space<vmem>>) dst(%dma_wait3A_283 : memref<10112x16xf32, #tpu.memory_space<vmem_shared>>)
      } else {
      }
      %dma_wait3A = arith.constant 0 : i32
      %dma_wait3A_247 = arith.constant 0 : i32
      %dma_wait3A_248 = tpu.memref_slice %arg8[%rem3A_242, %dma_wait3A, %dma_wait3A_247] : memref<24x128x16xf32, #tpu.memory_space<vmem>> -> memref<1x128x16xf32, #tpu.memory_space<vmem>>
      %dma_wait3A_249 = tpu.memref_squeeze %dma_wait3A_248 : memref<1x128x16xf32, #tpu.memory_space<vmem>> -> memref<128x16xf32, #tpu.memory_space<vmem>>
      %dma_wait3A_250 = arith.constant 0 : i32
      %dma_wait3A_251 = tpu.memref_slice %arg6[%while3A_241, %dma_wait3A_250] : memref<80x128xi32, #tpu.memory_space<vmem>> -> memref<1x128xi32, #tpu.memory_space<vmem>>
      %dma_wait3A_252 = tpu.memref_squeeze %dma_wait3A_251 : memref<1x128xi32, #tpu.memory_space<vmem>> -> memref<128xi32, #tpu.memory_space<vmem>>
      %dma_wait3A_253 = arith.constant 0 : i32
      %dma_wait3A_254 = arith.constant 0 : i32
      %dma_wait3A_255 = tpu.memref_slice %arg2[%dma_wait3A_253, %dma_wait3A_254] : memref<10112x16xf32, #tpu.memory_space<hbm>> -> memref<10112x16xf32, #tpu.memory_space<hbm>>
      tpu.wait_indirect_dma semaphore(%arg10 : memref<!tpu.dma_semaphore, #tpu.memory_space<semaphore_mem>>) src(%dma_wait3A_255 : memref<10112x16xf32, #tpu.memory_space<hbm>>) dst(%dma_wait3A_249 : memref<128x16xf32, #tpu.memory_space<vmem>>)
      %dma_start3A_256 = arith.constant 0 : i32
      %dma_start3A_257 = arith.constant 0 : i32
      %dma_start3A_258 = tpu.memref_slice %arg8[%rem3A_242, %dma_start3A_256, %dma_start3A_257] : memref<24x128x16xf32, #tpu.memory_space<vmem>> -> memref<1x128x16xf32, #tpu.memory_space<vmem>>
      %dma_start3A_259 = tpu.memref_squeeze %dma_start3A_258 : memref<1x128x16xf32, #tpu.memory_space<vmem>> -> memref<128x16xf32, #tpu.memory_space<vmem>>
      %dma_start3A_260 = arith.constant 0 : i32
      %dma_start3A_261 = tpu.memref_slice %arg7[%while3A_241, %dma_start3A_260] : memref<80x128xi32, #tpu.memory_space<vmem>> -> memref<1x128xi32, #tpu.memory_space<vmem>>
      %dma_start3A_262 = tpu.memref_squeeze %dma_start3A_261 : memref<1x128xi32, #tpu.memory_space<vmem>> -> memref<128xi32, #tpu.memory_space<vmem>>
      %dma_start3A_263 = arith.constant 0 : i32
      %dma_start3A_264 = arith.constant 0 : i32
      %dma_start3A_265 = tpu.memref_slice %arg9[%dma_start3A_263, %dma_start3A_264] : memref<10112x16xf32, #tpu.memory_space<vmem_shared>> -> memref<10112x16xf32, #tpu.memory_space<vmem_shared>>
      tpu.enqueue_indirect_dma source(%dma_start3A_259 : memref<128x16xf32, #tpu.memory_space<vmem>>) target(%dma_start3A_265 : memref<10112x16xf32, #tpu.memory_space<vmem_shared>>) offsets(%dma_start3A_262 : memref<128xi32, #tpu.memory_space<vmem>>) semaphore(%arg11 : memref<!tpu.dma_semaphore, #tpu.memory_space<semaphore_mem>>) {add = true}
      %add3A = arith.constant 16 : i32
      %add3A_266 = arith.addi %while3A_241, %add3A : i32
      %lt3A = arith.cmpi slt, %add3A_266, %select_n3A : i32
      %convert_element_type3A_267 = arith.extui %lt3A : i1 to i32
      %cond3A_268 = arith.constant 0 : i32
      %cond3A_269 = arith.cmpi ne, %convert_element_type3A_267, %cond3A_268 : i32
      scf.if %cond3A_269 {
        %add3A_270 = arith.constant 16 : i32
        %add3A_271 = arith.addi %while3A_241, %add3A_270 : i32
        %add3A_272 = arith.constant 16 : i32
        %add3A_273 = arith.addi %while3A_241, %add3A_272 : i32
        %rem3A_274 = arith.constant 24 : i32
        %rem3A_275 = arith.remsi %add3A_273, %rem3A_274 : i32
        %dma_start3A_276 = arith.constant 0 : i32
        %dma_start3A_277 = arith.constant 0 : i32
        %dma_start3A_278 = tpu.memref_slice %arg8[%rem3A_275, %dma_start3A_276, %dma_start3A_277] : memref<24x128x16xf32, #tpu.memory_space<vmem>> -> memref<1x128x16xf32, #tpu.memory_space<vmem>>
        %dma_start3A_279 = tpu.memref_squeeze %dma_start3A_278 : memref<1x128x16xf32, #tpu.memory_space<vmem>> -> memref<128x16xf32, #tpu.memory_space<vmem>>
        %dma_start3A_280 = arith.constant 0 : i32
        %dma_start3A_281 = tpu.memref_slice %arg6[%add3A_271, %dma_start3A_280] : memref<80x128xi32, #tpu.memory_space<vmem>> -> memref<1x128xi32, #tpu.memory_space<vmem>>
        %dma_start3A_282 = tpu.memref_squeeze %dma_start3A_281 : memref<1x128xi32, #tpu.memory_space<vmem>> -> memref<128xi32, #tpu.memory_space<vmem>>
        %dma_start3A_283 = arith.constant 0 : i32
        %dma_start3A_284 = arith.constant 0 : i32
        %dma_start3A_285 = tpu.memref_slice %arg2[%dma_start3A_283, %dma_start3A_284] : memref<10112x16xf32, #tpu.memory_space<hbm>> -> memref<10112x16xf32, #tpu.memory_space<hbm>>
        tpu.enqueue_indirect_dma source(%dma_start3A_285 : memref<10112x16xf32, #tpu.memory_space<hbm>>) target(%dma_start3A_279 : memref<128x16xf32, #tpu.memory_space<vmem>>) offsets(%dma_start3A_282 : memref<128xi32, #tpu.memory_space<vmem>>) semaphore(%arg10 : memref<!tpu.dma_semaphore, #tpu.memory_space<semaphore_mem>>)
      } else {
      }
    }
    %sub3A = arith.constant 8 : i32
    %sub3A_226 = arith.subi %select_n3A, %sub3A : i32
    %while3A_227 = arith.constant 0 : i32
    %while3A_228 = arith.subi %select_n3A, %sub3A_226 : i32
    %while3A_229 = arith.addi %sub3A_226, %while3A_228 : i32
    %while3A_230 = arith.constant 1 : i32
    %while3A_231 = arith.divsi %while3A_228, %while3A_230 : i32
    %while3A_232 = arith.muli %while3A_231, %while3A_230 : i32
    %while3A_233 = arith.addi %sub3A_226, %while3A_232 : i32
    %while3A_234 = arith.constant 1 : i32
    scf.for %while3A_241 = %sub3A_226 to %while3A_233 step %while3A_234  : i32 {
      %rem3A = arith.constant 24 : i32
      %rem3A_242 = arith.remsi %while3A_241, %rem3A : i32
      %dma_wait3A = arith.constant 0 : i32
      %dma_wait3A_243 = arith.constant 0 : i32
      %dma_wait3A_244 = tpu.memref_slice %arg8[%rem3A_242, %dma_wait3A, %dma_wait3A_243] : memref<24x128x16xf32, #tpu.memory_space<vmem>> -> memref<1x128x16xf32, #tpu.memory_space<vmem>>
      %dma_wait3A_245 = tpu.memref_squeeze %dma_wait3A_244 : memref<1x128x16xf32, #tpu.memory_space<vmem>> -> memref<128x16xf32, #tpu.memory_space<vmem>>
      %dma_wait3A_246 = arith.constant 0 : i32
      %dma_wait3A_247 = tpu.memref_slice %arg7[%while3A_241, %dma_wait3A_246] : memref<80x128xi32, #tpu.memory_space<vmem>> -> memref<1x128xi32, #tpu.memory_space<vmem>>
      %dma_wait3A_248 = tpu.memref_squeeze %dma_wait3A_247 : memref<1x128xi32, #tpu.memory_space<vmem>> -> memref<128xi32, #tpu.memory_space<vmem>>
      %dma_wait3A_249 = arith.constant 0 : i32
      %dma_wait3A_250 = arith.constant 0 : i32
      %dma_wait3A_251 = tpu.memref_slice %arg9[%dma_wait3A_249, %dma_wait3A_250] : memref<10112x16xf32, #tpu.memory_space<vmem_shared>> -> memref<10112x16xf32, #tpu.memory_space<vmem_shared>>
      tpu.wait_indirect_dma semaphore(%arg11 : memref<!tpu.dma_semaphore, #tpu.memory_space<semaphore_mem>>) src(%dma_wait3A_245 : memref<128x16xf32, #tpu.memory_space<vmem>>) dst(%dma_wait3A_251 : memref<10112x16xf32, #tpu.memory_space<vmem_shared>>)
    }
    %while3A_235 = arith.constant 1 : i32
    scf.for %while3A_241 = %while3A_233 to %while3A_229 step %while3A_235  : i32 {
      %rem3A = arith.constant 24 : i32
      %rem3A_242 = arith.remsi %while3A_241, %rem3A : i32
      %dma_wait3A = arith.constant 0 : i32
      %dma_wait3A_243 = arith.constant 0 : i32
      %dma_wait3A_244 = tpu.memref_slice %arg8[%rem3A_242, %dma_wait3A, %dma_wait3A_243] : memref<24x128x16xf32, #tpu.memory_space<vmem>> -> memref<1x128x16xf32, #tpu.memory_space<vmem>>
      %dma_wait3A_245 = tpu.memref_squeeze %dma_wait3A_244 : memref<1x128x16xf32, #tpu.memory_space<vmem>> -> memref<128x16xf32, #tpu.memory_space<vmem>>
      %dma_wait3A_246 = arith.constant 0 : i32
      %dma_wait3A_247 = tpu.memref_slice %arg7[%while3A_241, %dma_wait3A_246] : memref<80x128xi32, #tpu.memory_space<vmem>> -> memref<1x128xi32, #tpu.memory_space<vmem>>
      %dma_wait3A_248 = tpu.memref_squeeze %dma_wait3A_247 : memref<1x128xi32, #tpu.memory_space<vmem>> -> memref<128xi32, #tpu.memory_space<vmem>>
      %dma_wait3A_249 = arith.constant 0 : i32
      %dma_wait3A_250 = arith.constant 0 : i32
      %dma_wait3A_251 = tpu.memref_slice %arg9[%dma_wait3A_249, %dma_wait3A_250] : memref<10112x16xf32, #tpu.memory_space<vmem_shared>> -> memref<10112x16xf32, #tpu.memory_space<vmem_shared>>
      tpu.wait_indirect_dma semaphore(%arg11 : memref<!tpu.dma_semaphore, #tpu.memory_space<semaphore_mem>>) src(%dma_wait3A_245 : memref<128x16xf32, #tpu.memory_space<vmem>>) dst(%dma_wait3A_251 : memref<10112x16xf32, #tpu.memory_space<vmem_shared>>)
    }
    %barrier3A_236 = arith.constant 0 : index
    tpu.barrier barrier_id(%barrier3A_236)
    %mul3A_237 = arith.constant 632 : i32
    %mul3A_238 = arith.muli %arg1, %mul3A_237 : i32
    %mul3A_239 = arith.constant 632 : i32
    %mul3A_240 = arith.muli %arg1, %mul3A_239 : i32
    "tpu.region"() ({
      %run_scoped3A = tpu.sem_alloc : memref<!tpu.dma_semaphore, #tpu.memory_space<semaphore_mem>>
      %dma_start3A_241 = arith.constant 0 : i32
      %dma_start3A_242 = tpu.memref_slice %arg5[%arg0, %mul3A_240, %dma_start3A_241] : memref<2x10112x16xf32, #tpu.memory_space<hbm>> -> memref<1x632x16xf32, #tpu.memory_space<hbm>>
      %dma_start3A_243 = tpu.memref_squeeze %dma_start3A_242 : memref<1x632x16xf32, #tpu.memory_space<hbm>> -> memref<632x16xf32, #tpu.memory_space<hbm>>
      %dma_start3A_244 = arith.constant 0 : i32
      %dma_start3A_245 = tpu.memref_slice %arg9[%mul3A_238, %dma_start3A_244] : memref<10112x16xf32, #tpu.memory_space<vmem_shared>> -> memref<632x16xf32, #tpu.memory_space<vmem_shared>>
      tpu.enqueue_dma source(%dma_start3A_245 : memref<632x16xf32, #tpu.memory_space<vmem_shared>>) target(%dma_start3A_243 : memref<632x16xf32, #tpu.memory_space<hbm>>) target_semaphore(%run_scoped3A : memref<!tpu.dma_semaphore, #tpu.memory_space<semaphore_mem>>)
      %dma_wait3A = arith.constant 0 : i32
      %dma_wait3A_246 = tpu.memref_slice %arg5[%arg0, %mul3A_240, %dma_wait3A] : memref<2x10112x16xf32, #tpu.memory_space<hbm>> -> memref<1x632x16xf32, #tpu.memory_space<hbm>>
      %dma_wait3A_247 = tpu.memref_squeeze %dma_wait3A_246 : memref<1x632x16xf32, #tpu.memory_space<hbm>> -> memref<632x16xf32, #tpu.memory_space<hbm>>
      %dma_wait3A_248 = arith.constant 0 : i32
      %dma_wait3A_249 = tpu.memref_slice %arg9[%mul3A_238, %dma_wait3A_248] : memref<10112x16xf32, #tpu.memory_space<vmem_shared>> -> memref<632x16xf32, #tpu.memory_space<vmem_shared>>
      tpu.wait_dma2 semaphore(%run_scoped3A : memref<!tpu.dma_semaphore, #tpu.memory_space<semaphore_mem>>) src(%dma_wait3A_249 : memref<632x16xf32, #tpu.memory_space<vmem_shared>>) dst(%dma_wait3A_247 : memref<632x16xf32, #tpu.memory_space<hbm>>)
      tpu.yield
    }) : () -> ()
    return
  }
}

#map = affine_map<(d0, d1) -> (0, 0, 0)>
#map1 = affine_map<(d0, d1) -> (0, 0)>
module attributes {stable_mosaic.version = 14 : i64} {
  func.func @_deg_body(%arg0: i32, %arg1: i32, %arg2: memref<2500x2x128xi32, #tpu.memory_space<hbm>>, %arg3: memref<128x16xf32, #tpu.memory_space<hbm>>, %arg4: memref<10112x16xf32, #tpu.memory_space<hbm>>, %arg5: memref<2x10112x16xf32, #tpu.memory_space<hbm>>, %arg6: memref<80x128xi32, #tpu.memory_space<vmem>>, %arg7: memref<128x16xf32, #tpu.memory_space<vmem>>, %arg8: memref<10112x16xf32, #tpu.memory_space<vmem_shared>>, %arg9: memref<!tpu.dma_semaphore, #tpu.memory_space<semaphore_mem>>) attributes {dimension_semantics = [#tpu.dimension_semantics<core_parallel>, #tpu.dimension_semantics<subcore_parallel>], iteration_bounds = array<i64: 2, 16>, scalar_prefetch = 0 : i64, scratch_operands = 4 : i64, tpu.core_type = #tpu.core_type<sc_vector_subcore>, window_params = [{transform_indices = #map}, {transform_indices = #map1}, {transform_indices = #map1}, {transform_indices = #map}]} {
    %eq3A = arith.constant 0 : i32
    %eq3A_0 = arith.cmpi eq, %arg1, %eq3A : i32
    %jit3A = arith.constant 80 : i32
    %jit3A_1 = arith.constant 78 : i32
    %select_n3A = arith.select %eq3A_0, %jit3A, %jit3A_1 : i32
    %mul3A = arith.constant 1250 : i32
    %mul3A_2 = arith.muli %arg0, %mul3A : i32
    %eq3A_3 = arith.constant 0 : i32
    %eq3A_4 = arith.cmpi eq, %arg1, %eq3A_3 : i32
    %convert_element_type3A = arith.extui %eq3A_4 : i1 to i32
    %cond3A = arith.constant 0 : i32
    %cond3A_5 = arith.cmpi ne, %convert_element_type3A, %cond3A : i32
    scf.if %cond3A_5 {
      %run_scoped3A = arith.constant 1 : i32
      "tpu.region"() ({
        %run_scoped3A_38 = tpu.sem_alloc : memref<!tpu.dma_semaphore, #tpu.memory_space<semaphore_mem>>
        %dma_start3A = arith.constant 0 : i32
        %dma_start3A_39 = arith.constant 0 : i32
        %dma_start3A_40 = tpu.memref_slice %arg6[%dma_start3A, %dma_start3A_39] : memref<80x128xi32, #tpu.memory_space<vmem>> -> memref<80x128xi32, #tpu.memory_space<vmem>>
        %dma_start3A_41 = arith.constant 0 : i32
        %dma_start3A_42 = tpu.memref_slice %arg2[%mul3A_2, %run_scoped3A, %dma_start3A_41] : memref<2500x2x128xi32, #tpu.memory_space<hbm>> -> memref<80x1x128xi32, #tpu.memory_space<hbm>>
        %dma_start3A_43 = tpu.memref_squeeze %dma_start3A_42 : memref<80x1x128xi32, #tpu.memory_space<hbm>> -> memref<80x128xi32, #tpu.memory_space<hbm>>
        %dma_start3A_44 = arith.constant 0 : i32
        %dma_start3A_45 = arith.constant 0 : i32
        %dma_start3A_46 = tpu.memref_slice %arg6[%dma_start3A_44, %dma_start3A_45] : memref<80x128xi32, #tpu.memory_space<vmem>> -> memref<80x128xi32, #tpu.memory_space<vmem>>
        %dma_start3A_47 = arith.constant 0 : i32
        %dma_start3A_48 = tpu.memref_slice %arg2[%mul3A_2, %run_scoped3A, %dma_start3A_47] : memref<2500x2x128xi32, #tpu.memory_space<hbm>> -> memref<80x1x128xi32, #tpu.memory_space<hbm>>
        %dma_start3A_49 = tpu.memref_squeeze %dma_start3A_48 : memref<80x1x128xi32, #tpu.memory_space<hbm>> -> memref<80x128xi32, #tpu.memory_space<hbm>>
        tpu.enqueue_dma source(%dma_start3A_49 : memref<80x128xi32, #tpu.memory_space<hbm>>) target(%dma_start3A_46 : memref<80x128xi32, #tpu.memory_space<vmem>>) target_semaphore(%run_scoped3A_38 : memref<!tpu.dma_semaphore, #tpu.memory_space<semaphore_mem>>)
        %dma_wait3A = arith.constant 0 : i32
        %dma_wait3A_50 = arith.constant 0 : i32
        %dma_wait3A_51 = tpu.memref_slice %arg6[%dma_wait3A, %dma_wait3A_50] : memref<80x128xi32, #tpu.memory_space<vmem>> -> memref<80x128xi32, #tpu.memory_space<vmem>>
        %dma_wait3A_52 = arith.constant 0 : i32
        %dma_wait3A_53 = tpu.memref_slice %arg2[%mul3A_2, %run_scoped3A, %dma_wait3A_52] : memref<2500x2x128xi32, #tpu.memory_space<hbm>> -> memref<80x1x128xi32, #tpu.memory_space<hbm>>
        %dma_wait3A_54 = tpu.memref_squeeze %dma_wait3A_53 : memref<80x1x128xi32, #tpu.memory_space<hbm>> -> memref<80x128xi32, #tpu.memory_space<hbm>>
        %dma_wait3A_55 = arith.constant 0 : i32
        %dma_wait3A_56 = arith.constant 0 : i32
        %dma_wait3A_57 = tpu.memref_slice %arg6[%dma_wait3A_55, %dma_wait3A_56] : memref<80x128xi32, #tpu.memory_space<vmem>> -> memref<80x128xi32, #tpu.memory_space<vmem>>
        %dma_wait3A_58 = arith.constant 0 : i32
        %dma_wait3A_59 = tpu.memref_slice %arg2[%mul3A_2, %run_scoped3A, %dma_wait3A_58] : memref<2500x2x128xi32, #tpu.memory_space<hbm>> -> memref<80x1x128xi32, #tpu.memory_space<hbm>>
        %dma_wait3A_60 = tpu.memref_squeeze %dma_wait3A_59 : memref<80x1x128xi32, #tpu.memory_space<hbm>> -> memref<80x128xi32, #tpu.memory_space<hbm>>
        tpu.wait_dma2 semaphore(%run_scoped3A_38 : memref<!tpu.dma_semaphore, #tpu.memory_space<semaphore_mem>>) src(%dma_wait3A_60 : memref<80x128xi32, #tpu.memory_space<hbm>>) dst(%dma_wait3A_57 : memref<80x128xi32, #tpu.memory_space<vmem>>)
        tpu.yield
      }) : () -> ()
    } else {
    }
    %gt3A = arith.constant 0 : i32
    %gt3A_6 = arith.cmpi sgt, %arg1, %gt3A : i32
    %convert_element_type3A_7 = arith.extui %gt3A_6 : i1 to i32
    %cond3A_8 = arith.constant 0 : i32
    %cond3A_9 = arith.cmpi ne, %convert_element_type3A_7, %cond3A_8 : i32
    scf.if %cond3A_9 {
      %mul3A_38 = arith.constant 78 : i32
      %mul3A_39 = arith.muli %arg1, %mul3A_38 : i32
      %add3A = arith.addi %mul3A_2, %mul3A_39 : i32
      %add3A_40 = arith.constant 2 : i32
      %add3A_41 = arith.addi %add3A, %add3A_40 : i32
      %run_scoped3A = arith.constant 1 : i32
      "tpu.region"() ({
        %run_scoped3A_42 = tpu.sem_alloc : memref<!tpu.dma_semaphore, #tpu.memory_space<semaphore_mem>>
        %dma_start3A = arith.constant 0 : i32
        %dma_start3A_43 = arith.constant 0 : i32
        %dma_start3A_44 = tpu.memref_slice %arg6[%dma_start3A, %dma_start3A_43] : memref<80x128xi32, #tpu.memory_space<vmem>> -> memref<78x128xi32, #tpu.memory_space<vmem>>
        %dma_start3A_45 = arith.constant 0 : i32
        %dma_start3A_46 = tpu.memref_slice %arg2[%add3A_41, %run_scoped3A, %dma_start3A_45] : memref<2500x2x128xi32, #tpu.memory_space<hbm>> -> memref<78x1x128xi32, #tpu.memory_space<hbm>>
        %dma_start3A_47 = tpu.memref_squeeze %dma_start3A_46 : memref<78x1x128xi32, #tpu.memory_space<hbm>> -> memref<78x128xi32, #tpu.memory_space<hbm>>
        %dma_start3A_48 = arith.constant 0 : i32
        %dma_start3A_49 = arith.constant 0 : i32
        %dma_start3A_50 = tpu.memref_slice %arg6[%dma_start3A_48, %dma_start3A_49] : memref<80x128xi32, #tpu.memory_space<vmem>> -> memref<78x128xi32, #tpu.memory_space<vmem>>
        %dma_start3A_51 = arith.constant 0 : i32
        %dma_start3A_52 = tpu.memref_slice %arg2[%add3A_41, %run_scoped3A, %dma_start3A_51] : memref<2500x2x128xi32, #tpu.memory_space<hbm>> -> memref<78x1x128xi32, #tpu.memory_space<hbm>>
        %dma_start3A_53 = tpu.memref_squeeze %dma_start3A_52 : memref<78x1x128xi32, #tpu.memory_space<hbm>> -> memref<78x128xi32, #tpu.memory_space<hbm>>
        tpu.enqueue_dma source(%dma_start3A_53 : memref<78x128xi32, #tpu.memory_space<hbm>>) target(%dma_start3A_50 : memref<78x128xi32, #tpu.memory_space<vmem>>) target_semaphore(%run_scoped3A_42 : memref<!tpu.dma_semaphore, #tpu.memory_space<semaphore_mem>>)
        %dma_wait3A = arith.constant 0 : i32
        %dma_wait3A_54 = arith.constant 0 : i32
        %dma_wait3A_55 = tpu.memref_slice %arg6[%dma_wait3A, %dma_wait3A_54] : memref<80x128xi32, #tpu.memory_space<vmem>> -> memref<78x128xi32, #tpu.memory_space<vmem>>
        %dma_wait3A_56 = arith.constant 0 : i32
        %dma_wait3A_57 = tpu.memref_slice %arg2[%add3A_41, %run_scoped3A, %dma_wait3A_56] : memref<2500x2x128xi32, #tpu.memory_space<hbm>> -> memref<78x1x128xi32, #tpu.memory_space<hbm>>
        %dma_wait3A_58 = tpu.memref_squeeze %dma_wait3A_57 : memref<78x1x128xi32, #tpu.memory_space<hbm>> -> memref<78x128xi32, #tpu.memory_space<hbm>>
        %dma_wait3A_59 = arith.constant 0 : i32
        %dma_wait3A_60 = arith.constant 0 : i32
        %dma_wait3A_61 = tpu.memref_slice %arg6[%dma_wait3A_59, %dma_wait3A_60] : memref<80x128xi32, #tpu.memory_space<vmem>> -> memref<78x128xi32, #tpu.memory_space<vmem>>
        %dma_wait3A_62 = arith.constant 0 : i32
        %dma_wait3A_63 = tpu.memref_slice %arg2[%add3A_41, %run_scoped3A, %dma_wait3A_62] : memref<2500x2x128xi32, #tpu.memory_space<hbm>> -> memref<78x1x128xi32, #tpu.memory_space<hbm>>
        %dma_wait3A_64 = tpu.memref_squeeze %dma_wait3A_63 : memref<78x1x128xi32, #tpu.memory_space<hbm>> -> memref<78x128xi32, #tpu.memory_space<hbm>>
        tpu.wait_dma2 semaphore(%run_scoped3A_42 : memref<!tpu.dma_semaphore, #tpu.memory_space<semaphore_mem>>) src(%dma_wait3A_64 : memref<78x128xi32, #tpu.memory_space<hbm>>) dst(%dma_wait3A_61 : memref<78x128xi32, #tpu.memory_space<vmem>>)
        tpu.yield
      }) : () -> ()
    } else {
    }
    "tpu.region"() ({
      %run_scoped3A = tpu.sem_alloc : memref<!tpu.dma_semaphore, #tpu.memory_space<semaphore_mem>>
      tpu.enqueue_dma source(%arg3 : memref<128x16xf32, #tpu.memory_space<hbm>>) target(%arg7 : memref<128x16xf32, #tpu.memory_space<vmem>>) target_semaphore(%run_scoped3A : memref<!tpu.dma_semaphore, #tpu.memory_space<semaphore_mem>>)
      tpu.wait_dma2 semaphore(%run_scoped3A : memref<!tpu.dma_semaphore, #tpu.memory_space<semaphore_mem>>) src(%arg3 : memref<128x16xf32, #tpu.memory_space<hbm>>) dst(%arg7 : memref<128x16xf32, #tpu.memory_space<vmem>>)
      tpu.yield
    }) : () -> ()
    %mul3A_10 = arith.constant 632 : i32
    %mul3A_11 = arith.muli %arg1, %mul3A_10 : i32
    %mul3A_12 = arith.constant 632 : i32
    %mul3A_13 = arith.muli %arg1, %mul3A_12 : i32
    "tpu.region"() ({
      %run_scoped3A = tpu.sem_alloc : memref<!tpu.dma_semaphore, #tpu.memory_space<semaphore_mem>>
      %dma_start3A = arith.constant 0 : i32
      %dma_start3A_38 = tpu.memref_slice %arg8[%mul3A_13, %dma_start3A] : memref<10112x16xf32, #tpu.memory_space<vmem_shared>> -> memref<632x16xf32, #tpu.memory_space<vmem_shared>>
      %dma_start3A_39 = arith.constant 0 : i32
      %dma_start3A_40 = tpu.memref_slice %arg4[%mul3A_11, %dma_start3A_39] : memref<10112x16xf32, #tpu.memory_space<hbm>> -> memref<632x16xf32, #tpu.memory_space<hbm>>
      tpu.enqueue_dma source(%dma_start3A_40 : memref<632x16xf32, #tpu.memory_space<hbm>>) target(%dma_start3A_38 : memref<632x16xf32, #tpu.memory_space<vmem_shared>>) target_semaphore(%run_scoped3A : memref<!tpu.dma_semaphore, #tpu.memory_space<semaphore_mem>>)
      %dma_wait3A = arith.constant 0 : i32
      %dma_wait3A_41 = tpu.memref_slice %arg8[%mul3A_13, %dma_wait3A] : memref<10112x16xf32, #tpu.memory_space<vmem_shared>> -> memref<632x16xf32, #tpu.memory_space<vmem_shared>>
      %dma_wait3A_42 = arith.constant 0 : i32
      %dma_wait3A_43 = tpu.memref_slice %arg4[%mul3A_11, %dma_wait3A_42] : memref<10112x16xf32, #tpu.memory_space<hbm>> -> memref<632x16xf32, #tpu.memory_space<hbm>>
      tpu.wait_dma2 semaphore(%run_scoped3A : memref<!tpu.dma_semaphore, #tpu.memory_space<semaphore_mem>>) src(%dma_wait3A_43 : memref<632x16xf32, #tpu.memory_space<hbm>>) dst(%dma_wait3A_41 : memref<632x16xf32, #tpu.memory_space<vmem_shared>>)
      tpu.yield
    }) : () -> ()
    %barrier3A = arith.constant 0 : index
    tpu.barrier barrier_id(%barrier3A)
    %while3A = arith.constant 0 : i32
    %while3A_14 = arith.constant 0 : i32
    %while3A_15 = arith.subi %select_n3A, %while3A_14 : i32
    %while3A_16 = arith.addi %while3A_14, %while3A_15 : i32
    %while3A_17 = arith.constant 1 : i32
    %while3A_18 = arith.divsi %while3A_15, %while3A_17 : i32
    %while3A_19 = arith.muli %while3A_18, %while3A_17 : i32
    %while3A_20 = arith.addi %while3A_14, %while3A_19 : i32
    %while3A_21 = arith.constant 1 : i32
    scf.for %while3A_38 = %while3A_14 to %while3A_20 step %while3A_21  : i32 {
      %ge3A = arith.constant 8 : i32
      %ge3A_39 = arith.cmpi sge, %while3A_38, %ge3A : i32
      %convert_element_type3A_40 = arith.extui %ge3A_39 : i1 to i32
      %cond3A_41 = arith.constant 0 : i32
      %cond3A_42 = arith.cmpi ne, %convert_element_type3A_40, %cond3A_41 : i32
      scf.if %cond3A_42 {
        %sub3A_48 = arith.constant 8 : i32
        %sub3A_49 = arith.subi %while3A_38, %sub3A_48 : i32
        %dma_wait3A = arith.constant 0 : i32
        %dma_wait3A_50 = tpu.memref_slice %arg6[%sub3A_49, %dma_wait3A] : memref<80x128xi32, #tpu.memory_space<vmem>> -> memref<1x128xi32, #tpu.memory_space<vmem>>
        %dma_wait3A_51 = tpu.memref_squeeze %dma_wait3A_50 : memref<1x128xi32, #tpu.memory_space<vmem>> -> memref<128xi32, #tpu.memory_space<vmem>>
        %dma_wait3A_52 = arith.constant 0 : i32
        %dma_wait3A_53 = arith.constant 0 : i32
        %dma_wait3A_54 = tpu.memref_slice %arg8[%dma_wait3A_52, %dma_wait3A_53] : memref<10112x16xf32, #tpu.memory_space<vmem_shared>> -> memref<10112x16xf32, #tpu.memory_space<vmem_shared>>
        tpu.wait_indirect_dma semaphore(%arg9 : memref<!tpu.dma_semaphore, #tpu.memory_space<semaphore_mem>>) src(%arg7 : memref<128x16xf32, #tpu.memory_space<vmem>>) dst(%dma_wait3A_54 : memref<10112x16xf32, #tpu.memory_space<vmem_shared>>)
      } else {
      }
      %dma_start3A = arith.constant 0 : i32
      %dma_start3A_43 = tpu.memref_slice %arg6[%while3A_38, %dma_start3A] : memref<80x128xi32, #tpu.memory_space<vmem>> -> memref<1x128xi32, #tpu.memory_space<vmem>>
      %dma_start3A_44 = tpu.memref_squeeze %dma_start3A_43 : memref<1x128xi32, #tpu.memory_space<vmem>> -> memref<128xi32, #tpu.memory_space<vmem>>
      %dma_start3A_45 = arith.constant 0 : i32
      %dma_start3A_46 = arith.constant 0 : i32
      %dma_start3A_47 = tpu.memref_slice %arg8[%dma_start3A_45, %dma_start3A_46] : memref<10112x16xf32, #tpu.memory_space<vmem_shared>> -> memref<10112x16xf32, #tpu.memory_space<vmem_shared>>
      tpu.enqueue_indirect_dma source(%arg7 : memref<128x16xf32, #tpu.memory_space<vmem>>) target(%dma_start3A_47 : memref<10112x16xf32, #tpu.memory_space<vmem_shared>>) offsets(%dma_start3A_44 : memref<128xi32, #tpu.memory_space<vmem>>) semaphore(%arg9 : memref<!tpu.dma_semaphore, #tpu.memory_space<semaphore_mem>>) {add = true}
    }
    %while3A_22 = arith.constant 1 : i32
    scf.for %while3A_38 = %while3A_20 to %while3A_16 step %while3A_22  : i32 {
      %ge3A = arith.constant 8 : i32
      %ge3A_39 = arith.cmpi sge, %while3A_38, %ge3A : i32
      %convert_element_type3A_40 = arith.extui %ge3A_39 : i1 to i32
      %cond3A_41 = arith.constant 0 : i32
      %cond3A_42 = arith.cmpi ne, %convert_element_type3A_40, %cond3A_41 : i32
      scf.if %cond3A_42 {
        %sub3A_48 = arith.constant 8 : i32
        %sub3A_49 = arith.subi %while3A_38, %sub3A_48 : i32
        %dma_wait3A = arith.constant 0 : i32
        %dma_wait3A_50 = tpu.memref_slice %arg6[%sub3A_49, %dma_wait3A] : memref<80x128xi32, #tpu.memory_space<vmem>> -> memref<1x128xi32, #tpu.memory_space<vmem>>
        %dma_wait3A_51 = tpu.memref_squeeze %dma_wait3A_50 : memref<1x128xi32, #tpu.memory_space<vmem>> -> memref<128xi32, #tpu.memory_space<vmem>>
        %dma_wait3A_52 = arith.constant 0 : i32
        %dma_wait3A_53 = arith.constant 0 : i32
        %dma_wait3A_54 = tpu.memref_slice %arg8[%dma_wait3A_52, %dma_wait3A_53] : memref<10112x16xf32, #tpu.memory_space<vmem_shared>> -> memref<10112x16xf32, #tpu.memory_space<vmem_shared>>
        tpu.wait_indirect_dma semaphore(%arg9 : memref<!tpu.dma_semaphore, #tpu.memory_space<semaphore_mem>>) src(%arg7 : memref<128x16xf32, #tpu.memory_space<vmem>>) dst(%dma_wait3A_54 : memref<10112x16xf32, #tpu.memory_space<vmem_shared>>)
      } else {
      }
      %dma_start3A = arith.constant 0 : i32
      %dma_start3A_43 = tpu.memref_slice %arg6[%while3A_38, %dma_start3A] : memref<80x128xi32, #tpu.memory_space<vmem>> -> memref<1x128xi32, #tpu.memory_space<vmem>>
      %dma_start3A_44 = tpu.memref_squeeze %dma_start3A_43 : memref<1x128xi32, #tpu.memory_space<vmem>> -> memref<128xi32, #tpu.memory_space<vmem>>
      %dma_start3A_45 = arith.constant 0 : i32
      %dma_start3A_46 = arith.constant 0 : i32
      %dma_start3A_47 = tpu.memref_slice %arg8[%dma_start3A_45, %dma_start3A_46] : memref<10112x16xf32, #tpu.memory_space<vmem_shared>> -> memref<10112x16xf32, #tpu.memory_space<vmem_shared>>
      tpu.enqueue_indirect_dma source(%arg7 : memref<128x16xf32, #tpu.memory_space<vmem>>) target(%dma_start3A_47 : memref<10112x16xf32, #tpu.memory_space<vmem_shared>>) offsets(%dma_start3A_44 : memref<128xi32, #tpu.memory_space<vmem>>) semaphore(%arg9 : memref<!tpu.dma_semaphore, #tpu.memory_space<semaphore_mem>>) {add = true}
    }
    %sub3A = arith.constant 8 : i32
    %sub3A_23 = arith.subi %select_n3A, %sub3A : i32
    %while3A_24 = arith.constant 0 : i32
    %while3A_25 = arith.subi %select_n3A, %sub3A_23 : i32
    %while3A_26 = arith.addi %sub3A_23, %while3A_25 : i32
    %while3A_27 = arith.constant 1 : i32
    %while3A_28 = arith.divsi %while3A_25, %while3A_27 : i32
    %while3A_29 = arith.muli %while3A_28, %while3A_27 : i32
    %while3A_30 = arith.addi %sub3A_23, %while3A_29 : i32
    %while3A_31 = arith.constant 1 : i32
    scf.for %while3A_38 = %sub3A_23 to %while3A_30 step %while3A_31  : i32 {
      %dma_wait3A = arith.constant 0 : i32
      %dma_wait3A_39 = tpu.memref_slice %arg6[%while3A_38, %dma_wait3A] : memref<80x128xi32, #tpu.memory_space<vmem>> -> memref<1x128xi32, #tpu.memory_space<vmem>>
      %dma_wait3A_40 = tpu.memref_squeeze %dma_wait3A_39 : memref<1x128xi32, #tpu.memory_space<vmem>> -> memref<128xi32, #tpu.memory_space<vmem>>
      %dma_wait3A_41 = arith.constant 0 : i32
      %dma_wait3A_42 = arith.constant 0 : i32
      %dma_wait3A_43 = tpu.memref_slice %arg8[%dma_wait3A_41, %dma_wait3A_42] : memref<10112x16xf32, #tpu.memory_space<vmem_shared>> -> memref<10112x16xf32, #tpu.memory_space<vmem_shared>>
      tpu.wait_indirect_dma semaphore(%arg9 : memref<!tpu.dma_semaphore, #tpu.memory_space<semaphore_mem>>) src(%arg7 : memref<128x16xf32, #tpu.memory_space<vmem>>) dst(%dma_wait3A_43 : memref<10112x16xf32, #tpu.memory_space<vmem_shared>>)
    }
    %while3A_32 = arith.constant 1 : i32
    scf.for %while3A_38 = %while3A_30 to %while3A_26 step %while3A_32  : i32 {
      %dma_wait3A = arith.constant 0 : i32
      %dma_wait3A_39 = tpu.memref_slice %arg6[%while3A_38, %dma_wait3A] : memref<80x128xi32, #tpu.memory_space<vmem>> -> memref<1x128xi32, #tpu.memory_space<vmem>>
      %dma_wait3A_40 = tpu.memref_squeeze %dma_wait3A_39 : memref<1x128xi32, #tpu.memory_space<vmem>> -> memref<128xi32, #tpu.memory_space<vmem>>
      %dma_wait3A_41 = arith.constant 0 : i32
      %dma_wait3A_42 = arith.constant 0 : i32
      %dma_wait3A_43 = tpu.memref_slice %arg8[%dma_wait3A_41, %dma_wait3A_42] : memref<10112x16xf32, #tpu.memory_space<vmem_shared>> -> memref<10112x16xf32, #tpu.memory_space<vmem_shared>>
      tpu.wait_indirect_dma semaphore(%arg9 : memref<!tpu.dma_semaphore, #tpu.memory_space<semaphore_mem>>) src(%arg7 : memref<128x16xf32, #tpu.memory_space<vmem>>) dst(%dma_wait3A_43 : memref<10112x16xf32, #tpu.memory_space<vmem_shared>>)
    }
    %barrier3A_33 = arith.constant 0 : index
    tpu.barrier barrier_id(%barrier3A_33)
    %mul3A_34 = arith.constant 632 : i32
    %mul3A_35 = arith.muli %arg1, %mul3A_34 : i32
    %mul3A_36 = arith.constant 632 : i32
    %mul3A_37 = arith.muli %arg1, %mul3A_36 : i32
    "tpu.region"() ({
      %run_scoped3A = tpu.sem_alloc : memref<!tpu.dma_semaphore, #tpu.memory_space<semaphore_mem>>
      %dma_start3A = arith.constant 0 : i32
      %dma_start3A_38 = tpu.memref_slice %arg5[%arg0, %mul3A_37, %dma_start3A] : memref<2x10112x16xf32, #tpu.memory_space<hbm>> -> memref<1x632x16xf32, #tpu.memory_space<hbm>>
      %dma_start3A_39 = tpu.memref_squeeze %dma_start3A_38 : memref<1x632x16xf32, #tpu.memory_space<hbm>> -> memref<632x16xf32, #tpu.memory_space<hbm>>
      %dma_start3A_40 = arith.constant 0 : i32
      %dma_start3A_41 = tpu.memref_slice %arg8[%mul3A_35, %dma_start3A_40] : memref<10112x16xf32, #tpu.memory_space<vmem_shared>> -> memref<632x16xf32, #tpu.memory_space<vmem_shared>>
      tpu.enqueue_dma source(%dma_start3A_41 : memref<632x16xf32, #tpu.memory_space<vmem_shared>>) target(%dma_start3A_39 : memref<632x16xf32, #tpu.memory_space<hbm>>) target_semaphore(%run_scoped3A : memref<!tpu.dma_semaphore, #tpu.memory_space<semaphore_mem>>)
      %dma_wait3A = arith.constant 0 : i32
      %dma_wait3A_42 = tpu.memref_slice %arg5[%arg0, %mul3A_37, %dma_wait3A] : memref<2x10112x16xf32, #tpu.memory_space<hbm>> -> memref<1x632x16xf32, #tpu.memory_space<hbm>>
      %dma_wait3A_43 = tpu.memref_squeeze %dma_wait3A_42 : memref<1x632x16xf32, #tpu.memory_space<hbm>> -> memref<632x16xf32, #tpu.memory_space<hbm>>
      %dma_wait3A_44 = arith.constant 0 : i32
      %dma_wait3A_45 = tpu.memref_slice %arg8[%mul3A_35, %dma_wait3A_44] : memref<10112x16xf32, #tpu.memory_space<vmem_shared>> -> memref<632x16xf32, #tpu.memory_space<vmem_shared>>
      tpu.wait_dma2 semaphore(%run_scoped3A : memref<!tpu.dma_semaphore, #tpu.memory_space<semaphore_mem>>) src(%dma_wait3A_45 : memref<632x16xf32, #tpu.memory_space<vmem_shared>>) dst(%dma_wait3A_43 : memref<632x16xf32, #tpu.memory_space<hbm>>)
      tpu.yield
    }) : () -> ()
    return
  }
}

#map = affine_map<(d0, d1) -> (0, 0)>
#map1 = affine_map<(d0, d1) -> (0, 0, 0)>
module attributes {stable_mosaic.version = 14 : i64} {
  func.func @_agg_body(%arg0: i32, %arg1: i32, %arg2: memref<10112x16xf32, #tpu.memory_space<hbm>>, %arg3: memref<2500x2x128xi32, #tpu.memory_space<hbm>>, %arg4: memref<10112x16xf32, #tpu.memory_space<hbm>>, %arg5: memref<2x10112x16xf32, #tpu.memory_space<hbm>>, %arg6: memref<80x128xi32, #tpu.memory_space<vmem>>, %arg7: memref<80x128xi32, #tpu.memory_space<vmem>>, %arg8: memref<24x128x16xf32, #tpu.memory_space<vmem>>, %arg9: memref<10112x16xf32, #tpu.memory_space<vmem_shared>>, %arg10: memref<!tpu.dma_semaphore, #tpu.memory_space<semaphore_mem>>, %arg11: memref<!tpu.dma_semaphore, #tpu.memory_space<semaphore_mem>>) attributes {dimension_semantics = [#tpu.dimension_semantics<core_parallel>, #tpu.dimension_semantics<subcore_parallel>], iteration_bounds = array<i64: 2, 16>, scalar_prefetch = 0 : i64, scratch_operands = 6 : i64, tpu.core_type = #tpu.core_type<sc_vector_subcore>, window_params = [{transform_indices = #map}, {transform_indices = #map1}, {transform_indices = #map}, {transform_indices = #map1}]} {
    %eq3A = arith.constant 0 : i32
    %eq3A_0 = arith.cmpi eq, %arg1, %eq3A : i32
    %jit3A = arith.constant 80 : i32
    %jit3A_1 = arith.constant 78 : i32
    %select_n3A = arith.select %eq3A_0, %jit3A, %jit3A_1 : i32
    %mul3A = arith.constant 1250 : i32
    %mul3A_2 = arith.muli %arg0, %mul3A : i32
    %eq3A_3 = arith.constant 0 : i32
    %eq3A_4 = arith.cmpi eq, %arg1, %eq3A_3 : i32
    %convert_element_type3A = arith.extui %eq3A_4 : i1 to i32
    %cond3A = arith.constant 0 : i32
    %cond3A_5 = arith.cmpi ne, %convert_element_type3A, %cond3A : i32
    scf.if %cond3A_5 {
      %run_scoped3A = arith.constant 0 : i32
      "tpu.region"() ({
        %run_scoped3A_241 = tpu.sem_alloc : memref<!tpu.dma_semaphore, #tpu.memory_space<semaphore_mem>>
        %dma_start3A_242 = arith.constant 0 : i32
        %dma_start3A_243 = arith.constant 0 : i32
        %dma_start3A_244 = tpu.memref_slice %arg6[%dma_start3A_242, %dma_start3A_243] : memref<80x128xi32, #tpu.memory_space<vmem>> -> memref<80x128xi32, #tpu.memory_space<vmem>>
        %dma_start3A_245 = arith.constant 0 : i32
        %dma_start3A_246 = tpu.memref_slice %arg3[%mul3A_2, %run_scoped3A, %dma_start3A_245] : memref<2500x2x128xi32, #tpu.memory_space<hbm>> -> memref<80x1x128xi32, #tpu.memory_space<hbm>>
        %dma_start3A_247 = tpu.memref_squeeze %dma_start3A_246 : memref<80x1x128xi32, #tpu.memory_space<hbm>> -> memref<80x128xi32, #tpu.memory_space<hbm>>
        %dma_start3A_248 = arith.constant 0 : i32
        %dma_start3A_249 = arith.constant 0 : i32
        %dma_start3A_250 = tpu.memref_slice %arg6[%dma_start3A_248, %dma_start3A_249] : memref<80x128xi32, #tpu.memory_space<vmem>> -> memref<80x128xi32, #tpu.memory_space<vmem>>
        %dma_start3A_251 = arith.constant 0 : i32
        %dma_start3A_252 = tpu.memref_slice %arg3[%mul3A_2, %run_scoped3A, %dma_start3A_251] : memref<2500x2x128xi32, #tpu.memory_space<hbm>> -> memref<80x1x128xi32, #tpu.memory_space<hbm>>
        %dma_start3A_253 = tpu.memref_squeeze %dma_start3A_252 : memref<80x1x128xi32, #tpu.memory_space<hbm>> -> memref<80x128xi32, #tpu.memory_space<hbm>>
        tpu.enqueue_dma source(%dma_start3A_253 : memref<80x128xi32, #tpu.memory_space<hbm>>) target(%dma_start3A_250 : memref<80x128xi32, #tpu.memory_space<vmem>>) target_semaphore(%run_scoped3A_241 : memref<!tpu.dma_semaphore, #tpu.memory_space<semaphore_mem>>)
        %dma_wait3A = arith.constant 0 : i32
        %dma_wait3A_254 = arith.constant 0 : i32
        %dma_wait3A_255 = tpu.memref_slice %arg6[%dma_wait3A, %dma_wait3A_254] : memref<80x128xi32, #tpu.memory_space<vmem>> -> memref<80x128xi32, #tpu.memory_space<vmem>>
        %dma_wait3A_256 = arith.constant 0 : i32
        %dma_wait3A_257 = tpu.memref_slice %arg3[%mul3A_2, %run_scoped3A, %dma_wait3A_256] : memref<2500x2x128xi32, #tpu.memory_space<hbm>> -> memref<80x1x128xi32, #tpu.memory_space<hbm>>
        %dma_wait3A_258 = tpu.memref_squeeze %dma_wait3A_257 : memref<80x1x128xi32, #tpu.memory_space<hbm>> -> memref<80x128xi32, #tpu.memory_space<hbm>>
        %dma_wait3A_259 = arith.constant 0 : i32
        %dma_wait3A_260 = arith.constant 0 : i32
        %dma_wait3A_261 = tpu.memref_slice %arg6[%dma_wait3A_259, %dma_wait3A_260] : memref<80x128xi32, #tpu.memory_space<vmem>> -> memref<80x128xi32, #tpu.memory_space<vmem>>
        %dma_wait3A_262 = arith.constant 0 : i32
        %dma_wait3A_263 = tpu.memref_slice %arg3[%mul3A_2, %run_scoped3A, %dma_wait3A_262] : memref<2500x2x128xi32, #tpu.memory_space<hbm>> -> memref<80x1x128xi32, #tpu.memory_space<hbm>>
        %dma_wait3A_264 = tpu.memref_squeeze %dma_wait3A_263 : memref<80x1x128xi32, #tpu.memory_space<hbm>> -> memref<80x128xi32, #tpu.memory_space<hbm>>
        tpu.wait_dma2 semaphore(%run_scoped3A_241 : memref<!tpu.dma_semaphore, #tpu.memory_space<semaphore_mem>>) src(%dma_wait3A_264 : memref<80x128xi32, #tpu.memory_space<hbm>>) dst(%dma_wait3A_261 : memref<80x128xi32, #tpu.memory_space<vmem>>)
        tpu.yield
      }) : () -> ()
    } else {
    }
    %gt3A = arith.constant 0 : i32
    %gt3A_6 = arith.cmpi sgt, %arg1, %gt3A : i32
    %convert_element_type3A_7 = arith.extui %gt3A_6 : i1 to i32
    %cond3A_8 = arith.constant 0 : i32
    %cond3A_9 = arith.cmpi ne, %convert_element_type3A_7, %cond3A_8 : i32
    scf.if %cond3A_9 {
      %mul3A_241 = arith.constant 78 : i32
      %mul3A_242 = arith.muli %arg1, %mul3A_241 : i32
      %add3A = arith.addi %mul3A_2, %mul3A_242 : i32
      %add3A_243 = arith.constant 2 : i32
      %add3A_244 = arith.addi %add3A, %add3A_243 : i32
      %run_scoped3A = arith.constant 0 : i32
      "tpu.region"() ({
        %run_scoped3A_245 = tpu.sem_alloc : memref<!tpu.dma_semaphore, #tpu.memory_space<semaphore_mem>>
        %dma_start3A_246 = arith.constant 0 : i32
        %dma_start3A_247 = arith.constant 0 : i32
        %dma_start3A_248 = tpu.memref_slice %arg6[%dma_start3A_246, %dma_start3A_247] : memref<80x128xi32, #tpu.memory_space<vmem>> -> memref<78x128xi32, #tpu.memory_space<vmem>>
        %dma_start3A_249 = arith.constant 0 : i32
        %dma_start3A_250 = tpu.memref_slice %arg3[%add3A_244, %run_scoped3A, %dma_start3A_249] : memref<2500x2x128xi32, #tpu.memory_space<hbm>> -> memref<78x1x128xi32, #tpu.memory_space<hbm>>
        %dma_start3A_251 = tpu.memref_squeeze %dma_start3A_250 : memref<78x1x128xi32, #tpu.memory_space<hbm>> -> memref<78x128xi32, #tpu.memory_space<hbm>>
        %dma_start3A_252 = arith.constant 0 : i32
        %dma_start3A_253 = arith.constant 0 : i32
        %dma_start3A_254 = tpu.memref_slice %arg6[%dma_start3A_252, %dma_start3A_253] : memref<80x128xi32, #tpu.memory_space<vmem>> -> memref<78x128xi32, #tpu.memory_space<vmem>>
        %dma_start3A_255 = arith.constant 0 : i32
        %dma_start3A_256 = tpu.memref_slice %arg3[%add3A_244, %run_scoped3A, %dma_start3A_255] : memref<2500x2x128xi32, #tpu.memory_space<hbm>> -> memref<78x1x128xi32, #tpu.memory_space<hbm>>
        %dma_start3A_257 = tpu.memref_squeeze %dma_start3A_256 : memref<78x1x128xi32, #tpu.memory_space<hbm>> -> memref<78x128xi32, #tpu.memory_space<hbm>>
        tpu.enqueue_dma source(%dma_start3A_257 : memref<78x128xi32, #tpu.memory_space<hbm>>) target(%dma_start3A_254 : memref<78x128xi32, #tpu.memory_space<vmem>>) target_semaphore(%run_scoped3A_245 : memref<!tpu.dma_semaphore, #tpu.memory_space<semaphore_mem>>)
        %dma_wait3A = arith.constant 0 : i32
        %dma_wait3A_258 = arith.constant 0 : i32
        %dma_wait3A_259 = tpu.memref_slice %arg6[%dma_wait3A, %dma_wait3A_258] : memref<80x128xi32, #tpu.memory_space<vmem>> -> memref<78x128xi32, #tpu.memory_space<vmem>>
        %dma_wait3A_260 = arith.constant 0 : i32
        %dma_wait3A_261 = tpu.memref_slice %arg3[%add3A_244, %run_scoped3A, %dma_wait3A_260] : memref<2500x2x128xi32, #tpu.memory_space<hbm>> -> memref<78x1x128xi32, #tpu.memory_space<hbm>>
        %dma_wait3A_262 = tpu.memref_squeeze %dma_wait3A_261 : memref<78x1x128xi32, #tpu.memory_space<hbm>> -> memref<78x128xi32, #tpu.memory_space<hbm>>
        %dma_wait3A_263 = arith.constant 0 : i32
        %dma_wait3A_264 = arith.constant 0 : i32
        %dma_wait3A_265 = tpu.memref_slice %arg6[%dma_wait3A_263, %dma_wait3A_264] : memref<80x128xi32, #tpu.memory_space<vmem>> -> memref<78x128xi32, #tpu.memory_space<vmem>>
        %dma_wait3A_266 = arith.constant 0 : i32
        %dma_wait3A_267 = tpu.memref_slice %arg3[%add3A_244, %run_scoped3A, %dma_wait3A_266] : memref<2500x2x128xi32, #tpu.memory_space<hbm>> -> memref<78x1x128xi32, #tpu.memory_space<hbm>>
        %dma_wait3A_268 = tpu.memref_squeeze %dma_wait3A_267 : memref<78x1x128xi32, #tpu.memory_space<hbm>> -> memref<78x128xi32, #tpu.memory_space<hbm>>
        tpu.wait_dma2 semaphore(%run_scoped3A_245 : memref<!tpu.dma_semaphore, #tpu.memory_space<semaphore_mem>>) src(%dma_wait3A_268 : memref<78x128xi32, #tpu.memory_space<hbm>>) dst(%dma_wait3A_265 : memref<78x128xi32, #tpu.memory_space<vmem>>)
        tpu.yield
      }) : () -> ()
    } else {
    }
    %mul3A_10 = arith.constant 1250 : i32
    %mul3A_11 = arith.muli %arg0, %mul3A_10 : i32
    %eq3A_12 = arith.constant 0 : i32
    %eq3A_13 = arith.cmpi eq, %arg1, %eq3A_12 : i32
    %convert_element_type3A_14 = arith.extui %eq3A_13 : i1 to i32
    %cond3A_15 = arith.constant 0 : i32
    %cond3A_16 = arith.cmpi ne, %convert_element_type3A_14, %cond3A_15 : i32
    scf.if %cond3A_16 {
      %run_scoped3A = arith.constant 1 : i32
      "tpu.region"() ({
        %run_scoped3A_241 = tpu.sem_alloc : memref<!tpu.dma_semaphore, #tpu.memory_space<semaphore_mem>>
        %dma_start3A_242 = arith.constant 0 : i32
        %dma_start3A_243 = arith.constant 0 : i32
        %dma_start3A_244 = tpu.memref_slice %arg7[%dma_start3A_242, %dma_start3A_243] : memref<80x128xi32, #tpu.memory_space<vmem>> -> memref<80x128xi32, #tpu.memory_space<vmem>>
        %dma_start3A_245 = arith.constant 0 : i32
        %dma_start3A_246 = tpu.memref_slice %arg3[%mul3A_11, %run_scoped3A, %dma_start3A_245] : memref<2500x2x128xi32, #tpu.memory_space<hbm>> -> memref<80x1x128xi32, #tpu.memory_space<hbm>>
        %dma_start3A_247 = tpu.memref_squeeze %dma_start3A_246 : memref<80x1x128xi32, #tpu.memory_space<hbm>> -> memref<80x128xi32, #tpu.memory_space<hbm>>
        %dma_start3A_248 = arith.constant 0 : i32
        %dma_start3A_249 = arith.constant 0 : i32
        %dma_start3A_250 = tpu.memref_slice %arg7[%dma_start3A_248, %dma_start3A_249] : memref<80x128xi32, #tpu.memory_space<vmem>> -> memref<80x128xi32, #tpu.memory_space<vmem>>
        %dma_start3A_251 = arith.constant 0 : i32
        %dma_start3A_252 = tpu.memref_slice %arg3[%mul3A_11, %run_scoped3A, %dma_start3A_251] : memref<2500x2x128xi32, #tpu.memory_space<hbm>> -> memref<80x1x128xi32, #tpu.memory_space<hbm>>
        %dma_start3A_253 = tpu.memref_squeeze %dma_start3A_252 : memref<80x1x128xi32, #tpu.memory_space<hbm>> -> memref<80x128xi32, #tpu.memory_space<hbm>>
        tpu.enqueue_dma source(%dma_start3A_253 : memref<80x128xi32, #tpu.memory_space<hbm>>) target(%dma_start3A_250 : memref<80x128xi32, #tpu.memory_space<vmem>>) target_semaphore(%run_scoped3A_241 : memref<!tpu.dma_semaphore, #tpu.memory_space<semaphore_mem>>)
        %dma_wait3A = arith.constant 0 : i32
        %dma_wait3A_254 = arith.constant 0 : i32
        %dma_wait3A_255 = tpu.memref_slice %arg7[%dma_wait3A, %dma_wait3A_254] : memref<80x128xi32, #tpu.memory_space<vmem>> -> memref<80x128xi32, #tpu.memory_space<vmem>>
        %dma_wait3A_256 = arith.constant 0 : i32
        %dma_wait3A_257 = tpu.memref_slice %arg3[%mul3A_11, %run_scoped3A, %dma_wait3A_256] : memref<2500x2x128xi32, #tpu.memory_space<hbm>> -> memref<80x1x128xi32, #tpu.memory_space<hbm>>
        %dma_wait3A_258 = tpu.memref_squeeze %dma_wait3A_257 : memref<80x1x128xi32, #tpu.memory_space<hbm>> -> memref<80x128xi32, #tpu.memory_space<hbm>>
        %dma_wait3A_259 = arith.constant 0 : i32
        %dma_wait3A_260 = arith.constant 0 : i32
        %dma_wait3A_261 = tpu.memref_slice %arg7[%dma_wait3A_259, %dma_wait3A_260] : memref<80x128xi32, #tpu.memory_space<vmem>> -> memref<80x128xi32, #tpu.memory_space<vmem>>
        %dma_wait3A_262 = arith.constant 0 : i32
        %dma_wait3A_263 = tpu.memref_slice %arg3[%mul3A_11, %run_scoped3A, %dma_wait3A_262] : memref<2500x2x128xi32, #tpu.memory_space<hbm>> -> memref<80x1x128xi32, #tpu.memory_space<hbm>>
        %dma_wait3A_264 = tpu.memref_squeeze %dma_wait3A_263 : memref<80x1x128xi32, #tpu.memory_space<hbm>> -> memref<80x128xi32, #tpu.memory_space<hbm>>
        tpu.wait_dma2 semaphore(%run_scoped3A_241 : memref<!tpu.dma_semaphore, #tpu.memory_space<semaphore_mem>>) src(%dma_wait3A_264 : memref<80x128xi32, #tpu.memory_space<hbm>>) dst(%dma_wait3A_261 : memref<80x128xi32, #tpu.memory_space<vmem>>)
        tpu.yield
      }) : () -> ()
    } else {
    }
    %gt3A_17 = arith.constant 0 : i32
    %gt3A_18 = arith.cmpi sgt, %arg1, %gt3A_17 : i32
    %convert_element_type3A_19 = arith.extui %gt3A_18 : i1 to i32
    %cond3A_20 = arith.constant 0 : i32
    %cond3A_21 = arith.cmpi ne, %convert_element_type3A_19, %cond3A_20 : i32
    scf.if %cond3A_21 {
      %mul3A_241 = arith.constant 78 : i32
      %mul3A_242 = arith.muli %arg1, %mul3A_241 : i32
      %add3A = arith.addi %mul3A_11, %mul3A_242 : i32
      %add3A_243 = arith.constant 2 : i32
      %add3A_244 = arith.addi %add3A, %add3A_243 : i32
      %run_scoped3A = arith.constant 1 : i32
      "tpu.region"() ({
        %run_scoped3A_245 = tpu.sem_alloc : memref<!tpu.dma_semaphore, #tpu.memory_space<semaphore_mem>>
        %dma_start3A_246 = arith.constant 0 : i32
        %dma_start3A_247 = arith.constant 0 : i32
        %dma_start3A_248 = tpu.memref_slice %arg7[%dma_start3A_246, %dma_start3A_247] : memref<80x128xi32, #tpu.memory_space<vmem>> -> memref<78x128xi32, #tpu.memory_space<vmem>>
        %dma_start3A_249 = arith.constant 0 : i32
        %dma_start3A_250 = tpu.memref_slice %arg3[%add3A_244, %run_scoped3A, %dma_start3A_249] : memref<2500x2x128xi32, #tpu.memory_space<hbm>> -> memref<78x1x128xi32, #tpu.memory_space<hbm>>
        %dma_start3A_251 = tpu.memref_squeeze %dma_start3A_250 : memref<78x1x128xi32, #tpu.memory_space<hbm>> -> memref<78x128xi32, #tpu.memory_space<hbm>>
        %dma_start3A_252 = arith.constant 0 : i32
        %dma_start3A_253 = arith.constant 0 : i32
        %dma_start3A_254 = tpu.memref_slice %arg7[%dma_start3A_252, %dma_start3A_253] : memref<80x128xi32, #tpu.memory_space<vmem>> -> memref<78x128xi32, #tpu.memory_space<vmem>>
        %dma_start3A_255 = arith.constant 0 : i32
        %dma_start3A_256 = tpu.memref_slice %arg3[%add3A_244, %run_scoped3A, %dma_start3A_255] : memref<2500x2x128xi32, #tpu.memory_space<hbm>> -> memref<78x1x128xi32, #tpu.memory_space<hbm>>
        %dma_start3A_257 = tpu.memref_squeeze %dma_start3A_256 : memref<78x1x128xi32, #tpu.memory_space<hbm>> -> memref<78x128xi32, #tpu.memory_space<hbm>>
        tpu.enqueue_dma source(%dma_start3A_257 : memref<78x128xi32, #tpu.memory_space<hbm>>) target(%dma_start3A_254 : memref<78x128xi32, #tpu.memory_space<vmem>>) target_semaphore(%run_scoped3A_245 : memref<!tpu.dma_semaphore, #tpu.memory_space<semaphore_mem>>)
        %dma_wait3A = arith.constant 0 : i32
        %dma_wait3A_258 = arith.constant 0 : i32
        %dma_wait3A_259 = tpu.memref_slice %arg7[%dma_wait3A, %dma_wait3A_258] : memref<80x128xi32, #tpu.memory_space<vmem>> -> memref<78x128xi32, #tpu.memory_space<vmem>>
        %dma_wait3A_260 = arith.constant 0 : i32
        %dma_wait3A_261 = tpu.memref_slice %arg3[%add3A_244, %run_scoped3A, %dma_wait3A_260] : memref<2500x2x128xi32, #tpu.memory_space<hbm>> -> memref<78x1x128xi32, #tpu.memory_space<hbm>>
        %dma_wait3A_262 = tpu.memref_squeeze %dma_wait3A_261 : memref<78x1x128xi32, #tpu.memory_space<hbm>> -> memref<78x128xi32, #tpu.memory_space<hbm>>
        %dma_wait3A_263 = arith.constant 0 : i32
        %dma_wait3A_264 = arith.constant 0 : i32
        %dma_wait3A_265 = tpu.memref_slice %arg7[%dma_wait3A_263, %dma_wait3A_264] : memref<80x128xi32, #tpu.memory_space<vmem>> -> memref<78x128xi32, #tpu.memory_space<vmem>>
        %dma_wait3A_266 = arith.constant 0 : i32
        %dma_wait3A_267 = tpu.memref_slice %arg3[%add3A_244, %run_scoped3A, %dma_wait3A_266] : memref<2500x2x128xi32, #tpu.memory_space<hbm>> -> memref<78x1x128xi32, #tpu.memory_space<hbm>>
        %dma_wait3A_268 = tpu.memref_squeeze %dma_wait3A_267 : memref<78x1x128xi32, #tpu.memory_space<hbm>> -> memref<78x128xi32, #tpu.memory_space<hbm>>
        tpu.wait_dma2 semaphore(%run_scoped3A_245 : memref<!tpu.dma_semaphore, #tpu.memory_space<semaphore_mem>>) src(%dma_wait3A_268 : memref<78x128xi32, #tpu.memory_space<hbm>>) dst(%dma_wait3A_265 : memref<78x128xi32, #tpu.memory_space<vmem>>)
        tpu.yield
      }) : () -> ()
    } else {
    }
    %mul3A_22 = arith.constant 632 : i32
    %mul3A_23 = arith.muli %arg1, %mul3A_22 : i32
    %mul3A_24 = arith.constant 632 : i32
    %mul3A_25 = arith.muli %arg1, %mul3A_24 : i32
    "tpu.region"() ({
      %run_scoped3A = tpu.sem_alloc : memref<!tpu.dma_semaphore, #tpu.memory_space<semaphore_mem>>
      %dma_start3A_241 = arith.constant 0 : i32
      %dma_start3A_242 = tpu.memref_slice %arg9[%mul3A_25, %dma_start3A_241] : memref<10112x16xf32, #tpu.memory_space<vmem_shared>> -> memref<632x16xf32, #tpu.memory_space<vmem_shared>>
      %dma_start3A_243 = arith.constant 0 : i32
      %dma_start3A_244 = tpu.memref_slice %arg4[%mul3A_23, %dma_start3A_243] : memref<10112x16xf32, #tpu.memory_space<hbm>> -> memref<632x16xf32, #tpu.memory_space<hbm>>
      tpu.enqueue_dma source(%dma_start3A_244 : memref<632x16xf32, #tpu.memory_space<hbm>>) target(%dma_start3A_242 : memref<632x16xf32, #tpu.memory_space<vmem_shared>>) target_semaphore(%run_scoped3A : memref<!tpu.dma_semaphore, #tpu.memory_space<semaphore_mem>>)
      %dma_wait3A = arith.constant 0 : i32
      %dma_wait3A_245 = tpu.memref_slice %arg9[%mul3A_25, %dma_wait3A] : memref<10112x16xf32, #tpu.memory_space<vmem_shared>> -> memref<632x16xf32, #tpu.memory_space<vmem_shared>>
      %dma_wait3A_246 = arith.constant 0 : i32
      %dma_wait3A_247 = tpu.memref_slice %arg4[%mul3A_23, %dma_wait3A_246] : memref<10112x16xf32, #tpu.memory_space<hbm>> -> memref<632x16xf32, #tpu.memory_space<hbm>>
      tpu.wait_dma2 semaphore(%run_scoped3A : memref<!tpu.dma_semaphore, #tpu.memory_space<semaphore_mem>>) src(%dma_wait3A_247 : memref<632x16xf32, #tpu.memory_space<hbm>>) dst(%dma_wait3A_245 : memref<632x16xf32, #tpu.memory_space<vmem_shared>>)
      tpu.yield
    }) : () -> ()
    %barrier3A = arith.constant 0 : index
    tpu.barrier barrier_id(%barrier3A)
    %dma_start3A = arith.constant 0 : i32
    %dma_start3A_26 = arith.constant 0 : i32
    %dma_start3A_27 = arith.constant 0 : i32
    %dma_start3A_28 = arith.constant 0 : i32
    %dma_start3A_29 = tpu.memref_slice %arg8[%dma_start3A_26, %dma_start3A_27, %dma_start3A_28] : memref<24x128x16xf32, #tpu.memory_space<vmem>> -> memref<1x128x16xf32, #tpu.memory_space<vmem>>
    %dma_start3A_30 = tpu.memref_squeeze %dma_start3A_29 : memref<1x128x16xf32, #tpu.memory_space<vmem>> -> memref<128x16xf32, #tpu.memory_space<vmem>>
    %dma_start3A_31 = arith.constant 0 : i32
    %dma_start3A_32 = tpu.memref_slice %arg6[%dma_start3A, %dma_start3A_31] : memref<80x128xi32, #tpu.memory_space<vmem>> -> memref<1x128xi32, #tpu.memory_space<vmem>>
    %dma_start3A_33 = tpu.memref_squeeze %dma_start3A_32 : memref<1x128xi32, #tpu.memory_space<vmem>> -> memref<128xi32, #tpu.memory_space<vmem>>
    %dma_start3A_34 = arith.constant 0 : i32
    %dma_start3A_35 = arith.constant 0 : i32
    %dma_start3A_36 = tpu.memref_slice %arg2[%dma_start3A_34, %dma_start3A_35] : memref<10112x16xf32, #tpu.memory_space<hbm>> -> memref<10112x16xf32, #tpu.memory_space<hbm>>
    tpu.enqueue_indirect_dma source(%dma_start3A_36 : memref<10112x16xf32, #tpu.memory_space<hbm>>) target(%dma_start3A_30 : memref<128x16xf32, #tpu.memory_space<vmem>>) offsets(%dma_start3A_33 : memref<128xi32, #tpu.memory_space<vmem>>) semaphore(%arg10 : memref<!tpu.dma_semaphore, #tpu.memory_space<semaphore_mem>>)
    %dma_start3A_37 = arith.constant 1 : i32
    %dma_start3A_38 = arith.constant 1 : i32
    %dma_start3A_39 = arith.constant 0 : i32
    %dma_start3A_40 = arith.constant 0 : i32
    %dma_start3A_41 = tpu.memref_slice %arg8[%dma_start3A_38, %dma_start3A_39, %dma_start3A_40] : memref<24x128x16xf32, #tpu.memory_space<vmem>> -> memref<1x128x16xf32, #tpu.memory_space<vmem>>
    %dma_start3A_42 = tpu.memref_squeeze %dma_start3A_41 : memref<1x128x16xf32, #tpu.memory_space<vmem>> -> memref<128x16xf32, #tpu.memory_space<vmem>>
    %dma_start3A_43 = arith.constant 0 : i32
    %dma_start3A_44 = tpu.memref_slice %arg6[%dma_start3A_37, %dma_start3A_43] : memref<80x128xi32, #tpu.memory_space<vmem>> -> memref<1x128xi32, #tpu.memory_space<vmem>>
    %dma_start3A_45 = tpu.memref_squeeze %dma_start3A_44 : memref<1x128xi32, #tpu.memory_space<vmem>> -> memref<128xi32, #tpu.memory_space<vmem>>
    %dma_start3A_46 = arith.constant 0 : i32
    %dma_start3A_47 = arith.constant 0 : i32
    %dma_start3A_48 = tpu.memref_slice %arg2[%dma_start3A_46, %dma_start3A_47] : memref<10112x16xf32, #tpu.memory_space<hbm>> -> memref<10112x16xf32, #tpu.memory_space<hbm>>
    tpu.enqueue_indirect_dma source(%dma_start3A_48 : memref<10112x16xf32, #tpu.memory_space<hbm>>) target(%dma_start3A_42 : memref<128x16xf32, #tpu.memory_space<vmem>>) offsets(%dma_start3A_45 : memref<128xi32, #tpu.memory_space<vmem>>) semaphore(%arg10 : memref<!tpu.dma_semaphore, #tpu.memory_space<semaphore_mem>>)
    %dma_start3A_49 = arith.constant 2 : i32
    %dma_start3A_50 = arith.constant 2 : i32
    %dma_start3A_51 = arith.constant 0 : i32
    %dma_start3A_52 = arith.constant 0 : i32
    %dma_start3A_53 = tpu.memref_slice %arg8[%dma_start3A_50, %dma_start3A_51, %dma_start3A_52] : memref<24x128x16xf32, #tpu.memory_space<vmem>> -> memref<1x128x16xf32, #tpu.memory_space<vmem>>
    %dma_start3A_54 = tpu.memref_squeeze %dma_start3A_53 : memref<1x128x16xf32, #tpu.memory_space<vmem>> -> memref<128x16xf32, #tpu.memory_space<vmem>>
    %dma_start3A_55 = arith.constant 0 : i32
    %dma_start3A_56 = tpu.memref_slice %arg6[%dma_start3A_49, %dma_start3A_55] : memref<80x128xi32, #tpu.memory_space<vmem>> -> memref<1x128xi32, #tpu.memory_space<vmem>>
    %dma_start3A_57 = tpu.memref_squeeze %dma_start3A_56 : memref<1x128xi32, #tpu.memory_space<vmem>> -> memref<128xi32, #tpu.memory_space<vmem>>
    %dma_start3A_58 = arith.constant 0 : i32
    %dma_start3A_59 = arith.constant 0 : i32
    %dma_start3A_60 = tpu.memref_slice %arg2[%dma_start3A_58, %dma_start3A_59] : memref<10112x16xf32, #tpu.memory_space<hbm>> -> memref<10112x16xf32, #tpu.memory_space<hbm>>
    tpu.enqueue_indirect_dma source(%dma_start3A_60 : memref<10112x16xf32, #tpu.memory_space<hbm>>) target(%dma_start3A_54 : memref<128x16xf32, #tpu.memory_space<vmem>>) offsets(%dma_start3A_57 : memref<128xi32, #tpu.memory_space<vmem>>) semaphore(%arg10 : memref<!tpu.dma_semaphore, #tpu.memory_space<semaphore_mem>>)
    %dma_start3A_61 = arith.constant 3 : i32
    %dma_start3A_62 = arith.constant 3 : i32
    %dma_start3A_63 = arith.constant 0 : i32
    %dma_start3A_64 = arith.constant 0 : i32
    %dma_start3A_65 = tpu.memref_slice %arg8[%dma_start3A_62, %dma_start3A_63, %dma_start3A_64] : memref<24x128x16xf32, #tpu.memory_space<vmem>> -> memref<1x128x16xf32, #tpu.memory_space<vmem>>
    %dma_start3A_66 = tpu.memref_squeeze %dma_start3A_65 : memref<1x128x16xf32, #tpu.memory_space<vmem>> -> memref<128x16xf32, #tpu.memory_space<vmem>>
    %dma_start3A_67 = arith.constant 0 : i32
    %dma_start3A_68 = tpu.memref_slice %arg6[%dma_start3A_61, %dma_start3A_67] : memref<80x128xi32, #tpu.memory_space<vmem>> -> memref<1x128xi32, #tpu.memory_space<vmem>>
    %dma_start3A_69 = tpu.memref_squeeze %dma_start3A_68 : memref<1x128xi32, #tpu.memory_space<vmem>> -> memref<128xi32, #tpu.memory_space<vmem>>
    %dma_start3A_70 = arith.constant 0 : i32
    %dma_start3A_71 = arith.constant 0 : i32
    %dma_start3A_72 = tpu.memref_slice %arg2[%dma_start3A_70, %dma_start3A_71] : memref<10112x16xf32, #tpu.memory_space<hbm>> -> memref<10112x16xf32, #tpu.memory_space<hbm>>
    tpu.enqueue_indirect_dma source(%dma_start3A_72 : memref<10112x16xf32, #tpu.memory_space<hbm>>) target(%dma_start3A_66 : memref<128x16xf32, #tpu.memory_space<vmem>>) offsets(%dma_start3A_69 : memref<128xi32, #tpu.memory_space<vmem>>) semaphore(%arg10 : memref<!tpu.dma_semaphore, #tpu.memory_space<semaphore_mem>>)
    %dma_start3A_73 = arith.constant 4 : i32
    %dma_start3A_74 = arith.constant 4 : i32
    %dma_start3A_75 = arith.constant 0 : i32
    %dma_start3A_76 = arith.constant 0 : i32
    %dma_start3A_77 = tpu.memref_slice %arg8[%dma_start3A_74, %dma_start3A_75, %dma_start3A_76] : memref<24x128x16xf32, #tpu.memory_space<vmem>> -> memref<1x128x16xf32, #tpu.memory_space<vmem>>
    %dma_start3A_78 = tpu.memref_squeeze %dma_start3A_77 : memref<1x128x16xf32, #tpu.memory_space<vmem>> -> memref<128x16xf32, #tpu.memory_space<vmem>>
    %dma_start3A_79 = arith.constant 0 : i32
    %dma_start3A_80 = tpu.memref_slice %arg6[%dma_start3A_73, %dma_start3A_79] : memref<80x128xi32, #tpu.memory_space<vmem>> -> memref<1x128xi32, #tpu.memory_space<vmem>>
    %dma_start3A_81 = tpu.memref_squeeze %dma_start3A_80 : memref<1x128xi32, #tpu.memory_space<vmem>> -> memref<128xi32, #tpu.memory_space<vmem>>
    %dma_start3A_82 = arith.constant 0 : i32
    %dma_start3A_83 = arith.constant 0 : i32
    %dma_start3A_84 = tpu.memref_slice %arg2[%dma_start3A_82, %dma_start3A_83] : memref<10112x16xf32, #tpu.memory_space<hbm>> -> memref<10112x16xf32, #tpu.memory_space<hbm>>
    tpu.enqueue_indirect_dma source(%dma_start3A_84 : memref<10112x16xf32, #tpu.memory_space<hbm>>) target(%dma_start3A_78 : memref<128x16xf32, #tpu.memory_space<vmem>>) offsets(%dma_start3A_81 : memref<128xi32, #tpu.memory_space<vmem>>) semaphore(%arg10 : memref<!tpu.dma_semaphore, #tpu.memory_space<semaphore_mem>>)
    %dma_start3A_85 = arith.constant 5 : i32
    %dma_start3A_86 = arith.constant 5 : i32
    %dma_start3A_87 = arith.constant 0 : i32
    %dma_start3A_88 = arith.constant 0 : i32
    %dma_start3A_89 = tpu.memref_slice %arg8[%dma_start3A_86, %dma_start3A_87, %dma_start3A_88] : memref<24x128x16xf32, #tpu.memory_space<vmem>> -> memref<1x128x16xf32, #tpu.memory_space<vmem>>
    %dma_start3A_90 = tpu.memref_squeeze %dma_start3A_89 : memref<1x128x16xf32, #tpu.memory_space<vmem>> -> memref<128x16xf32, #tpu.memory_space<vmem>>
    %dma_start3A_91 = arith.constant 0 : i32
    %dma_start3A_92 = tpu.memref_slice %arg6[%dma_start3A_85, %dma_start3A_91] : memref<80x128xi32, #tpu.memory_space<vmem>> -> memref<1x128xi32, #tpu.memory_space<vmem>>
    %dma_start3A_93 = tpu.memref_squeeze %dma_start3A_92 : memref<1x128xi32, #tpu.memory_space<vmem>> -> memref<128xi32, #tpu.memory_space<vmem>>
    %dma_start3A_94 = arith.constant 0 : i32
    %dma_start3A_95 = arith.constant 0 : i32
    %dma_start3A_96 = tpu.memref_slice %arg2[%dma_start3A_94, %dma_start3A_95] : memref<10112x16xf32, #tpu.memory_space<hbm>> -> memref<10112x16xf32, #tpu.memory_space<hbm>>
    tpu.enqueue_indirect_dma source(%dma_start3A_96 : memref<10112x16xf32, #tpu.memory_space<hbm>>) target(%dma_start3A_90 : memref<128x16xf32, #tpu.memory_space<vmem>>) offsets(%dma_start3A_93 : memref<128xi32, #tpu.memory_space<vmem>>) semaphore(%arg10 : memref<!tpu.dma_semaphore, #tpu.memory_space<semaphore_mem>>)
    %dma_start3A_97 = arith.constant 6 : i32
    %dma_start3A_98 = arith.constant 6 : i32
    %dma_start3A_99 = arith.constant 0 : i32
    %dma_start3A_100 = arith.constant 0 : i32
    %dma_start3A_101 = tpu.memref_slice %arg8[%dma_start3A_98, %dma_start3A_99, %dma_start3A_100] : memref<24x128x16xf32, #tpu.memory_space<vmem>> -> memref<1x128x16xf32, #tpu.memory_space<vmem>>
    %dma_start3A_102 = tpu.memref_squeeze %dma_start3A_101 : memref<1x128x16xf32, #tpu.memory_space<vmem>> -> memref<128x16xf32, #tpu.memory_space<vmem>>
    %dma_start3A_103 = arith.constant 0 : i32
    %dma_start3A_104 = tpu.memref_slice %arg6[%dma_start3A_97, %dma_start3A_103] : memref<80x128xi32, #tpu.memory_space<vmem>> -> memref<1x128xi32, #tpu.memory_space<vmem>>
    %dma_start3A_105 = tpu.memref_squeeze %dma_start3A_104 : memref<1x128xi32, #tpu.memory_space<vmem>> -> memref<128xi32, #tpu.memory_space<vmem>>
    %dma_start3A_106 = arith.constant 0 : i32
    %dma_start3A_107 = arith.constant 0 : i32
    %dma_start3A_108 = tpu.memref_slice %arg2[%dma_start3A_106, %dma_start3A_107] : memref<10112x16xf32, #tpu.memory_space<hbm>> -> memref<10112x16xf32, #tpu.memory_space<hbm>>
    tpu.enqueue_indirect_dma source(%dma_start3A_108 : memref<10112x16xf32, #tpu.memory_space<hbm>>) target(%dma_start3A_102 : memref<128x16xf32, #tpu.memory_space<vmem>>) offsets(%dma_start3A_105 : memref<128xi32, #tpu.memory_space<vmem>>) semaphore(%arg10 : memref<!tpu.dma_semaphore, #tpu.memory_space<semaphore_mem>>)
    %dma_start3A_109 = arith.constant 7 : i32
    %dma_start3A_110 = arith.constant 7 : i32
    %dma_start3A_111 = arith.constant 0 : i32
    %dma_start3A_112 = arith.constant 0 : i32
    %dma_start3A_113 = tpu.memref_slice %arg8[%dma_start3A_110, %dma_start3A_111, %dma_start3A_112] : memref<24x128x16xf32, #tpu.memory_space<vmem>> -> memref<1x128x16xf32, #tpu.memory_space<vmem>>
    %dma_start3A_114 = tpu.memref_squeeze %dma_start3A_113 : memref<1x128x16xf32, #tpu.memory_space<vmem>> -> memref<128x16xf32, #tpu.memory_space<vmem>>
    %dma_start3A_115 = arith.constant 0 : i32
    %dma_start3A_116 = tpu.memref_slice %arg6[%dma_start3A_109, %dma_start3A_115] : memref<80x128xi32, #tpu.memory_space<vmem>> -> memref<1x128xi32, #tpu.memory_space<vmem>>
    %dma_start3A_117 = tpu.memref_squeeze %dma_start3A_116 : memref<1x128xi32, #tpu.memory_space<vmem>> -> memref<128xi32, #tpu.memory_space<vmem>>
    %dma_start3A_118 = arith.constant 0 : i32
    %dma_start3A_119 = arith.constant 0 : i32
    %dma_start3A_120 = tpu.memref_slice %arg2[%dma_start3A_118, %dma_start3A_119] : memref<10112x16xf32, #tpu.memory_space<hbm>> -> memref<10112x16xf32, #tpu.memory_space<hbm>>
    tpu.enqueue_indirect_dma source(%dma_start3A_120 : memref<10112x16xf32, #tpu.memory_space<hbm>>) target(%dma_start3A_114 : memref<128x16xf32, #tpu.memory_space<vmem>>) offsets(%dma_start3A_117 : memref<128xi32, #tpu.memory_space<vmem>>) semaphore(%arg10 : memref<!tpu.dma_semaphore, #tpu.memory_space<semaphore_mem>>)
    %dma_start3A_121 = arith.constant 8 : i32
    %dma_start3A_122 = arith.constant 8 : i32
    %dma_start3A_123 = arith.constant 0 : i32
    %dma_start3A_124 = arith.constant 0 : i32
    %dma_start3A_125 = tpu.memref_slice %arg8[%dma_start3A_122, %dma_start3A_123, %dma_start3A_124] : memref<24x128x16xf32, #tpu.memory_space<vmem>> -> memref<1x128x16xf32, #tpu.memory_space<vmem>>
    %dma_start3A_126 = tpu.memref_squeeze %dma_start3A_125 : memref<1x128x16xf32, #tpu.memory_space<vmem>> -> memref<128x16xf32, #tpu.memory_space<vmem>>
    %dma_start3A_127 = arith.constant 0 : i32
    %dma_start3A_128 = tpu.memref_slice %arg6[%dma_start3A_121, %dma_start3A_127] : memref<80x128xi32, #tpu.memory_space<vmem>> -> memref<1x128xi32, #tpu.memory_space<vmem>>
    %dma_start3A_129 = tpu.memref_squeeze %dma_start3A_128 : memref<1x128xi32, #tpu.memory_space<vmem>> -> memref<128xi32, #tpu.memory_space<vmem>>
    %dma_start3A_130 = arith.constant 0 : i32
    %dma_start3A_131 = arith.constant 0 : i32
    %dma_start3A_132 = tpu.memref_slice %arg2[%dma_start3A_130, %dma_start3A_131] : memref<10112x16xf32, #tpu.memory_space<hbm>> -> memref<10112x16xf32, #tpu.memory_space<hbm>>
    tpu.enqueue_indirect_dma source(%dma_start3A_132 : memref<10112x16xf32, #tpu.memory_space<hbm>>) target(%dma_start3A_126 : memref<128x16xf32, #tpu.memory_space<vmem>>) offsets(%dma_start3A_129 : memref<128xi32, #tpu.memory_space<vmem>>) semaphore(%arg10 : memref<!tpu.dma_semaphore, #tpu.memory_space<semaphore_mem>>)
    %dma_start3A_133 = arith.constant 9 : i32
    %dma_start3A_134 = arith.constant 9 : i32
    %dma_start3A_135 = arith.constant 0 : i32
    %dma_start3A_136 = arith.constant 0 : i32
    %dma_start3A_137 = tpu.memref_slice %arg8[%dma_start3A_134, %dma_start3A_135, %dma_start3A_136] : memref<24x128x16xf32, #tpu.memory_space<vmem>> -> memref<1x128x16xf32, #tpu.memory_space<vmem>>
    %dma_start3A_138 = tpu.memref_squeeze %dma_start3A_137 : memref<1x128x16xf32, #tpu.memory_space<vmem>> -> memref<128x16xf32, #tpu.memory_space<vmem>>
    %dma_start3A_139 = arith.constant 0 : i32
    %dma_start3A_140 = tpu.memref_slice %arg6[%dma_start3A_133, %dma_start3A_139] : memref<80x128xi32, #tpu.memory_space<vmem>> -> memref<1x128xi32, #tpu.memory_space<vmem>>
    %dma_start3A_141 = tpu.memref_squeeze %dma_start3A_140 : memref<1x128xi32, #tpu.memory_space<vmem>> -> memref<128xi32, #tpu.memory_space<vmem>>
    %dma_start3A_142 = arith.constant 0 : i32
    %dma_start3A_143 = arith.constant 0 : i32
    %dma_start3A_144 = tpu.memref_slice %arg2[%dma_start3A_142, %dma_start3A_143] : memref<10112x16xf32, #tpu.memory_space<hbm>> -> memref<10112x16xf32, #tpu.memory_space<hbm>>
    tpu.enqueue_indirect_dma source(%dma_start3A_144 : memref<10112x16xf32, #tpu.memory_space<hbm>>) target(%dma_start3A_138 : memref<128x16xf32, #tpu.memory_space<vmem>>) offsets(%dma_start3A_141 : memref<128xi32, #tpu.memory_space<vmem>>) semaphore(%arg10 : memref<!tpu.dma_semaphore, #tpu.memory_space<semaphore_mem>>)
    %dma_start3A_145 = arith.constant 10 : i32
    %dma_start3A_146 = arith.constant 10 : i32
    %dma_start3A_147 = arith.constant 0 : i32
    %dma_start3A_148 = arith.constant 0 : i32
    %dma_start3A_149 = tpu.memref_slice %arg8[%dma_start3A_146, %dma_start3A_147, %dma_start3A_148] : memref<24x128x16xf32, #tpu.memory_space<vmem>> -> memref<1x128x16xf32, #tpu.memory_space<vmem>>
    %dma_start3A_150 = tpu.memref_squeeze %dma_start3A_149 : memref<1x128x16xf32, #tpu.memory_space<vmem>> -> memref<128x16xf32, #tpu.memory_space<vmem>>
    %dma_start3A_151 = arith.constant 0 : i32
    %dma_start3A_152 = tpu.memref_slice %arg6[%dma_start3A_145, %dma_start3A_151] : memref<80x128xi32, #tpu.memory_space<vmem>> -> memref<1x128xi32, #tpu.memory_space<vmem>>
    %dma_start3A_153 = tpu.memref_squeeze %dma_start3A_152 : memref<1x128xi32, #tpu.memory_space<vmem>> -> memref<128xi32, #tpu.memory_space<vmem>>
    %dma_start3A_154 = arith.constant 0 : i32
    %dma_start3A_155 = arith.constant 0 : i32
    %dma_start3A_156 = tpu.memref_slice %arg2[%dma_start3A_154, %dma_start3A_155] : memref<10112x16xf32, #tpu.memory_space<hbm>> -> memref<10112x16xf32, #tpu.memory_space<hbm>>
    tpu.enqueue_indirect_dma source(%dma_start3A_156 : memref<10112x16xf32, #tpu.memory_space<hbm>>) target(%dma_start3A_150 : memref<128x16xf32, #tpu.memory_space<vmem>>) offsets(%dma_start3A_153 : memref<128xi32, #tpu.memory_space<vmem>>) semaphore(%arg10 : memref<!tpu.dma_semaphore, #tpu.memory_space<semaphore_mem>>)
    %dma_start3A_157 = arith.constant 11 : i32
    %dma_start3A_158 = arith.constant 11 : i32
    %dma_start3A_159 = arith.constant 0 : i32
    %dma_start3A_160 = arith.constant 0 : i32
    %dma_start3A_161 = tpu.memref_slice %arg8[%dma_start3A_158, %dma_start3A_159, %dma_start3A_160] : memref<24x128x16xf32, #tpu.memory_space<vmem>> -> memref<1x128x16xf32, #tpu.memory_space<vmem>>
    %dma_start3A_162 = tpu.memref_squeeze %dma_start3A_161 : memref<1x128x16xf32, #tpu.memory_space<vmem>> -> memref<128x16xf32, #tpu.memory_space<vmem>>
    %dma_start3A_163 = arith.constant 0 : i32
    %dma_start3A_164 = tpu.memref_slice %arg6[%dma_start3A_157, %dma_start3A_163] : memref<80x128xi32, #tpu.memory_space<vmem>> -> memref<1x128xi32, #tpu.memory_space<vmem>>
    %dma_start3A_165 = tpu.memref_squeeze %dma_start3A_164 : memref<1x128xi32, #tpu.memory_space<vmem>> -> memref<128xi32, #tpu.memory_space<vmem>>
    %dma_start3A_166 = arith.constant 0 : i32
    %dma_start3A_167 = arith.constant 0 : i32
    %dma_start3A_168 = tpu.memref_slice %arg2[%dma_start3A_166, %dma_start3A_167] : memref<10112x16xf32, #tpu.memory_space<hbm>> -> memref<10112x16xf32, #tpu.memory_space<hbm>>
    tpu.enqueue_indirect_dma source(%dma_start3A_168 : memref<10112x16xf32, #tpu.memory_space<hbm>>) target(%dma_start3A_162 : memref<128x16xf32, #tpu.memory_space<vmem>>) offsets(%dma_start3A_165 : memref<128xi32, #tpu.memory_space<vmem>>) semaphore(%arg10 : memref<!tpu.dma_semaphore, #tpu.memory_space<semaphore_mem>>)
    %dma_start3A_169 = arith.constant 12 : i32
    %dma_start3A_170 = arith.constant 12 : i32
    %dma_start3A_171 = arith.constant 0 : i32
    %dma_start3A_172 = arith.constant 0 : i32
    %dma_start3A_173 = tpu.memref_slice %arg8[%dma_start3A_170, %dma_start3A_171, %dma_start3A_172] : memref<24x128x16xf32, #tpu.memory_space<vmem>> -> memref<1x128x16xf32, #tpu.memory_space<vmem>>
    %dma_start3A_174 = tpu.memref_squeeze %dma_start3A_173 : memref<1x128x16xf32, #tpu.memory_space<vmem>> -> memref<128x16xf32, #tpu.memory_space<vmem>>
    %dma_start3A_175 = arith.constant 0 : i32
    %dma_start3A_176 = tpu.memref_slice %arg6[%dma_start3A_169, %dma_start3A_175] : memref<80x128xi32, #tpu.memory_space<vmem>> -> memref<1x128xi32, #tpu.memory_space<vmem>>
    %dma_start3A_177 = tpu.memref_squeeze %dma_start3A_176 : memref<1x128xi32, #tpu.memory_space<vmem>> -> memref<128xi32, #tpu.memory_space<vmem>>
    %dma_start3A_178 = arith.constant 0 : i32
    %dma_start3A_179 = arith.constant 0 : i32
    %dma_start3A_180 = tpu.memref_slice %arg2[%dma_start3A_178, %dma_start3A_179] : memref<10112x16xf32, #tpu.memory_space<hbm>> -> memref<10112x16xf32, #tpu.memory_space<hbm>>
    tpu.enqueue_indirect_dma source(%dma_start3A_180 : memref<10112x16xf32, #tpu.memory_space<hbm>>) target(%dma_start3A_174 : memref<128x16xf32, #tpu.memory_space<vmem>>) offsets(%dma_start3A_177 : memref<128xi32, #tpu.memory_space<vmem>>) semaphore(%arg10 : memref<!tpu.dma_semaphore, #tpu.memory_space<semaphore_mem>>)
    %dma_start3A_181 = arith.constant 13 : i32
    %dma_start3A_182 = arith.constant 13 : i32
    %dma_start3A_183 = arith.constant 0 : i32
    %dma_start3A_184 = arith.constant 0 : i32
    %dma_start3A_185 = tpu.memref_slice %arg8[%dma_start3A_182, %dma_start3A_183, %dma_start3A_184] : memref<24x128x16xf32, #tpu.memory_space<vmem>> -> memref<1x128x16xf32, #tpu.memory_space<vmem>>
    %dma_start3A_186 = tpu.memref_squeeze %dma_start3A_185 : memref<1x128x16xf32, #tpu.memory_space<vmem>> -> memref<128x16xf32, #tpu.memory_space<vmem>>
    %dma_start3A_187 = arith.constant 0 : i32
    %dma_start3A_188 = tpu.memref_slice %arg6[%dma_start3A_181, %dma_start3A_187] : memref<80x128xi32, #tpu.memory_space<vmem>> -> memref<1x128xi32, #tpu.memory_space<vmem>>
    %dma_start3A_189 = tpu.memref_squeeze %dma_start3A_188 : memref<1x128xi32, #tpu.memory_space<vmem>> -> memref<128xi32, #tpu.memory_space<vmem>>
    %dma_start3A_190 = arith.constant 0 : i32
    %dma_start3A_191 = arith.constant 0 : i32
    %dma_start3A_192 = tpu.memref_slice %arg2[%dma_start3A_190, %dma_start3A_191] : memref<10112x16xf32, #tpu.memory_space<hbm>> -> memref<10112x16xf32, #tpu.memory_space<hbm>>
    tpu.enqueue_indirect_dma source(%dma_start3A_192 : memref<10112x16xf32, #tpu.memory_space<hbm>>) target(%dma_start3A_186 : memref<128x16xf32, #tpu.memory_space<vmem>>) offsets(%dma_start3A_189 : memref<128xi32, #tpu.memory_space<vmem>>) semaphore(%arg10 : memref<!tpu.dma_semaphore, #tpu.memory_space<semaphore_mem>>)
    %dma_start3A_193 = arith.constant 14 : i32
    %dma_start3A_194 = arith.constant 14 : i32
    %dma_start3A_195 = arith.constant 0 : i32
    %dma_start3A_196 = arith.constant 0 : i32
    %dma_start3A_197 = tpu.memref_slice %arg8[%dma_start3A_194, %dma_start3A_195, %dma_start3A_196] : memref<24x128x16xf32, #tpu.memory_space<vmem>> -> memref<1x128x16xf32, #tpu.memory_space<vmem>>
    %dma_start3A_198 = tpu.memref_squeeze %dma_start3A_197 : memref<1x128x16xf32, #tpu.memory_space<vmem>> -> memref<128x16xf32, #tpu.memory_space<vmem>>
    %dma_start3A_199 = arith.constant 0 : i32
    %dma_start3A_200 = tpu.memref_slice %arg6[%dma_start3A_193, %dma_start3A_199] : memref<80x128xi32, #tpu.memory_space<vmem>> -> memref<1x128xi32, #tpu.memory_space<vmem>>
    %dma_start3A_201 = tpu.memref_squeeze %dma_start3A_200 : memref<1x128xi32, #tpu.memory_space<vmem>> -> memref<128xi32, #tpu.memory_space<vmem>>
    %dma_start3A_202 = arith.constant 0 : i32
    %dma_start3A_203 = arith.constant 0 : i32
    %dma_start3A_204 = tpu.memref_slice %arg2[%dma_start3A_202, %dma_start3A_203] : memref<10112x16xf32, #tpu.memory_space<hbm>> -> memref<10112x16xf32, #tpu.memory_space<hbm>>
    tpu.enqueue_indirect_dma source(%dma_start3A_204 : memref<10112x16xf32, #tpu.memory_space<hbm>>) target(%dma_start3A_198 : memref<128x16xf32, #tpu.memory_space<vmem>>) offsets(%dma_start3A_201 : memref<128xi32, #tpu.memory_space<vmem>>) semaphore(%arg10 : memref<!tpu.dma_semaphore, #tpu.memory_space<semaphore_mem>>)
    %dma_start3A_205 = arith.constant 15 : i32
    %dma_start3A_206 = arith.constant 15 : i32
    %dma_start3A_207 = arith.constant 0 : i32
    %dma_start3A_208 = arith.constant 0 : i32
    %dma_start3A_209 = tpu.memref_slice %arg8[%dma_start3A_206, %dma_start3A_207, %dma_start3A_208] : memref<24x128x16xf32, #tpu.memory_space<vmem>> -> memref<1x128x16xf32, #tpu.memory_space<vmem>>
    %dma_start3A_210 = tpu.memref_squeeze %dma_start3A_209 : memref<1x128x16xf32, #tpu.memory_space<vmem>> -> memref<128x16xf32, #tpu.memory_space<vmem>>
    %dma_start3A_211 = arith.constant 0 : i32
    %dma_start3A_212 = tpu.memref_slice %arg6[%dma_start3A_205, %dma_start3A_211] : memref<80x128xi32, #tpu.memory_space<vmem>> -> memref<1x128xi32, #tpu.memory_space<vmem>>
    %dma_start3A_213 = tpu.memref_squeeze %dma_start3A_212 : memref<1x128xi32, #tpu.memory_space<vmem>> -> memref<128xi32, #tpu.memory_space<vmem>>
    %dma_start3A_214 = arith.constant 0 : i32
    %dma_start3A_215 = arith.constant 0 : i32
    %dma_start3A_216 = tpu.memref_slice %arg2[%dma_start3A_214, %dma_start3A_215] : memref<10112x16xf32, #tpu.memory_space<hbm>> -> memref<10112x16xf32, #tpu.memory_space<hbm>>
    tpu.enqueue_indirect_dma source(%dma_start3A_216 : memref<10112x16xf32, #tpu.memory_space<hbm>>) target(%dma_start3A_210 : memref<128x16xf32, #tpu.memory_space<vmem>>) offsets(%dma_start3A_213 : memref<128xi32, #tpu.memory_space<vmem>>) semaphore(%arg10 : memref<!tpu.dma_semaphore, #tpu.memory_space<semaphore_mem>>)
    %while3A = arith.constant 0 : i32
    %while3A_217 = arith.constant 0 : i32
    %while3A_218 = arith.subi %select_n3A, %while3A_217 : i32
    %while3A_219 = arith.addi %while3A_217, %while3A_218 : i32
    %while3A_220 = arith.constant 1 : i32
    %while3A_221 = arith.divsi %while3A_218, %while3A_220 : i32
    %while3A_222 = arith.muli %while3A_221, %while3A_220 : i32
    %while3A_223 = arith.addi %while3A_217, %while3A_222 : i32
    %while3A_224 = arith.constant 1 : i32
    scf.for %while3A_241 = %while3A_217 to %while3A_223 step %while3A_224  : i32 {
      %rem3A = arith.constant 24 : i32
      %rem3A_242 = arith.remsi %while3A_241, %rem3A : i32
      %ge3A = arith.constant 8 : i32
      %ge3A_243 = arith.cmpi sge, %while3A_241, %ge3A : i32
      %convert_element_type3A_244 = arith.extui %ge3A_243 : i1 to i32
      %cond3A_245 = arith.constant 0 : i32
      %cond3A_246 = arith.cmpi ne, %convert_element_type3A_244, %cond3A_245 : i32
      scf.if %cond3A_246 {
        %sub3A_270 = arith.constant 8 : i32
        %sub3A_271 = arith.subi %while3A_241, %sub3A_270 : i32
        %rem3A_272 = arith.constant 24 : i32
        %rem3A_273 = arith.remsi %sub3A_271, %rem3A_272 : i32
        %dma_wait3A_274 = arith.constant 0 : i32
        %dma_wait3A_275 = arith.constant 0 : i32
        %dma_wait3A_276 = tpu.memref_slice %arg8[%rem3A_273, %dma_wait3A_274, %dma_wait3A_275] : memref<24x128x16xf32, #tpu.memory_space<vmem>> -> memref<1x128x16xf32, #tpu.memory_space<vmem>>
        %dma_wait3A_277 = tpu.memref_squeeze %dma_wait3A_276 : memref<1x128x16xf32, #tpu.memory_space<vmem>> -> memref<128x16xf32, #tpu.memory_space<vmem>>
        %dma_wait3A_278 = arith.constant 0 : i32
        %dma_wait3A_279 = tpu.memref_slice %arg7[%sub3A_271, %dma_wait3A_278] : memref<80x128xi32, #tpu.memory_space<vmem>> -> memref<1x128xi32, #tpu.memory_space<vmem>>
        %dma_wait3A_280 = tpu.memref_squeeze %dma_wait3A_279 : memref<1x128xi32, #tpu.memory_space<vmem>> -> memref<128xi32, #tpu.memory_space<vmem>>
        %dma_wait3A_281 = arith.constant 0 : i32
        %dma_wait3A_282 = arith.constant 0 : i32
        %dma_wait3A_283 = tpu.memref_slice %arg9[%dma_wait3A_281, %dma_wait3A_282] : memref<10112x16xf32, #tpu.memory_space<vmem_shared>> -> memref<10112x16xf32, #tpu.memory_space<vmem_shared>>
        tpu.wait_indirect_dma semaphore(%arg11 : memref<!tpu.dma_semaphore, #tpu.memory_space<semaphore_mem>>) src(%dma_wait3A_277 : memref<128x16xf32, #tpu.memory_space<vmem>>) dst(%dma_wait3A_283 : memref<10112x16xf32, #tpu.memory_space<vmem_shared>>)
      } else {
      }
      %dma_wait3A = arith.constant 0 : i32
      %dma_wait3A_247 = arith.constant 0 : i32
      %dma_wait3A_248 = tpu.memref_slice %arg8[%rem3A_242, %dma_wait3A, %dma_wait3A_247] : memref<24x128x16xf32, #tpu.memory_space<vmem>> -> memref<1x128x16xf32, #tpu.memory_space<vmem>>
      %dma_wait3A_249 = tpu.memref_squeeze %dma_wait3A_248 : memref<1x128x16xf32, #tpu.memory_space<vmem>> -> memref<128x16xf32, #tpu.memory_space<vmem>>
      %dma_wait3A_250 = arith.constant 0 : i32
      %dma_wait3A_251 = tpu.memref_slice %arg6[%while3A_241, %dma_wait3A_250] : memref<80x128xi32, #tpu.memory_space<vmem>> -> memref<1x128xi32, #tpu.memory_space<vmem>>
      %dma_wait3A_252 = tpu.memref_squeeze %dma_wait3A_251 : memref<1x128xi32, #tpu.memory_space<vmem>> -> memref<128xi32, #tpu.memory_space<vmem>>
      %dma_wait3A_253 = arith.constant 0 : i32
      %dma_wait3A_254 = arith.constant 0 : i32
      %dma_wait3A_255 = tpu.memref_slice %arg2[%dma_wait3A_253, %dma_wait3A_254] : memref<10112x16xf32, #tpu.memory_space<hbm>> -> memref<10112x16xf32, #tpu.memory_space<hbm>>
      tpu.wait_indirect_dma semaphore(%arg10 : memref<!tpu.dma_semaphore, #tpu.memory_space<semaphore_mem>>) src(%dma_wait3A_255 : memref<10112x16xf32, #tpu.memory_space<hbm>>) dst(%dma_wait3A_249 : memref<128x16xf32, #tpu.memory_space<vmem>>)
      %dma_start3A_256 = arith.constant 0 : i32
      %dma_start3A_257 = arith.constant 0 : i32
      %dma_start3A_258 = tpu.memref_slice %arg8[%rem3A_242, %dma_start3A_256, %dma_start3A_257] : memref<24x128x16xf32, #tpu.memory_space<vmem>> -> memref<1x128x16xf32, #tpu.memory_space<vmem>>
      %dma_start3A_259 = tpu.memref_squeeze %dma_start3A_258 : memref<1x128x16xf32, #tpu.memory_space<vmem>> -> memref<128x16xf32, #tpu.memory_space<vmem>>
      %dma_start3A_260 = arith.constant 0 : i32
      %dma_start3A_261 = tpu.memref_slice %arg7[%while3A_241, %dma_start3A_260] : memref<80x128xi32, #tpu.memory_space<vmem>> -> memref<1x128xi32, #tpu.memory_space<vmem>>
      %dma_start3A_262 = tpu.memref_squeeze %dma_start3A_261 : memref<1x128xi32, #tpu.memory_space<vmem>> -> memref<128xi32, #tpu.memory_space<vmem>>
      %dma_start3A_263 = arith.constant 0 : i32
      %dma_start3A_264 = arith.constant 0 : i32
      %dma_start3A_265 = tpu.memref_slice %arg9[%dma_start3A_263, %dma_start3A_264] : memref<10112x16xf32, #tpu.memory_space<vmem_shared>> -> memref<10112x16xf32, #tpu.memory_space<vmem_shared>>
      tpu.enqueue_indirect_dma source(%dma_start3A_259 : memref<128x16xf32, #tpu.memory_space<vmem>>) target(%dma_start3A_265 : memref<10112x16xf32, #tpu.memory_space<vmem_shared>>) offsets(%dma_start3A_262 : memref<128xi32, #tpu.memory_space<vmem>>) semaphore(%arg11 : memref<!tpu.dma_semaphore, #tpu.memory_space<semaphore_mem>>) {add = true}
      %add3A = arith.constant 16 : i32
      %add3A_266 = arith.addi %while3A_241, %add3A : i32
      %lt3A = arith.cmpi slt, %add3A_266, %select_n3A : i32
      %convert_element_type3A_267 = arith.extui %lt3A : i1 to i32
      %cond3A_268 = arith.constant 0 : i32
      %cond3A_269 = arith.cmpi ne, %convert_element_type3A_267, %cond3A_268 : i32
      scf.if %cond3A_269 {
        %add3A_270 = arith.constant 16 : i32
        %add3A_271 = arith.addi %while3A_241, %add3A_270 : i32
        %add3A_272 = arith.constant 16 : i32
        %add3A_273 = arith.addi %while3A_241, %add3A_272 : i32
        %rem3A_274 = arith.constant 24 : i32
        %rem3A_275 = arith.remsi %add3A_273, %rem3A_274 : i32
        %dma_start3A_276 = arith.constant 0 : i32
        %dma_start3A_277 = arith.constant 0 : i32
        %dma_start3A_278 = tpu.memref_slice %arg8[%rem3A_275, %dma_start3A_276, %dma_start3A_277] : memref<24x128x16xf32, #tpu.memory_space<vmem>> -> memref<1x128x16xf32, #tpu.memory_space<vmem>>
        %dma_start3A_279 = tpu.memref_squeeze %dma_start3A_278 : memref<1x128x16xf32, #tpu.memory_space<vmem>> -> memref<128x16xf32, #tpu.memory_space<vmem>>
        %dma_start3A_280 = arith.constant 0 : i32
        %dma_start3A_281 = tpu.memref_slice %arg6[%add3A_271, %dma_start3A_280] : memref<80x128xi32, #tpu.memory_space<vmem>> -> memref<1x128xi32, #tpu.memory_space<vmem>>
        %dma_start3A_282 = tpu.memref_squeeze %dma_start3A_281 : memref<1x128xi32, #tpu.memory_space<vmem>> -> memref<128xi32, #tpu.memory_space<vmem>>
        %dma_start3A_283 = arith.constant 0 : i32
        %dma_start3A_284 = arith.constant 0 : i32
        %dma_start3A_285 = tpu.memref_slice %arg2[%dma_start3A_283, %dma_start3A_284] : memref<10112x16xf32, #tpu.memory_space<hbm>> -> memref<10112x16xf32, #tpu.memory_space<hbm>>
        tpu.enqueue_indirect_dma source(%dma_start3A_285 : memref<10112x16xf32, #tpu.memory_space<hbm>>) target(%dma_start3A_279 : memref<128x16xf32, #tpu.memory_space<vmem>>) offsets(%dma_start3A_282 : memref<128xi32, #tpu.memory_space<vmem>>) semaphore(%arg10 : memref<!tpu.dma_semaphore, #tpu.memory_space<semaphore_mem>>)
      } else {
      }
    }
    %while3A_225 = arith.constant 1 : i32
    scf.for %while3A_241 = %while3A_223 to %while3A_219 step %while3A_225  : i32 {
      %rem3A = arith.constant 24 : i32
      %rem3A_242 = arith.remsi %while3A_241, %rem3A : i32
      %ge3A = arith.constant 8 : i32
      %ge3A_243 = arith.cmpi sge, %while3A_241, %ge3A : i32
      %convert_element_type3A_244 = arith.extui %ge3A_243 : i1 to i32
      %cond3A_245 = arith.constant 0 : i32
      %cond3A_246 = arith.cmpi ne, %convert_element_type3A_244, %cond3A_245 : i32
      scf.if %cond3A_246 {
        %sub3A_270 = arith.constant 8 : i32
        %sub3A_271 = arith.subi %while3A_241, %sub3A_270 : i32
        %rem3A_272 = arith.constant 24 : i32
        %rem3A_273 = arith.remsi %sub3A_271, %rem3A_272 : i32
        %dma_wait3A_274 = arith.constant 0 : i32
        %dma_wait3A_275 = arith.constant 0 : i32
        %dma_wait3A_276 = tpu.memref_slice %arg8[%rem3A_273, %dma_wait3A_274, %dma_wait3A_275] : memref<24x128x16xf32, #tpu.memory_space<vmem>> -> memref<1x128x16xf32, #tpu.memory_space<vmem>>
        %dma_wait3A_277 = tpu.memref_squeeze %dma_wait3A_276 : memref<1x128x16xf32, #tpu.memory_space<vmem>> -> memref<128x16xf32, #tpu.memory_space<vmem>>
        %dma_wait3A_278 = arith.constant 0 : i32
        %dma_wait3A_279 = tpu.memref_slice %arg7[%sub3A_271, %dma_wait3A_278] : memref<80x128xi32, #tpu.memory_space<vmem>> -> memref<1x128xi32, #tpu.memory_space<vmem>>
        %dma_wait3A_280 = tpu.memref_squeeze %dma_wait3A_279 : memref<1x128xi32, #tpu.memory_space<vmem>> -> memref<128xi32, #tpu.memory_space<vmem>>
        %dma_wait3A_281 = arith.constant 0 : i32
        %dma_wait3A_282 = arith.constant 0 : i32
        %dma_wait3A_283 = tpu.memref_slice %arg9[%dma_wait3A_281, %dma_wait3A_282] : memref<10112x16xf32, #tpu.memory_space<vmem_shared>> -> memref<10112x16xf32, #tpu.memory_space<vmem_shared>>
        tpu.wait_indirect_dma semaphore(%arg11 : memref<!tpu.dma_semaphore, #tpu.memory_space<semaphore_mem>>) src(%dma_wait3A_277 : memref<128x16xf32, #tpu.memory_space<vmem>>) dst(%dma_wait3A_283 : memref<10112x16xf32, #tpu.memory_space<vmem_shared>>)
      } else {
      }
      %dma_wait3A = arith.constant 0 : i32
      %dma_wait3A_247 = arith.constant 0 : i32
      %dma_wait3A_248 = tpu.memref_slice %arg8[%rem3A_242, %dma_wait3A, %dma_wait3A_247] : memref<24x128x16xf32, #tpu.memory_space<vmem>> -> memref<1x128x16xf32, #tpu.memory_space<vmem>>
      %dma_wait3A_249 = tpu.memref_squeeze %dma_wait3A_248 : memref<1x128x16xf32, #tpu.memory_space<vmem>> -> memref<128x16xf32, #tpu.memory_space<vmem>>
      %dma_wait3A_250 = arith.constant 0 : i32
      %dma_wait3A_251 = tpu.memref_slice %arg6[%while3A_241, %dma_wait3A_250] : memref<80x128xi32, #tpu.memory_space<vmem>> -> memref<1x128xi32, #tpu.memory_space<vmem>>
      %dma_wait3A_252 = tpu.memref_squeeze %dma_wait3A_251 : memref<1x128xi32, #tpu.memory_space<vmem>> -> memref<128xi32, #tpu.memory_space<vmem>>
      %dma_wait3A_253 = arith.constant 0 : i32
      %dma_wait3A_254 = arith.constant 0 : i32
      %dma_wait3A_255 = tpu.memref_slice %arg2[%dma_wait3A_253, %dma_wait3A_254] : memref<10112x16xf32, #tpu.memory_space<hbm>> -> memref<10112x16xf32, #tpu.memory_space<hbm>>
      tpu.wait_indirect_dma semaphore(%arg10 : memref<!tpu.dma_semaphore, #tpu.memory_space<semaphore_mem>>) src(%dma_wait3A_255 : memref<10112x16xf32, #tpu.memory_space<hbm>>) dst(%dma_wait3A_249 : memref<128x16xf32, #tpu.memory_space<vmem>>)
      %dma_start3A_256 = arith.constant 0 : i32
      %dma_start3A_257 = arith.constant 0 : i32
      %dma_start3A_258 = tpu.memref_slice %arg8[%rem3A_242, %dma_start3A_256, %dma_start3A_257] : memref<24x128x16xf32, #tpu.memory_space<vmem>> -> memref<1x128x16xf32, #tpu.memory_space<vmem>>
      %dma_start3A_259 = tpu.memref_squeeze %dma_start3A_258 : memref<1x128x16xf32, #tpu.memory_space<vmem>> -> memref<128x16xf32, #tpu.memory_space<vmem>>
      %dma_start3A_260 = arith.constant 0 : i32
      %dma_start3A_261 = tpu.memref_slice %arg7[%while3A_241, %dma_start3A_260] : memref<80x128xi32, #tpu.memory_space<vmem>> -> memref<1x128xi32, #tpu.memory_space<vmem>>
      %dma_start3A_262 = tpu.memref_squeeze %dma_start3A_261 : memref<1x128xi32, #tpu.memory_space<vmem>> -> memref<128xi32, #tpu.memory_space<vmem>>
      %dma_start3A_263 = arith.constant 0 : i32
      %dma_start3A_264 = arith.constant 0 : i32
      %dma_start3A_265 = tpu.memref_slice %arg9[%dma_start3A_263, %dma_start3A_264] : memref<10112x16xf32, #tpu.memory_space<vmem_shared>> -> memref<10112x16xf32, #tpu.memory_space<vmem_shared>>
      tpu.enqueue_indirect_dma source(%dma_start3A_259 : memref<128x16xf32, #tpu.memory_space<vmem>>) target(%dma_start3A_265 : memref<10112x16xf32, #tpu.memory_space<vmem_shared>>) offsets(%dma_start3A_262 : memref<128xi32, #tpu.memory_space<vmem>>) semaphore(%arg11 : memref<!tpu.dma_semaphore, #tpu.memory_space<semaphore_mem>>) {add = true}
      %add3A = arith.constant 16 : i32
      %add3A_266 = arith.addi %while3A_241, %add3A : i32
      %lt3A = arith.cmpi slt, %add3A_266, %select_n3A : i32
      %convert_element_type3A_267 = arith.extui %lt3A : i1 to i32
      %cond3A_268 = arith.constant 0 : i32
      %cond3A_269 = arith.cmpi ne, %convert_element_type3A_267, %cond3A_268 : i32
      scf.if %cond3A_269 {
        %add3A_270 = arith.constant 16 : i32
        %add3A_271 = arith.addi %while3A_241, %add3A_270 : i32
        %add3A_272 = arith.constant 16 : i32
        %add3A_273 = arith.addi %while3A_241, %add3A_272 : i32
        %rem3A_274 = arith.constant 24 : i32
        %rem3A_275 = arith.remsi %add3A_273, %rem3A_274 : i32
        %dma_start3A_276 = arith.constant 0 : i32
        %dma_start3A_277 = arith.constant 0 : i32
        %dma_start3A_278 = tpu.memref_slice %arg8[%rem3A_275, %dma_start3A_276, %dma_start3A_277] : memref<24x128x16xf32, #tpu.memory_space<vmem>> -> memref<1x128x16xf32, #tpu.memory_space<vmem>>
        %dma_start3A_279 = tpu.memref_squeeze %dma_start3A_278 : memref<1x128x16xf32, #tpu.memory_space<vmem>> -> memref<128x16xf32, #tpu.memory_space<vmem>>
        %dma_start3A_280 = arith.constant 0 : i32
        %dma_start3A_281 = tpu.memref_slice %arg6[%add3A_271, %dma_start3A_280] : memref<80x128xi32, #tpu.memory_space<vmem>> -> memref<1x128xi32, #tpu.memory_space<vmem>>
        %dma_start3A_282 = tpu.memref_squeeze %dma_start3A_281 : memref<1x128xi32, #tpu.memory_space<vmem>> -> memref<128xi32, #tpu.memory_space<vmem>>
        %dma_start3A_283 = arith.constant 0 : i32
        %dma_start3A_284 = arith.constant 0 : i32
        %dma_start3A_285 = tpu.memref_slice %arg2[%dma_start3A_283, %dma_start3A_284] : memref<10112x16xf32, #tpu.memory_space<hbm>> -> memref<10112x16xf32, #tpu.memory_space<hbm>>
        tpu.enqueue_indirect_dma source(%dma_start3A_285 : memref<10112x16xf32, #tpu.memory_space<hbm>>) target(%dma_start3A_279 : memref<128x16xf32, #tpu.memory_space<vmem>>) offsets(%dma_start3A_282 : memref<128xi32, #tpu.memory_space<vmem>>) semaphore(%arg10 : memref<!tpu.dma_semaphore, #tpu.memory_space<semaphore_mem>>)
      } else {
      }
    }
    %sub3A = arith.constant 8 : i32
    %sub3A_226 = arith.subi %select_n3A, %sub3A : i32
    %while3A_227 = arith.constant 0 : i32
    %while3A_228 = arith.subi %select_n3A, %sub3A_226 : i32
    %while3A_229 = arith.addi %sub3A_226, %while3A_228 : i32
    %while3A_230 = arith.constant 1 : i32
    %while3A_231 = arith.divsi %while3A_228, %while3A_230 : i32
    %while3A_232 = arith.muli %while3A_231, %while3A_230 : i32
    %while3A_233 = arith.addi %sub3A_226, %while3A_232 : i32
    %while3A_234 = arith.constant 1 : i32
    scf.for %while3A_241 = %sub3A_226 to %while3A_233 step %while3A_234  : i32 {
      %rem3A = arith.constant 24 : i32
      %rem3A_242 = arith.remsi %while3A_241, %rem3A : i32
      %dma_wait3A = arith.constant 0 : i32
      %dma_wait3A_243 = arith.constant 0 : i32
      %dma_wait3A_244 = tpu.memref_slice %arg8[%rem3A_242, %dma_wait3A, %dma_wait3A_243] : memref<24x128x16xf32, #tpu.memory_space<vmem>> -> memref<1x128x16xf32, #tpu.memory_space<vmem>>
      %dma_wait3A_245 = tpu.memref_squeeze %dma_wait3A_244 : memref<1x128x16xf32, #tpu.memory_space<vmem>> -> memref<128x16xf32, #tpu.memory_space<vmem>>
      %dma_wait3A_246 = arith.constant 0 : i32
      %dma_wait3A_247 = tpu.memref_slice %arg7[%while3A_241, %dma_wait3A_246] : memref<80x128xi32, #tpu.memory_space<vmem>> -> memref<1x128xi32, #tpu.memory_space<vmem>>
      %dma_wait3A_248 = tpu.memref_squeeze %dma_wait3A_247 : memref<1x128xi32, #tpu.memory_space<vmem>> -> memref<128xi32, #tpu.memory_space<vmem>>
      %dma_wait3A_249 = arith.constant 0 : i32
      %dma_wait3A_250 = arith.constant 0 : i32
      %dma_wait3A_251 = tpu.memref_slice %arg9[%dma_wait3A_249, %dma_wait3A_250] : memref<10112x16xf32, #tpu.memory_space<vmem_shared>> -> memref<10112x16xf32, #tpu.memory_space<vmem_shared>>
      tpu.wait_indirect_dma semaphore(%arg11 : memref<!tpu.dma_semaphore, #tpu.memory_space<semaphore_mem>>) src(%dma_wait3A_245 : memref<128x16xf32, #tpu.memory_space<vmem>>) dst(%dma_wait3A_251 : memref<10112x16xf32, #tpu.memory_space<vmem_shared>>)
    }
    %while3A_235 = arith.constant 1 : i32
    scf.for %while3A_241 = %while3A_233 to %while3A_229 step %while3A_235  : i32 {
      %rem3A = arith.constant 24 : i32
      %rem3A_242 = arith.remsi %while3A_241, %rem3A : i32
      %dma_wait3A = arith.constant 0 : i32
      %dma_wait3A_243 = arith.constant 0 : i32
      %dma_wait3A_244 = tpu.memref_slice %arg8[%rem3A_242, %dma_wait3A, %dma_wait3A_243] : memref<24x128x16xf32, #tpu.memory_space<vmem>> -> memref<1x128x16xf32, #tpu.memory_space<vmem>>
      %dma_wait3A_245 = tpu.memref_squeeze %dma_wait3A_244 : memref<1x128x16xf32, #tpu.memory_space<vmem>> -> memref<128x16xf32, #tpu.memory_space<vmem>>
      %dma_wait3A_246 = arith.constant 0 : i32
      %dma_wait3A_247 = tpu.memref_slice %arg7[%while3A_241, %dma_wait3A_246] : memref<80x128xi32, #tpu.memory_space<vmem>> -> memref<1x128xi32, #tpu.memory_space<vmem>>
      %dma_wait3A_248 = tpu.memref_squeeze %dma_wait3A_247 : memref<1x128xi32, #tpu.memory_space<vmem>> -> memref<128xi32, #tpu.memory_space<vmem>>
      %dma_wait3A_249 = arith.constant 0 : i32
      %dma_wait3A_250 = arith.constant 0 : i32
      %dma_wait3A_251 = tpu.memref_slice %arg9[%dma_wait3A_249, %dma_wait3A_250] : memref<10112x16xf32, #tpu.memory_space<vmem_shared>> -> memref<10112x16xf32, #tpu.memory_space<vmem_shared>>
      tpu.wait_indirect_dma semaphore(%arg11 : memref<!tpu.dma_semaphore, #tpu.memory_space<semaphore_mem>>) src(%dma_wait3A_245 : memref<128x16xf32, #tpu.memory_space<vmem>>) dst(%dma_wait3A_251 : memref<10112x16xf32, #tpu.memory_space<vmem_shared>>)
    }
    %barrier3A_236 = arith.constant 0 : index
    tpu.barrier barrier_id(%barrier3A_236)
    %mul3A_237 = arith.constant 632 : i32
    %mul3A_238 = arith.muli %arg1, %mul3A_237 : i32
    %mul3A_239 = arith.constant 632 : i32
    %mul3A_240 = arith.muli %arg1, %mul3A_239 : i32
    "tpu.region"() ({
      %run_scoped3A = tpu.sem_alloc : memref<!tpu.dma_semaphore, #tpu.memory_space<semaphore_mem>>
      %dma_start3A_241 = arith.constant 0 : i32
      %dma_start3A_242 = tpu.memref_slice %arg5[%arg0, %mul3A_240, %dma_start3A_241] : memref<2x10112x16xf32, #tpu.memory_space<hbm>> -> memref<1x632x16xf32, #tpu.memory_space<hbm>>
      %dma_start3A_243 = tpu.memref_squeeze %dma_start3A_242 : memref<1x632x16xf32, #tpu.memory_space<hbm>> -> memref<632x16xf32, #tpu.memory_space<hbm>>
      %dma_start3A_244 = arith.constant 0 : i32
      %dma_start3A_245 = tpu.memref_slice %arg9[%mul3A_238, %dma_start3A_244] : memref<10112x16xf32, #tpu.memory_space<vmem_shared>> -> memref<632x16xf32, #tpu.memory_space<vmem_shared>>
      tpu.enqueue_dma source(%dma_start3A_245 : memref<632x16xf32, #tpu.memory_space<vmem_shared>>) target(%dma_start3A_243 : memref<632x16xf32, #tpu.memory_space<hbm>>) target_semaphore(%run_scoped3A : memref<!tpu.dma_semaphore, #tpu.memory_space<semaphore_mem>>)
      %dma_wait3A = arith.constant 0 : i32
      %dma_wait3A_246 = tpu.memref_slice %arg5[%arg0, %mul3A_240, %dma_wait3A] : memref<2x10112x16xf32, #tpu.memory_space<hbm>> -> memref<1x632x16xf32, #tpu.memory_space<hbm>>
      %dma_wait3A_247 = tpu.memref_squeeze %dma_wait3A_246 : memref<1x632x16xf32, #tpu.memory_space<hbm>> -> memref<632x16xf32, #tpu.memory_space<hbm>>
      %dma_wait3A_248 = arith.constant 0 : i32
      %dma_wait3A_249 = tpu.memref_slice %arg9[%mul3A_238, %dma_wait3A_248] : memref<10112x16xf32, #tpu.memory_space<vmem_shared>> -> memref<632x16xf32, #tpu.memory_space<vmem_shared>>
      tpu.wait_dma2 semaphore(%run_scoped3A : memref<!tpu.dma_semaphore, #tpu.memory_space<semaphore_mem>>) src(%dma_wait3A_249 : memref<632x16xf32, #tpu.memory_space<vmem_shared>>) dst(%dma_wait3A_247 : memref<632x16xf32, #tpu.memory_space<hbm>>)
      tpu.yield
    }) : () -> ()
    return
  }
}

module attributes {stable_mosaic.version = 14 : i64} {
  func.func @_fwd1_body(%arg0: memref<1250x8x128xf32, #tpu.memory_space<vmem>>, %arg1: memref<128x16xf32, #tpu.memory_space<vmem>>, %arg2: memref<1264x128xf32, #tpu.memory_space<vmem>>) attributes {dimension_semantics = [], scalar_prefetch = 0 : i64, scratch_operands = 0 : i64, tpu.core_type = #tpu.core_type<tc>} {
    %get3A = arith.constant 0 : index
    %get3A_0 = arith.constant 0 : index
    %get3A_1 = arith.constant 0 : index
    %get3A_2 = vector.load %arg0[%get3A, %get3A_0, %get3A_1] : memref<1250x8x128xf32, #tpu.memory_space<vmem>>, vector<1250x8x128xf32>
    %slice3A = vector.extract_strided_slice %get3A_2 {offsets = [0, 0, 0], sizes = [1250, 1, 128], strides = [1, 1, 1]} : vector<1250x8x128xf32> to vector<1250x1x128xf32>
    %squeeze3A = vector.shape_cast %slice3A : vector<1250x1x128xf32> to vector<1250x128xf32>
    %get3A_3 = arith.constant 0 : index
    %get3A_4 = arith.constant 0 : index
    %get3A_5 = vector.load %arg1[%get3A_3, %get3A_4] : memref<128x16xf32, #tpu.memory_space<vmem>>, vector<128x16xf32>
    %dot_general3A = arith.constant dense<0.000000e+00> : vector<1250x16xf32>
    %dot_general3A_6 = tpu.matmul %squeeze3A, %get3A_5, %dot_general3A {dimension_numbers = #tpu.dot_dimension_numbers<[1], [0], [0], [1], [0, 0, 1, 1], [], []>, transpose_lhs_hint = false} : vector<1250x128xf32>, vector<128x16xf32>, vector<1250x16xf32> -> vector<1250x16xf32>
    %slice3A_7 = vector.extract_strided_slice %get3A_2 {offsets = [0, 1, 0], sizes = [1250, 1, 128], strides = [1, 1, 1]} : vector<1250x8x128xf32> to vector<1250x1x128xf32>
    %squeeze3A_8 = vector.shape_cast %slice3A_7 : vector<1250x1x128xf32> to vector<1250x128xf32>
    %get3A_9 = arith.constant 0 : index
    %get3A_10 = arith.constant 0 : index
    %get3A_11 = vector.load %arg1[%get3A_9, %get3A_10] : memref<128x16xf32, #tpu.memory_space<vmem>>, vector<128x16xf32>
    %dot_general3A_12 = arith.constant dense<0.000000e+00> : vector<1250x16xf32>
    %dot_general3A_13 = tpu.matmul %squeeze3A_8, %get3A_11, %dot_general3A_12 {dimension_numbers = #tpu.dot_dimension_numbers<[1], [0], [0], [1], [0, 0, 1, 1], [], []>, transpose_lhs_hint = false} : vector<1250x128xf32>, vector<128x16xf32>, vector<1250x16xf32> -> vector<1250x16xf32>
    %slice3A_14 = vector.extract_strided_slice %get3A_2 {offsets = [0, 2, 0], sizes = [1250, 1, 128], strides = [1, 1, 1]} : vector<1250x8x128xf32> to vector<1250x1x128xf32>
    %squeeze3A_15 = vector.shape_cast %slice3A_14 : vector<1250x1x128xf32> to vector<1250x128xf32>
    %get3A_16 = arith.constant 0 : index
    %get3A_17 = arith.constant 0 : index
    %get3A_18 = vector.load %arg1[%get3A_16, %get3A_17] : memref<128x16xf32, #tpu.memory_space<vmem>>, vector<128x16xf32>
    %dot_general3A_19 = arith.constant dense<0.000000e+00> : vector<1250x16xf32>
    %dot_general3A_20 = tpu.matmul %squeeze3A_15, %get3A_18, %dot_general3A_19 {dimension_numbers = #tpu.dot_dimension_numbers<[1], [0], [0], [1], [0, 0, 1, 1], [], []>, transpose_lhs_hint = false} : vector<1250x128xf32>, vector<128x16xf32>, vector<1250x16xf32> -> vector<1250x16xf32>
    %slice3A_21 = vector.extract_strided_slice %get3A_2 {offsets = [0, 3, 0], sizes = [1250, 1, 128], strides = [1, 1, 1]} : vector<1250x8x128xf32> to vector<1250x1x128xf32>
    %squeeze3A_22 = vector.shape_cast %slice3A_21 : vector<1250x1x128xf32> to vector<1250x128xf32>
    %get3A_23 = arith.constant 0 : index
    %get3A_24 = arith.constant 0 : index
    %get3A_25 = vector.load %arg1[%get3A_23, %get3A_24] : memref<128x16xf32, #tpu.memory_space<vmem>>, vector<128x16xf32>
    %dot_general3A_26 = arith.constant dense<0.000000e+00> : vector<1250x16xf32>
    %dot_general3A_27 = tpu.matmul %squeeze3A_22, %get3A_25, %dot_general3A_26 {dimension_numbers = #tpu.dot_dimension_numbers<[1], [0], [0], [1], [0, 0, 1, 1], [], []>, transpose_lhs_hint = false} : vector<1250x128xf32>, vector<128x16xf32>, vector<1250x16xf32> -> vector<1250x16xf32>
    %slice3A_28 = vector.extract_strided_slice %get3A_2 {offsets = [0, 4, 0], sizes = [1250, 1, 128], strides = [1, 1, 1]} : vector<1250x8x128xf32> to vector<1250x1x128xf32>
    %squeeze3A_29 = vector.shape_cast %slice3A_28 : vector<1250x1x128xf32> to vector<1250x128xf32>
    %get3A_30 = arith.constant 0 : index
    %get3A_31 = arith.constant 0 : index
    %get3A_32 = vector.load %arg1[%get3A_30, %get3A_31] : memref<128x16xf32, #tpu.memory_space<vmem>>, vector<128x16xf32>
    %dot_general3A_33 = arith.constant dense<0.000000e+00> : vector<1250x16xf32>
    %dot_general3A_34 = tpu.matmul %squeeze3A_29, %get3A_32, %dot_general3A_33 {dimension_numbers = #tpu.dot_dimension_numbers<[1], [0], [0], [1], [0, 0, 1, 1], [], []>, transpose_lhs_hint = false} : vector<1250x128xf32>, vector<128x16xf32>, vector<1250x16xf32> -> vector<1250x16xf32>
    %slice3A_35 = vector.extract_strided_slice %get3A_2 {offsets = [0, 5, 0], sizes = [1250, 1, 128], strides = [1, 1, 1]} : vector<1250x8x128xf32> to vector<1250x1x128xf32>
    %squeeze3A_36 = vector.shape_cast %slice3A_35 : vector<1250x1x128xf32> to vector<1250x128xf32>
    %get3A_37 = arith.constant 0 : index
    %get3A_38 = arith.constant 0 : index
    %get3A_39 = vector.load %arg1[%get3A_37, %get3A_38] : memref<128x16xf32, #tpu.memory_space<vmem>>, vector<128x16xf32>
    %dot_general3A_40 = arith.constant dense<0.000000e+00> : vector<1250x16xf32>
    %dot_general3A_41 = tpu.matmul %squeeze3A_36, %get3A_39, %dot_general3A_40 {dimension_numbers = #tpu.dot_dimension_numbers<[1], [0], [0], [1], [0, 0, 1, 1], [], []>, transpose_lhs_hint = false} : vector<1250x128xf32>, vector<128x16xf32>, vector<1250x16xf32> -> vector<1250x16xf32>
    %slice3A_42 = vector.extract_strided_slice %get3A_2 {offsets = [0, 6, 0], sizes = [1250, 1, 128], strides = [1, 1, 1]} : vector<1250x8x128xf32> to vector<1250x1x128xf32>
    %squeeze3A_43 = vector.shape_cast %slice3A_42 : vector<1250x1x128xf32> to vector<1250x128xf32>
    %get3A_44 = arith.constant 0 : index
    %get3A_45 = arith.constant 0 : index
    %get3A_46 = vector.load %arg1[%get3A_44, %get3A_45] : memref<128x16xf32, #tpu.memory_space<vmem>>, vector<128x16xf32>
    %dot_general3A_47 = arith.constant dense<0.000000e+00> : vector<1250x16xf32>
    %dot_general3A_48 = tpu.matmul %squeeze3A_43, %get3A_46, %dot_general3A_47 {dimension_numbers = #tpu.dot_dimension_numbers<[1], [0], [0], [1], [0, 0, 1, 1], [], []>, transpose_lhs_hint = false} : vector<1250x128xf32>, vector<128x16xf32>, vector<1250x16xf32> -> vector<1250x16xf32>
    %slice3A_49 = vector.extract_strided_slice %get3A_2 {offsets = [0, 7, 0], sizes = [1250, 1, 128], strides = [1, 1, 1]} : vector<1250x8x128xf32> to vector<1250x1x128xf32>
    %squeeze3A_50 = vector.shape_cast %slice3A_49 : vector<1250x1x128xf32> to vector<1250x128xf32>
    %get3A_51 = arith.constant 0 : index
    %get3A_52 = arith.constant 0 : index
    %get3A_53 = vector.load %arg1[%get3A_51, %get3A_52] : memref<128x16xf32, #tpu.memory_space<vmem>>, vector<128x16xf32>
    %dot_general3A_54 = arith.constant dense<0.000000e+00> : vector<1250x16xf32>
    %dot_general3A_55 = tpu.matmul %squeeze3A_50, %get3A_53, %dot_general3A_54 {dimension_numbers = #tpu.dot_dimension_numbers<[1], [0], [0], [1], [0, 0, 1, 1], [], []>, transpose_lhs_hint = false} : vector<1250x128xf32>, vector<128x16xf32>, vector<1250x16xf32> -> vector<1250x16xf32>
    %concatenate3A = tpu.concatenate %dot_general3A_6, %dot_general3A_13, %dot_general3A_20, %dot_general3A_27, %dot_general3A_34, %dot_general3A_41, %dot_general3A_48, %dot_general3A_55 in 1 : vector<1250x16xf32>, vector<1250x16xf32>, vector<1250x16xf32>, vector<1250x16xf32>, vector<1250x16xf32>, vector<1250x16xf32>, vector<1250x16xf32>, vector<1250x16xf32> -> vector<1250x128xf32>
    %broadcast_in_dim3A = arith.constant 0.000000e+00 : f32
    %broadcast_in_dim3A_56 = vector.broadcast %broadcast_in_dim3A : f32 to vector<14x128xf32>
    %concatenate3A_57 = tpu.concatenate %concatenate3A, %broadcast_in_dim3A_56 in 0 : vector<1250x128xf32>, vector<14x128xf32> -> vector<1264x128xf32>
    %swap3A = arith.constant 0 : index
    %swap3A_58 = arith.constant 0 : index
    %swap3A_59 = vector.load %arg2[%swap3A, %swap3A_58] : memref<1264x128xf32, #tpu.memory_space<vmem>>, vector<1264x128xf32>
    tpu.vector_store %arg2[%swap3A, %swap3A_58], %concatenate3A_57 {strides = array<i32>} : memref<1264x128xf32, #tpu.memory_space<vmem>>, vector<1264x128xf32>,
    return
  }
}

module attributes {stable_mosaic.version = 14 : i64} {
  func.func @_scale_body(%arg0: memref<1264x128xf32, #tpu.memory_space<vmem>>, %arg1: memref<2x1264x128xf32, #tpu.memory_space<vmem>>, %arg2: memref<1264x128xf32, #tpu.memory_space<vmem>>) attributes {dimension_semantics = [], scalar_prefetch = 0 : i64, scratch_operands = 0 : i64, tpu.core_type = #tpu.core_type<tc>} {
    %get3A = arith.constant 0 : index
    %get3A_0 = arith.constant 0 : index
    %get3A_1 = vector.load %arg0[%get3A, %get3A_0] : memref<1264x128xf32, #tpu.memory_space<vmem>>, vector<1264x128xf32>
    %get3A_2 = arith.constant 0 : index
    %get3A_3 = arith.constant 0 : index
    %get3A_4 = arith.constant 0 : index
    %get3A_5 = vector.load %arg1[%get3A_2, %get3A_3, %get3A_4] : memref<2x1264x128xf32, #tpu.memory_space<vmem>>, vector<1x1264x128xf32>
    %get3A_6 = vector.shape_cast %get3A_5 : vector<1x1264x128xf32> to vector<1264x128xf32>
    %add3A = arith.constant 1.000000e+00 : f32
    %add3A_7 = vector.broadcast %add3A : f32 to vector<1264x128xf32>
    %add3A_8 = arith.addf %add3A_7, %get3A_6 : vector<1264x128xf32>
    %get3A_9 = arith.constant 1 : index
    %get3A_10 = arith.constant 0 : index
    %get3A_11 = arith.constant 0 : index
    %get3A_12 = vector.load %arg1[%get3A_9, %get3A_10, %get3A_11] : memref<2x1264x128xf32, #tpu.memory_space<vmem>>, vector<1x1264x128xf32>
    %get3A_13 = vector.shape_cast %get3A_12 : vector<1x1264x128xf32> to vector<1264x128xf32>
    %add3A_14 = arith.addf %add3A_8, %get3A_13 : vector<1264x128xf32>
    %rsqrt3A = math.rsqrt %add3A_14 : vector<1264x128xf32>
    %mul3A = arith.mulf %get3A_1, %rsqrt3A : vector<1264x128xf32>
    %swap3A = arith.constant 0 : index
    %swap3A_15 = arith.constant 0 : index
    %swap3A_16 = vector.load %arg2[%swap3A, %swap3A_15] : memref<1264x128xf32, #tpu.memory_space<vmem>>, vector<1264x128xf32>
    tpu.vector_store %arg2[%swap3A, %swap3A_15], %mul3A {strides = array<i32>} : memref<1264x128xf32, #tpu.memory_space<vmem>>, vector<1264x128xf32>,
    return
  }
}

module attributes {stable_mosaic.version = 14 : i64} {
  func.func @_layer2_body(%arg0: memref<2x1264x128xf32, #tpu.memory_space<vmem>>, %arg1: memref<1264x128xf32, #tpu.memory_space<vmem>>, %arg2: memref<2x1264x128xf32, #tpu.memory_space<vmem>>, %arg3: memref<1x128xf32, #tpu.memory_space<vmem>>, %arg4: memref<1264x128xf32, #tpu.memory_space<vmem>>) attributes {dimension_semantics = [], scalar_prefetch = 0 : i64, scratch_operands = 0 : i64, tpu.core_type = #tpu.core_type<tc>} {
    %get3A = arith.constant 0 : index
    %get3A_0 = arith.constant 0 : index
    %get3A_1 = arith.constant 0 : index
    %get3A_2 = vector.load %arg2[%get3A, %get3A_0, %get3A_1] : memref<2x1264x128xf32, #tpu.memory_space<vmem>>, vector<1x1264x128xf32>
    %get3A_3 = vector.shape_cast %get3A_2 : vector<1x1264x128xf32> to vector<1264x128xf32>
    %add3A = arith.constant 1.000000e+00 : f32
    %add3A_4 = vector.broadcast %add3A : f32 to vector<1264x128xf32>
    %add3A_5 = arith.addf %add3A_4, %get3A_3 : vector<1264x128xf32>
    %get3A_6 = arith.constant 1 : index
    %get3A_7 = arith.constant 0 : index
    %get3A_8 = arith.constant 0 : index
    %get3A_9 = vector.load %arg2[%get3A_6, %get3A_7, %get3A_8] : memref<2x1264x128xf32, #tpu.memory_space<vmem>>, vector<1x1264x128xf32>
    %get3A_10 = vector.shape_cast %get3A_9 : vector<1x1264x128xf32> to vector<1264x128xf32>
    %add3A_11 = arith.addf %add3A_5, %get3A_10 : vector<1264x128xf32>
    %rsqrt3A = math.rsqrt %add3A_11 : vector<1264x128xf32>
    %get3A_12 = arith.constant 0 : index
    %get3A_13 = arith.constant 0 : index
    %get3A_14 = arith.constant 0 : index
    %get3A_15 = vector.load %arg0[%get3A_12, %get3A_13, %get3A_14] : memref<2x1264x128xf32, #tpu.memory_space<vmem>>, vector<1x1264x128xf32>
    %get3A_16 = vector.shape_cast %get3A_15 : vector<1x1264x128xf32> to vector<1264x128xf32>
    %get3A_17 = arith.constant 1 : index
    %get3A_18 = arith.constant 0 : index
    %get3A_19 = arith.constant 0 : index
    %get3A_20 = vector.load %arg0[%get3A_17, %get3A_18, %get3A_19] : memref<2x1264x128xf32, #tpu.memory_space<vmem>>, vector<1x1264x128xf32>
    %get3A_21 = vector.shape_cast %get3A_20 : vector<1x1264x128xf32> to vector<1264x128xf32>
    %add3A_22 = arith.addf %get3A_16, %get3A_21 : vector<1264x128xf32>
    %get3A_23 = arith.constant 0 : index
    %get3A_24 = arith.constant 0 : index
    %get3A_25 = vector.load %arg1[%get3A_23, %get3A_24] : memref<1264x128xf32, #tpu.memory_space<vmem>>, vector<1264x128xf32>
    %add3A_26 = arith.addf %add3A_22, %get3A_25 : vector<1264x128xf32>
    %mul3A = arith.mulf %rsqrt3A, %add3A_26 : vector<1264x128xf32>
    %get3A_27 = arith.constant 0 : index
    %get3A_28 = arith.constant 0 : index
    %get3A_29 = vector.load %arg3[%get3A_27, %get3A_28] : memref<1x128xf32, #tpu.memory_space<vmem>>, vector<1x128xf32>
    %add3A_30 = vector.broadcast %get3A_29 : vector<1x128xf32> to vector<1264x128xf32>
    %add3A_31 = arith.addf %mul3A, %add3A_30 : vector<1264x128xf32>
    %iota3A = tpu.iota {dimensions = array<i32: 1>} : vector<1264x128xi32>
    %jit3A = arith.constant 16 : i32
    %eq3A = arith.constant 0 : i32
    %eq3A_32 = arith.cmpi eq, %jit3A, %eq3A : i32
    %jit3A_33 = arith.constant 1 : i32
    %select_n3A = arith.select %eq3A_32, %jit3A_33, %jit3A : i32
    %rem3A = vector.broadcast %select_n3A : i32 to vector<1264x128xi32>
    %rem3A_34 = arith.remsi %iota3A, %rem3A : vector<1264x128xi32>
    %ne3A = arith.constant 0 : i32
    %ne3A_35 = vector.broadcast %ne3A : i32 to vector<1264x128xi32>
    %ne3A_36 = arith.cmpi ne, %rem3A_34, %ne3A_35 : vector<1264x128xi32>
    %lt3A = arith.constant 0 : i32
    %lt3A_37 = vector.broadcast %lt3A : i32 to vector<1264x128xi32>
    %lt3A_38 = arith.cmpi slt, %rem3A_34, %lt3A_37 : vector<1264x128xi32>
    %lt3A_39 = arith.constant 0 : i32
    %lt3A_40 = arith.cmpi slt, %select_n3A, %lt3A_39 : i32
    %ne3A_41 = vector.broadcast %lt3A_40 : i1 to vector<1264x128xi1>
    %ne3A_42 = vector.broadcast %ne3A_41 : vector<1264x128xi1> to vector<1264x128xi1>
    %ne3A_43 = arith.xori %lt3A_38, %ne3A_42 : vector<1264x128xi1>
    %and3A = arith.andi %ne3A_43, %ne3A_36 : vector<1264x128xi1>
    %add3A_44 = vector.broadcast %select_n3A : i32 to vector<1264x128xi32>
    %add3A_45 = arith.addi %rem3A_34, %add3A_44 : vector<1264x128xi32>
    %select_n3A_46 = arith.select %and3A, %add3A_45, %rem3A_34 : vector<1264x128xi1>, vector<1264x128xi32>
    %lt3A_47 = arith.constant 3 : i32
    %lt3A_48 = vector.broadcast %lt3A_47 : i32 to vector<1264x128xi32>
    %lt3A_49 = arith.cmpi slt, %select_n3A_46, %lt3A_48 : vector<1264x128xi32>
    %roll3A = arith.constant 127 : i32
    %roll3A_50 = tpu.dynamic_rotate %add3A_31 by %roll3A dim 1 : vector<1264x128xf32>, i32 -> vector<1264x128xf32>
    %roll3A_51 = arith.constant 126 : i32
    %roll3A_52 = tpu.dynamic_rotate %add3A_31 by %roll3A_51 dim 1 : vector<1264x128xf32>, i32 -> vector<1264x128xf32>
    %max3A = arith.maximumf %add3A_31, %roll3A_50 : vector<1264x128xf32>
    %max3A_53 = arith.maximumf %max3A, %roll3A_52 : vector<1264x128xf32>
    %jit3A_54 = arith.constant 16 : i32
    %eq3A_55 = arith.constant 0 : i32
    %eq3A_56 = arith.cmpi eq, %jit3A_54, %eq3A_55 : i32
    %jit3A_57 = arith.constant 1 : i32
    %select_n3A_58 = arith.select %eq3A_56, %jit3A_57, %jit3A_54 : i32
    %rem3A_59 = vector.broadcast %select_n3A_58 : i32 to vector<1264x128xi32>
    %rem3A_60 = arith.remsi %iota3A, %rem3A_59 : vector<1264x128xi32>
    %ne3A_61 = arith.constant 0 : i32
    %ne3A_62 = vector.broadcast %ne3A_61 : i32 to vector<1264x128xi32>
    %ne3A_63 = arith.cmpi ne, %rem3A_60, %ne3A_62 : vector<1264x128xi32>
    %lt3A_64 = arith.constant 0 : i32
    %lt3A_65 = vector.broadcast %lt3A_64 : i32 to vector<1264x128xi32>
    %lt3A_66 = arith.cmpi slt, %rem3A_60, %lt3A_65 : vector<1264x128xi32>
    %lt3A_67 = arith.constant 0 : i32
    %lt3A_68 = arith.cmpi slt, %select_n3A_58, %lt3A_67 : i32
    %ne3A_69 = vector.broadcast %lt3A_68 : i1 to vector<1264x128xi1>
    %ne3A_70 = vector.broadcast %ne3A_69 : vector<1264x128xi1> to vector<1264x128xi1>
    %ne3A_71 = arith.xori %lt3A_66, %ne3A_70 : vector<1264x128xi1>
    %and3A_72 = arith.andi %ne3A_71, %ne3A_63 : vector<1264x128xi1>
    %add3A_73 = vector.broadcast %select_n3A_58 : i32 to vector<1264x128xi32>
    %add3A_74 = arith.addi %rem3A_60, %add3A_73 : vector<1264x128xi32>
    %select_n3A_75 = arith.select %and3A_72, %add3A_74, %rem3A_60 : vector<1264x128xi1>, vector<1264x128xi32>
    %eq3A_76 = arith.constant 0 : i32
    %eq3A_77 = vector.broadcast %eq3A_76 : i32 to vector<1264x128xi32>
    %eq3A_78 = arith.cmpi eq, %select_n3A_75, %eq3A_77 : vector<1264x128xi32>
    %jit3A_79 = arith.constant 0.000000e+00 : f32
    %broadcast_in_dim3A = vector.broadcast %jit3A_79 : f32 to vector<1264x128xf32>
    %select_n3A_80 = arith.select %eq3A_78, %max3A_53, %broadcast_in_dim3A : vector<1264x128xi1>, vector<1264x128xf32>
    %iota3A_81 = tpu.iota {dimensions = array<i32: 0>} : vector<128x128xi32>
    %iota3A_82 = tpu.iota {dimensions = array<i32: 1>} : vector<128x128xi32>
    %jit3A_83 = arith.constant 16 : i32
    %div3A = vector.broadcast %jit3A_83 : i32 to vector<128x128xi32>
    %div3A_84 = arith.divsi %iota3A_82, %div3A : vector<128x128xi32>
    %sign3A = arith.constant 0 : i32
    %sign3A_85 = vector.broadcast %sign3A : i32 to vector<128x128xi32>
    %sign3A_86 = arith.cmpi sgt, %iota3A_82, %sign3A_85 : vector<128x128xi32>
    %sign3A_87 = arith.extui %sign3A_86 : vector<128x128xi1> to vector<128x128xi32>
    %sign3A_88 = arith.constant 0 : i32
    %sign3A_89 = vector.broadcast %sign3A_88 : i32 to vector<128x128xi32>
    %sign3A_90 = arith.cmpi slt, %iota3A_82, %sign3A_89 : vector<128x128xi32>
    %sign3A_91 = arith.extui %sign3A_90 : vector<128x128xi1> to vector<128x128xi32>
    %sign3A_92 = arith.subi %sign3A_87, %sign3A_91 : vector<128x128xi32>
    %sign3A_93 = arith.constant 0 : i32
    %sign3A_94 = arith.cmpi sgt, %jit3A_83, %sign3A_93 : i32
    %sign3A_95 = arith.extui %sign3A_94 : i1 to i32
    %sign3A_96 = arith.constant 0 : i32
    %sign3A_97 = arith.cmpi slt, %jit3A_83, %sign3A_96 : i32
    %sign3A_98 = arith.extui %sign3A_97 : i1 to i32
    %sign3A_99 = arith.subi %sign3A_95, %sign3A_98 : i32
    %ne3A_100 = vector.broadcast %sign3A_99 : i32 to vector<128x128xi32>
    %ne3A_101 = arith.cmpi ne, %sign3A_92, %ne3A_100 : vector<128x128xi32>
    %rem3A_102 = vector.broadcast %jit3A_83 : i32 to vector<128x128xi32>
    %rem3A_103 = arith.remsi %iota3A_82, %rem3A_102 : vector<128x128xi32>
    %ne3A_104 = arith.constant 0 : i32
    %ne3A_105 = vector.broadcast %ne3A_104 : i32 to vector<128x128xi32>
    %ne3A_106 = arith.cmpi ne, %rem3A_103, %ne3A_105 : vector<128x128xi32>
    %and3A_107 = arith.andi %ne3A_101, %ne3A_106 : vector<128x128xi1>
    %sub3A = arith.constant 1 : i32
    %sub3A_108 = vector.broadcast %sub3A : i32 to vector<128x128xi32>
    %sub3A_109 = arith.subi %div3A_84, %sub3A_108 : vector<128x128xi32>
    %select_n3A_110 = arith.select %and3A_107, %sub3A_109, %div3A_84 : vector<128x128xi1>, vector<128x128xi32>
    %mul3A_111 = arith.constant 16 : i32
    %mul3A_112 = vector.broadcast %mul3A_111 : i32 to vector<128x128xi32>
    %mul3A_113 = arith.muli %select_n3A_110, %mul3A_112 : vector<128x128xi32>
    %eq3A_114 = arith.cmpi eq, %iota3A_81, %mul3A_113 : vector<128x128xi32>
    %convert_element_type3A = arith.extui %eq3A_114 : vector<128x128xi1> to vector<128x128xi32>
    %convert_element_type3A_115 = arith.sitofp %convert_element_type3A : vector<128x128xi32> to vector<128x128xf32>
    %jit3A_116 = arith.constant 16 : i32
    %div3A_117 = vector.broadcast %jit3A_116 : i32 to vector<128x128xi32>
    %div3A_118 = arith.divsi %iota3A_81, %div3A_117 : vector<128x128xi32>
    %sign3A_119 = arith.constant 0 : i32
    %sign3A_120 = vector.broadcast %sign3A_119 : i32 to vector<128x128xi32>
    %sign3A_121 = arith.cmpi sgt, %iota3A_81, %sign3A_120 : vector<128x128xi32>
    %sign3A_122 = arith.extui %sign3A_121 : vector<128x128xi1> to vector<128x128xi32>
    %sign3A_123 = arith.constant 0 : i32
    %sign3A_124 = vector.broadcast %sign3A_123 : i32 to vector<128x128xi32>
    %sign3A_125 = arith.cmpi slt, %iota3A_81, %sign3A_124 : vector<128x128xi32>
    %sign3A_126 = arith.extui %sign3A_125 : vector<128x128xi1> to vector<128x128xi32>
    %sign3A_127 = arith.subi %sign3A_122, %sign3A_126 : vector<128x128xi32>
    %sign3A_128 = arith.constant 0 : i32
    %sign3A_129 = arith.cmpi sgt, %jit3A_116, %sign3A_128 : i32
    %sign3A_130 = arith.extui %sign3A_129 : i1 to i32
    %sign3A_131 = arith.constant 0 : i32
    %sign3A_132 = arith.cmpi slt, %jit3A_116, %sign3A_131 : i32
    %sign3A_133 = arith.extui %sign3A_132 : i1 to i32
    %sign3A_134 = arith.subi %sign3A_130, %sign3A_133 : i32
    %ne3A_135 = vector.broadcast %sign3A_134 : i32 to vector<128x128xi32>
    %ne3A_136 = arith.cmpi ne, %sign3A_127, %ne3A_135 : vector<128x128xi32>
    %rem3A_137 = vector.broadcast %jit3A_116 : i32 to vector<128x128xi32>
    %rem3A_138 = arith.remsi %iota3A_81, %rem3A_137 : vector<128x128xi32>
    %ne3A_139 = arith.constant 0 : i32
    %ne3A_140 = vector.broadcast %ne3A_139 : i32 to vector<128x128xi32>
    %ne3A_141 = arith.cmpi ne, %rem3A_138, %ne3A_140 : vector<128x128xi32>
    %and3A_142 = arith.andi %ne3A_136, %ne3A_141 : vector<128x128xi1>
    %sub3A_143 = arith.constant 1 : i32
    %sub3A_144 = vector.broadcast %sub3A_143 : i32 to vector<128x128xi32>
    %sub3A_145 = arith.subi %div3A_118, %sub3A_144 : vector<128x128xi32>
    %select_n3A_146 = arith.select %and3A_142, %sub3A_145, %div3A_118 : vector<128x128xi1>, vector<128x128xi32>
    %jit3A_147 = arith.constant 16 : i32
    %div3A_148 = vector.broadcast %jit3A_147 : i32 to vector<128x128xi32>
    %div3A_149 = arith.divsi %iota3A_82, %div3A_148 : vector<128x128xi32>
    %sign3A_150 = arith.constant 0 : i32
    %sign3A_151 = vector.broadcast %sign3A_150 : i32 to vector<128x128xi32>
    %sign3A_152 = arith.cmpi sgt, %iota3A_82, %sign3A_151 : vector<128x128xi32>
    %sign3A_153 = arith.extui %sign3A_152 : vector<128x128xi1> to vector<128x128xi32>
    %sign3A_154 = arith.constant 0 : i32
    %sign3A_155 = vector.broadcast %sign3A_154 : i32 to vector<128x128xi32>
    %sign3A_156 = arith.cmpi slt, %iota3A_82, %sign3A_155 : vector<128x128xi32>
    %sign3A_157 = arith.extui %sign3A_156 : vector<128x128xi1> to vector<128x128xi32>
    %sign3A_158 = arith.subi %sign3A_153, %sign3A_157 : vector<128x128xi32>
    %sign3A_159 = arith.constant 0 : i32
    %sign3A_160 = arith.cmpi sgt, %jit3A_147, %sign3A_159 : i32
    %sign3A_161 = arith.extui %sign3A_160 : i1 to i32
    %sign3A_162 = arith.constant 0 : i32
    %sign3A_163 = arith.cmpi slt, %jit3A_147, %sign3A_162 : i32
    %sign3A_164 = arith.extui %sign3A_163 : i1 to i32
    %sign3A_165 = arith.subi %sign3A_161, %sign3A_164 : i32
    %ne3A_166 = vector.broadcast %sign3A_165 : i32 to vector<128x128xi32>
    %ne3A_167 = arith.cmpi ne, %sign3A_158, %ne3A_166 : vector<128x128xi32>
    %rem3A_168 = vector.broadcast %jit3A_147 : i32 to vector<128x128xi32>
    %rem3A_169 = arith.remsi %iota3A_82, %rem3A_168 : vector<128x128xi32>
    %ne3A_170 = arith.constant 0 : i32
    %ne3A_171 = vector.broadcast %ne3A_170 : i32 to vector<128x128xi32>
    %ne3A_172 = arith.cmpi ne, %rem3A_169, %ne3A_171 : vector<128x128xi32>
    %and3A_173 = arith.andi %ne3A_167, %ne3A_172 : vector<128x128xi1>
    %sub3A_174 = arith.constant 1 : i32
    %sub3A_175 = vector.broadcast %sub3A_174 : i32 to vector<128x128xi32>
    %sub3A_176 = arith.subi %div3A_149, %sub3A_175 : vector<128x128xi32>
    %select_n3A_177 = arith.select %and3A_173, %sub3A_176, %div3A_149 : vector<128x128xi1>, vector<128x128xi32>
    %eq3A_178 = arith.cmpi eq, %select_n3A_146, %select_n3A_177 : vector<128x128xi32>
    %convert_element_type3A_179 = arith.extui %eq3A_178 : vector<128x128xi1> to vector<128x128xi32>
    %convert_element_type3A_180 = arith.sitofp %convert_element_type3A_179 : vector<128x128xi32> to vector<128x128xf32>
    %dot_general3A = arith.constant dense<0.000000e+00> : vector<1264x128xf32>
    %dot_general3A_181 = tpu.matmul %select_n3A_80, %convert_element_type3A_115, %dot_general3A {dimension_numbers = #tpu.dot_dimension_numbers<[1], [0], [0], [1], [0, 0, 1, 1], [], []>, transpose_lhs_hint = false} : vector<1264x128xf32>, vector<128x128xf32>, vector<1264x128xf32> -> vector<1264x128xf32>
    %sub3A_182 = arith.subf %add3A_31, %dot_general3A_181 : vector<1264x128xf32>
    %exp3A = math.exp %sub3A_182 : vector<1264x128xf32>
    %jit3A_183 = arith.constant 0.000000e+00 : f32
    %broadcast_in_dim3A_184 = vector.broadcast %jit3A_183 : f32 to vector<1264x128xf32>
    %select_n3A_185 = arith.select %lt3A_49, %exp3A, %broadcast_in_dim3A_184 : vector<1264x128xi1>, vector<1264x128xf32>
    %dot_general3A_186 = arith.constant dense<0.000000e+00> : vector<1264x128xf32>
    %dot_general3A_187 = tpu.matmul %select_n3A_185, %convert_element_type3A_180, %dot_general3A_186 {dimension_numbers = #tpu.dot_dimension_numbers<[1], [0], [0], [1], [0, 0, 1, 1], [], []>, transpose_lhs_hint = false} : vector<1264x128xf32>, vector<128x128xf32>, vector<1264x128xf32> -> vector<1264x128xf32>
    %sub3A_188 = arith.subf %add3A_31, %dot_general3A_181 : vector<1264x128xf32>
    %log3A = math.log %dot_general3A_187 : vector<1264x128xf32>
    %sub3A_189 = arith.subf %sub3A_188, %log3A : vector<1264x128xf32>
    %swap3A = arith.constant 0 : index
    %swap3A_190 = arith.constant 0 : index
    %swap3A_191 = vector.load %arg4[%swap3A, %swap3A_190] : memref<1264x128xf32, #tpu.memory_space<vmem>>, vector<1264x128xf32>
    tpu.vector_store %arg4[%swap3A, %swap3A_190], %sub3A_189 {strides = array<i32>} : memref<1264x128xf32, #tpu.memory_space<vmem>>, vector<1264x128xf32>,
    return
  }
}

module attributes {stable_mosaic.version = 14 : i64} {
  func.func @_layer1_body(%arg0: memref<2x1264x128xf32, #tpu.memory_space<vmem>>, %arg1: memref<1264x128xf32, #tpu.memory_space<vmem>>, %arg2: memref<2x1264x128xf32, #tpu.memory_space<vmem>>, %arg3: memref<1x128xf32, #tpu.memory_space<vmem>>, %arg4: memref<16x16xf32, #tpu.memory_space<vmem>>, %arg5: memref<1264x128xf32, #tpu.memory_space<vmem>>) attributes {dimension_semantics = [], scalar_prefetch = 0 : i64, scratch_operands = 0 : i64, tpu.core_type = #tpu.core_type<tc>} {
    %get3A = arith.constant 0 : index
    %get3A_0 = arith.constant 0 : index
    %get3A_1 = arith.constant 0 : index
    %get3A_2 = vector.load %arg2[%get3A, %get3A_0, %get3A_1] : memref<2x1264x128xf32, #tpu.memory_space<vmem>>, vector<1x1264x128xf32>
    %get3A_3 = vector.shape_cast %get3A_2 : vector<1x1264x128xf32> to vector<1264x128xf32>
    %add3A = arith.constant 1.000000e+00 : f32
    %add3A_4 = vector.broadcast %add3A : f32 to vector<1264x128xf32>
    %add3A_5 = arith.addf %add3A_4, %get3A_3 : vector<1264x128xf32>
    %get3A_6 = arith.constant 1 : index
    %get3A_7 = arith.constant 0 : index
    %get3A_8 = arith.constant 0 : index
    %get3A_9 = vector.load %arg2[%get3A_6, %get3A_7, %get3A_8] : memref<2x1264x128xf32, #tpu.memory_space<vmem>>, vector<1x1264x128xf32>
    %get3A_10 = vector.shape_cast %get3A_9 : vector<1x1264x128xf32> to vector<1264x128xf32>
    %add3A_11 = arith.addf %add3A_5, %get3A_10 : vector<1264x128xf32>
    %rsqrt3A = math.rsqrt %add3A_11 : vector<1264x128xf32>
    %get3A_12 = arith.constant 0 : index
    %get3A_13 = arith.constant 0 : index
    %get3A_14 = arith.constant 0 : index
    %get3A_15 = vector.load %arg0[%get3A_12, %get3A_13, %get3A_14] : memref<2x1264x128xf32, #tpu.memory_space<vmem>>, vector<1x1264x128xf32>
    %get3A_16 = vector.shape_cast %get3A_15 : vector<1x1264x128xf32> to vector<1264x128xf32>
    %get3A_17 = arith.constant 1 : index
    %get3A_18 = arith.constant 0 : index
    %get3A_19 = arith.constant 0 : index
    %get3A_20 = vector.load %arg0[%get3A_17, %get3A_18, %get3A_19] : memref<2x1264x128xf32, #tpu.memory_space<vmem>>, vector<1x1264x128xf32>
    %get3A_21 = vector.shape_cast %get3A_20 : vector<1x1264x128xf32> to vector<1264x128xf32>
    %add3A_22 = arith.addf %get3A_16, %get3A_21 : vector<1264x128xf32>
    %get3A_23 = arith.constant 0 : index
    %get3A_24 = arith.constant 0 : index
    %get3A_25 = vector.load %arg1[%get3A_23, %get3A_24] : memref<1264x128xf32, #tpu.memory_space<vmem>>, vector<1264x128xf32>
    %add3A_26 = arith.addf %add3A_22, %get3A_25 : vector<1264x128xf32>
    %mul3A = arith.mulf %rsqrt3A, %add3A_26 : vector<1264x128xf32>
    %get3A_27 = arith.constant 0 : index
    %get3A_28 = arith.constant 0 : index
    %get3A_29 = vector.load %arg3[%get3A_27, %get3A_28] : memref<1x128xf32, #tpu.memory_space<vmem>>, vector<1x128xf32>
    %add3A_30 = vector.broadcast %get3A_29 : vector<1x128xf32> to vector<1264x128xf32>
    %add3A_31 = arith.addf %mul3A, %add3A_30 : vector<1264x128xf32>
    %max3A = arith.constant 0.000000e+00 : f32
    %max3A_32 = vector.broadcast %max3A : f32 to vector<1264x128xf32>
    %max3A_33 = arith.maximumf %add3A_31, %max3A_32 : vector<1264x128xf32>
    %mul3A_34 = arith.mulf %rsqrt3A, %max3A_33 : vector<1264x128xf32>
    %slice3A = vector.extract_strided_slice %mul3A_34 {offsets = [0, 0], sizes = [1264, 16], strides = [1, 1]} : vector<1264x128xf32> to vector<1264x16xf32>
    %get3A_35 = arith.constant 0 : index
    %get3A_36 = arith.constant 0 : index
    %get3A_37 = vector.load %arg4[%get3A_35, %get3A_36] : memref<16x16xf32, #tpu.memory_space<vmem>>, vector<16x16xf32>
    %dot_general3A = arith.constant dense<0.000000e+00> : vector<1264x16xf32>
    %dot_general3A_38 = tpu.matmul %slice3A, %get3A_37, %dot_general3A {dimension_numbers = #tpu.dot_dimension_numbers<[1], [0], [0], [1], [0, 0, 1, 1], [], []>, transpose_lhs_hint = false} : vector<1264x16xf32>, vector<16x16xf32>, vector<1264x16xf32> -> vector<1264x16xf32>
    %slice3A_39 = vector.extract_strided_slice %mul3A_34 {offsets = [0, 16], sizes = [1264, 16], strides = [1, 1]} : vector<1264x128xf32> to vector<1264x16xf32>
    %get3A_40 = arith.constant 0 : index
    %get3A_41 = arith.constant 0 : index
    %get3A_42 = vector.load %arg4[%get3A_40, %get3A_41] : memref<16x16xf32, #tpu.memory_space<vmem>>, vector<16x16xf32>
    %dot_general3A_43 = arith.constant dense<0.000000e+00> : vector<1264x16xf32>
    %dot_general3A_44 = tpu.matmul %slice3A_39, %get3A_42, %dot_general3A_43 {dimension_numbers = #tpu.dot_dimension_numbers<[1], [0], [0], [1], [0, 0, 1, 1], [], []>, transpose_lhs_hint = false} : vector<1264x16xf32>, vector<16x16xf32>, vector<1264x16xf32> -> vector<1264x16xf32>
    %slice3A_45 = vector.extract_strided_slice %mul3A_34 {offsets = [0, 32], sizes = [1264, 16], strides = [1, 1]} : vector<1264x128xf32> to vector<1264x16xf32>
    %get3A_46 = arith.constant 0 : index
    %get3A_47 = arith.constant 0 : index
    %get3A_48 = vector.load %arg4[%get3A_46, %get3A_47] : memref<16x16xf32, #tpu.memory_space<vmem>>, vector<16x16xf32>
    %dot_general3A_49 = arith.constant dense<0.000000e+00> : vector<1264x16xf32>
    %dot_general3A_50 = tpu.matmul %slice3A_45, %get3A_48, %dot_general3A_49 {dimension_numbers = #tpu.dot_dimension_numbers<[1], [0], [0], [1], [0, 0, 1, 1], [], []>, transpose_lhs_hint = false} : vector<1264x16xf32>, vector<16x16xf32>, vector<1264x16xf32> -> vector<1264x16xf32>
    %slice3A_51 = vector.extract_strided_slice %mul3A_34 {offsets = [0, 48], sizes = [1264, 16], strides = [1, 1]} : vector<1264x128xf32> to vector<1264x16xf32>
    %get3A_52 = arith.constant 0 : index
    %get3A_53 = arith.constant 0 : index
    %get3A_54 = vector.load %arg4[%get3A_52, %get3A_53] : memref<16x16xf32, #tpu.memory_space<vmem>>, vector<16x16xf32>
    %dot_general3A_55 = arith.constant dense<0.000000e+00> : vector<1264x16xf32>
    %dot_general3A_56 = tpu.matmul %slice3A_51, %get3A_54, %dot_general3A_55 {dimension_numbers = #tpu.dot_dimension_numbers<[1], [0], [0], [1], [0, 0, 1, 1], [], []>, transpose_lhs_hint = false} : vector<1264x16xf32>, vector<16x16xf32>, vector<1264x16xf32> -> vector<1264x16xf32>
    %slice3A_57 = vector.extract_strided_slice %mul3A_34 {offsets = [0, 64], sizes = [1264, 16], strides = [1, 1]} : vector<1264x128xf32> to vector<1264x16xf32>
    %get3A_58 = arith.constant 0 : index
    %get3A_59 = arith.constant 0 : index
    %get3A_60 = vector.load %arg4[%get3A_58, %get3A_59] : memref<16x16xf32, #tpu.memory_space<vmem>>, vector<16x16xf32>
    %dot_general3A_61 = arith.constant dense<0.000000e+00> : vector<1264x16xf32>
    %dot_general3A_62 = tpu.matmul %slice3A_57, %get3A_60, %dot_general3A_61 {dimension_numbers = #tpu.dot_dimension_numbers<[1], [0], [0], [1], [0, 0, 1, 1], [], []>, transpose_lhs_hint = false} : vector<1264x16xf32>, vector<16x16xf32>, vector<1264x16xf32> -> vector<1264x16xf32>
    %slice3A_63 = vector.extract_strided_slice %mul3A_34 {offsets = [0, 80], sizes = [1264, 16], strides = [1, 1]} : vector<1264x128xf32> to vector<1264x16xf32>
    %get3A_64 = arith.constant 0 : index
    %get3A_65 = arith.constant 0 : index
    %get3A_66 = vector.load %arg4[%get3A_64, %get3A_65] : memref<16x16xf32, #tpu.memory_space<vmem>>, vector<16x16xf32>
    %dot_general3A_67 = arith.constant dense<0.000000e+00> : vector<1264x16xf32>
    %dot_general3A_68 = tpu.matmul %slice3A_63, %get3A_66, %dot_general3A_67 {dimension_numbers = #tpu.dot_dimension_numbers<[1], [0], [0], [1], [0, 0, 1, 1], [], []>, transpose_lhs_hint = false} : vector<1264x16xf32>, vector<16x16xf32>, vector<1264x16xf32> -> vector<1264x16xf32>
    %slice3A_69 = vector.extract_strided_slice %mul3A_34 {offsets = [0, 96], sizes = [1264, 16], strides = [1, 1]} : vector<1264x128xf32> to vector<1264x16xf32>
    %get3A_70 = arith.constant 0 : index
    %get3A_71 = arith.constant 0 : index
    %get3A_72 = vector.load %arg4[%get3A_70, %get3A_71] : memref<16x16xf32, #tpu.memory_space<vmem>>, vector<16x16xf32>
    %dot_general3A_73 = arith.constant dense<0.000000e+00> : vector<1264x16xf32>
    %dot_general3A_74 = tpu.matmul %slice3A_69, %get3A_72, %dot_general3A_73 {dimension_numbers = #tpu.dot_dimension_numbers<[1], [0], [0], [1], [0, 0, 1, 1], [], []>, transpose_lhs_hint = false} : vector<1264x16xf32>, vector<16x16xf32>, vector<1264x16xf32> -> vector<1264x16xf32>
    %slice3A_75 = vector.extract_strided_slice %mul3A_34 {offsets = [0, 112], sizes = [1264, 16], strides = [1, 1]} : vector<1264x128xf32> to vector<1264x16xf32>
    %get3A_76 = arith.constant 0 : index
    %get3A_77 = arith.constant 0 : index
    %get3A_78 = vector.load %arg4[%get3A_76, %get3A_77] : memref<16x16xf32, #tpu.memory_space<vmem>>, vector<16x16xf32>
    %dot_general3A_79 = arith.constant dense<0.000000e+00> : vector<1264x16xf32>
    %dot_general3A_80 = tpu.matmul %slice3A_75, %get3A_78, %dot_general3A_79 {dimension_numbers = #tpu.dot_dimension_numbers<[1], [0], [0], [1], [0, 0, 1, 1], [], []>, transpose_lhs_hint = false} : vector<1264x16xf32>, vector<16x16xf32>, vector<1264x16xf32> -> vector<1264x16xf32>
    %concatenate3A = tpu.concatenate %dot_general3A_38, %dot_general3A_44, %dot_general3A_50, %dot_general3A_56, %dot_general3A_62, %dot_general3A_68, %dot_general3A_74, %dot_general3A_80 in 1 : vector<1264x16xf32>, vector<1264x16xf32>, vector<1264x16xf32>, vector<1264x16xf32>, vector<1264x16xf32>, vector<1264x16xf32>, vector<1264x16xf32>, vector<1264x16xf32> -> vector<1264x128xf32>
    %swap3A = arith.constant 0 : index
    %swap3A_81 = arith.constant 0 : index
    %swap3A_82 = vector.load %arg5[%swap3A, %swap3A_81] : memref<1264x128xf32, #tpu.memory_space<vmem>>, vector<1264x128xf32>
    tpu.vector_store %arg5[%swap3A, %swap3A_81], %concatenate3A {strides = array<i32>} : memref<1264x128xf32, #tpu.memory_space<vmem>>, vector<1264x128xf32>,
    return
  }
}

</mosaic_0001>

<sc_bundles>
// kernel: kernel.12.cloned.1.call-start
scs
__scs_entry_jumppad:
0x0: {  	(pc) =	sbr.rel $0x88, $3  }
0x1: {  	(tag) =	ssettag $0x0;
	lr =	simm.s32 $0x1  }
0x2: {  	[smem:$0x3F9B] =	sst lr;
	_ =	strace $0xD0000000  }
0x3: {  	_ = 	snop  }
0x4: {  	_ = 	snop  }
0x5: {  	_ = 	snop  }
0x6: {  	_ = 	snop  }
0x7: {  	_ = 	snop  }
__scs_overlays_trampoline_lowered:
0x8: {  	[smem:$0x3FAA] =	sst s0  }
0x9: {  	[smem:$0x3FAB] =	sst s1  }
0xa: {  	[smem:$0x3FAC] =	sst s2  }
0xb: {  	[smem:$0x3FAD] =	sst s3  }
0xc: {  	[smem:$0x3FAE] =	sst s4  }
0xd: {  	[smem:$0x3FAF] =	sst s5  }
0xe: {  	[smem:$0x3FB0] =	sst s6  }
0xf: {  	[smem:$0x3FB1] =	sst s7  }
0x10: {  	[smem:$0x3FB2] =	sst s8  }
0x11: {  	[smem:$0x3FB3] =	sst s9;
	s0 =	simm.s32 @!p0 $0x0  }
0x12: {  	s1 =	sld [smem:$0x3F99];
	s0 =	simm.s32 @p0 $0x1  }
0x13: {  	[smem:$0x3FB4] =	sst s0;
	s0 =	simm.s32 @!p1 $0x0  }
0x14: {  	s2 =	sld [smem:$0x3F98];
	s0 =	simm.s32 @p1 $0x1  }
0x15: {  	[smem:$0x3FB5] =	sst s0;
	s0 =	simm.s32 @!p2 $0x0  }
0x16: {  	s3 =	sld [smem:$0x3FDB];
	s0 =	simm.s32 @p2 $0x1  }
0x17: {  	s4 =	simm.s32 $0x1BF5;
	[smem:$0x3FB7] =	sst s0  }
0x18: {  	s0 =	sld [smem:$0x3F9A];
	_ =	swait.ge [sflag:s4], $0x0  }
0x19: {  	s7 =	sld [smem:$0x3F9B]  }
0x1a: {  	s8 =	sadd.s32 $0xFFFFE003, lr  }
0x1b: {  	s9 =	sadd.s32 $0xFFFFFEF7, lr;
	s5 =	simm.s32 $0xFFFFFFFF;
	p2 =	slt.u32 s8, $0xFFFFF086  }
0x1c: {  	p1 =	slt.u32 s9, $0xF7A;
	s5 =	simm.s32 @!p2 $0x0  }
0x1d: {  	s5 =	simm.s32 @p1 $0x1;
	p0 =	seq.s32 s7, s2  }
0x1e: {  	s7 =	smul.u32 @!p0 $0xF7A, s2;
	p2 =	seq.s32 @!p0 s5, $0x0  }
0x1f: {  	s9 =	smul.u32 $0xF7A, s1;
	s8 =	simm.s32 @!p0 $0x1BF5;
	p2 =	por !p2, p0  }
0x20: {  	[sflag:s8] =	ssyncset.s32 @!p0 $0xFFFFF086;
	s6 =	sadd.s32 @!p0 s3, s7;
	s7 =	simm.s32 @!p0 $0x108  }
0x21: {  	s3 =	sadd.s32 s3, s9;
	s6 =	sadd.s32 @!p0 $0x88, s6;
	s7 =	simm.s32 @p2 $0x1082  }
0x22: {  	[simem:s7], [sflag:s8] =	dma.local @!p0 [hbm:s6], $0xF7A  }
0x23: {  	s9 =	sor.u32 $0xD0000000, s2;
	s6 =	simm.s32 $0x108;
	_ =	swait.ge @!p0 [sflag:s8], $0x0  }
0x24: {  	s3 =	sadd.s32 $0x88, s3;
	s6 =	simm.s32 @!p1 $0x1082;
	[sflag:s4] =	ssyncset.s32 $0xFFFFF086  }
0x25: {  	[simem:s6], [sflag:s4] =	dma.local [hbm:s3], $0xF7A  }
0x26: {  	[smem:$0x3F9B] =	sst s1;
	(tag) =	ssettag s2;
	_ =	strace s9  }
0x27: {  	s1 =	sld [smem:$0x3FAB]  }
0x28: {  	s2 =	sld [smem:$0x3FAC]  }
0x29: {  	s4 =	sld [smem:$0x3FAE]  }
0x2a: {  	p0 =	seq.s32 s5, $0x0;
	s5 =	sld [smem:$0x3FAF]  }
0x2b: {  	s6 =	sld [smem:$0x3FB0]  }
0x2c: {  	s7 =	sld [smem:$0x3FB1]  }
0x2d: {  	s3 =	simm.s32 $0x108;
	s8 =	sld [smem:$0x3FB2]  }
0x2e: {  	s3 =	simm.s32 @!p0 $0x1082;
	s9 =	sld [smem:$0x3FB3]  }
0x2f: {  	lr =	sadd.s32 s0, s3;
	s0 =	sld [smem:$0x3FAA]  }
0x30: {  	s3 =	sld [smem:$0x3FAD]  }
0x31: {  	[smem:$0x3FB6] =	sst s10  }
0x32: {  	s10 =	sld [smem:$0x3FB4];
	_ =	sdelay $0x3  }
0x33: {  	p0 =	seq.s32 s10, $0x1;
	s10 =	sld [smem:$0x3FB6];
	_ =	sdelay $0x3  }
0x34: {  	[smem:$0x3FB6] =	sst s10  }
0x35: {  	s10 =	sld [smem:$0x3FB5];
	_ =	sdelay $0x3  }
0x36: {  	p1 =	seq.s32 s10, $0x1;
	s10 =	sld [smem:$0x3FB6];
	_ =	sdelay $0x3  }
0x37: {  	[smem:$0x3FB6] =	sst s10  }
0x38: {  	s10 =	sld [smem:$0x3FB7]  }
0x39: {  	_ = 	snop;
	(pc) =	sbr.ind lr, $3  }
0x3a: {  	_ = 	snop  }
0x3b: {  	_ = 	snop  }
0x3c: {  	p2 =	seq.s32 s10, $0x1;
	s10 =	sld [smem:$0x3FB6]  }
0x3d: {  	_ =	shalt  }
0x3e: {  	_ =	shalt  }
0x3f: {  	_ =	shalt  }
0x40: {  	_ =	shalt  }
0x41: {  	_ =	shalt  }
0x42: {  	_ =	shalt  }
0x43: {  	_ =	shalt  }
0x44: {  	_ =	shalt  }
0x45: {  	_ =	shalt  }
0x46: {  	_ =	shalt  }
0x47: {  	_ =	shalt  }
0x48: {  	_ =	shalt  }
0x49: {  	_ =	shalt  }
0x4a: {  	_ =	shalt  }
0x4b: {  	_ =	shalt  }
0x4c: {  	_ =	shalt  }
0x4d: {  	_ =	shalt  }
0x4e: {  	_ =	shalt  }
0x4f: {  	_ =	shalt  }
0x50: {  	_ =	shalt  }
0x51: {  	_ =	shalt  }
0x52: {  	_ =	shalt  }
0x53: {  	_ =	shalt  }
0x54: {  	_ =	shalt  }
0x55: {  	_ =	shalt  }
0x56: {  	_ =	shalt  }
0x57: {  	_ =	shalt  }
0x58: {  	_ =	shalt  }
0x59: {  	_ =	shalt  }
0x5a: {  	_ =	shalt  }
0x5b: {  	_ =	shalt  }
0x5c: {  	_ =	shalt  }
0x5d: {  	_ =	shalt  }
0x5e: {  	_ =	shalt  }
0x5f: {  	_ =	shalt  }
0x60: {  	_ =	shalt  }
0x61: {  	_ =	shalt  }
0x62: {  	_ =	shalt  }
0x63: {  	_ =	shalt  }
0x64: {  	_ =	shalt  }
0x65: {  	_ =	shalt  }
0x66: {  	_ =	shalt  }
0x67: {  	_ =	shalt  }
0x68: {  	_ =	shalt  }
0x69: {  	_ =	shalt  }
0x6a: {  	_ =	shalt  }
0x6b: {  	_ =	shalt  }
0x6c: {  	_ =	shalt  }
0x6d: {  	_ =	shalt  }
0x6e: {  	_ =	shalt  }
0x6f: {  	_ =	shalt  }
0x70: {  	_ =	shalt  }
0x71: {  	_ =	shalt  }
0x72: {  	_ =	shalt  }
0x73: {  	_ =	shalt  }
0x74: {  	_ =	shalt  }
0x75: {  	_ =	shalt  }
0x76: {  	_ =	shalt  }
0x77: {  	_ =	shalt  }
0x78: {  	_ =	shalt  }
0x79: {  	_ =	shalt  }
0x7a: {  	_ =	shalt  }
0x7b: {  	_ =	shalt  }
0x7c: {  	_ =	shalt  }
0x7d: {  	_ =	shalt  }
0x7e: {  	_ =	shalt  }
0x7f: {  	_ =	shalt  }
0x80: {  	_ =	shalt  }
0x81: {  	_ =	shalt  }
0x82: {  	_ =	shalt  }
0x83: {  	_ =	shalt  }
0x84: {  	_ =	shalt  }
0x85: {  	_ =	shalt  }
0x86: {  	_ =	shalt  }
0x87: {  	_ =	shalt  }
.Lfunc_end0:
.L_simem_size_0:
called_computation.1_lowered:
.L_overlay_start_0:
0x88: {  	s2 =	sld [smem:$0x3FD9]  }
0x89: {  	s3 =	sld [smem:$0x3FFE];
	_ =	sdelay $0x1  }
0x8a: {  	s1 =	srdreg.scid  }
0x8b: {  	s0 =	sand.u32 $0x1, s1  }
0x8c: {  	s17 =	sshll.u32 s0, $0xA;
	s2 =	sadd.s32 s3, s2  }
0x8d: {  	s2 =	sadd.s32 s2, s17  }
0x8e: {  	[smem:$0x3FC2] =	sst s2  }
0x8f: {  	_ = 	snop  }
0x90: {  	s2 =	sld [smem:$0x3FC8];
	(tm) =	ssettm $0x1  }
0x91: {  	s18 =	sld [smem:$0x3FFB];
	_ =	sdelay $0x3  }
0x92: {  	_ =	strace s18  }
0x93: {  	s3 =	sld [smem:$0x3FFC];
	_ =	sdelay $0x3  }
0x94: {  	_ =	strace s3  }
0x95: {  	s3 =	sld [smem:$0x3FFD];
	_ =	sdelay $0x3  }
0x96: {  	_ =	strace s3  }
0x97: {  	_ =	strace $0x8FFFFFFF  }
0x98: {  	s19 =	sld [smem:$0x3FDB];
	_ =	sdelay $0x1  }
0x99: {  	s4 =	simm.s32 $_scs_section_size  }
0x9a: {  	s5 =	simm.s32 $_size__tile_overlayer_lowered;
	s6 =	simm.s32 $_tile_overlayer_lowered  }
0x9b: {  	s22 =	simm.s32 $0x1BFF;
	s21 =	sshll.u32 s6, $0x1;
	s3 =	sadd.s32 s4, s19  }
0x9c: {  	s7 =	simm.s32 $0x0;
	s20 =	sshll.u32 s5, $0x1;
	s5 =	sadd.s32 s21, s3  }
0x9d: {  	[timem:s7], [sflag:s22] =	dma.local [hbm:s5], s20  }
0x9e: {  	_ =	swait.ge [sflag:s22], s20  }
0x9f: {  	s4 =	ssub.s32 $0x0, s20;
	[sflag:s22] =	ssyncset.done $0x0  }
0xa0: {  	[sflag:s22] =	ssyncadd.s32 s4;
	_ =	sdelay $0x1  }
0xa1: {  	s23 =	simm.s32 $0x1B8B  }
0xa2: {  	_ =	swait.ge [sflag:s23], $0x1  }
0xa3: {  	[sflag:s23] =	ssyncset.done $0x0  }
0xa4: {  	s25 =	simm.s32 $0x1B8E;
	s24 =	sld [smem:$0x3FFE];
	[sflag:s23] =	ssyncadd.s32 $0xFFFFFFFF  }
0xa5: {  	s26 =	simm.s32 $execute0_lowered;
	[smem:$0x3FD2] =	sst s25  }
0xa6: {  	s5 =	sshll.u32 s26, $0x1;
	_ =	strace $0x80000049;
	[dreg:$0x1] =	wrdreg $0xFFFFFFFF  }
0xa7: {  	s28 =	simm.s32 $_size_execute0_lowered;
	s3 =	sadd.s32 s3, s5;
	[dreg:$0x0] =	wrdreg $0x0  }
0xa8: {  	s5 =	sshll.u32 s28, $0x1;
	[dreg:$0x2] =	wrdreg s3  }
0xa9: {  	[dreg:$0x3] =	wrdreg s5  }
0xaa: {  	[dreg:$0x4] =	wrdreg $0xC0  }
0xab: {  	_ =	task [dreg:s7], $0x5FFFF  }
0xac: {  	[dreg:$0x1] =	wrdreg $0xFFFFFFFF  }
0xad: {  	[dreg:$0x0] =	wrdreg $0x60  }
0xae: {  	[dreg:$0x2] =	wrdreg s24  }
0xaf: {  	[dreg:$0x3] =	wrdreg s2  }
0xb0: {  	[dreg:$0x4] =	wrdreg $0x110000  }
0xb1: {  	[dreg:$0x5] =	wrdreg $0x9  }
0xb2: {  	_ =	task.clear_ibuf [dreg:s7], $0x6FFFF;
	_ =	strace $0x90000049  }
0xb3: {  	s29 =	simm.s32 $0x9;
	_ =	strace $0x8000004B  }
0xb4: {  	_ =	swait.ge [sflag:s29], $0x1  }
0xb5: {  	[sflag:s29] =	ssyncadd.s32 $0xFFFFFFFF  }
0xb6: {  	_ =	strace $0x9000004B  }
0xb7: {  	_ =	sfence  }
0xb8: {  	s30 =	sld [smem:$0x0];
	_ =	sdelay $0x2  }
0xb9: {  	s31 =	sshll.u32 s1, $0xD;
	s1 =	sshrl.u32 s1, $0x2  }
0xba: {  	s3 =	sand.u32 $0x4000, s31;
	s1 =	sadd.s32 s1, s30  }
0xbb: {  	s0 =	sor.u32 s3, s0;
	s1 =	sshll.u32 s1, $0x11  }
0xbc: {  	s0 =	sor.u32 s1, s0  }
0xbd: {  	s0 =	sadd.s32 $0x8F2B, s0  }
0xbe: {  	[sflag:s0] =	ssyncadd.remote.s32 $0x1  }
0xbf: {  	_ =	sfence.sel $0xFFFF  }
0xc0: {  	[dreg:$0x0] =	wrdreg $0xFFFFFFFF;
	(pc) =	sbr.abs _section_cstart, $3  }
0xc1: {  	[dreg:$0x1] =	wrdreg $0xFFFFFFFF  }
0xc2: {  	_ =	task.clear_ibuf [dreg:s7], $0x2FFFF;
	_ =	strace $0x9FFFFFFF  }
0xc3: {  	(tm) =	ssettm $0x7FFFFFFF  }
tec
execute0_lowered:
.L_overlay_start_1:
0x0: {  	(tag) =	ssettag $0x1  }
0x1: {  	s0 =	rddreg [dreg:$0x0]  }
0x2: {  	s5 =	rddreg [dreg:$0x1]  }
0x3: {  	s1 =	rddreg [dreg:$0x2];
	s12 =	stileid.u32  }
0x4: {  	s3 =	srdreg.scid;
	s2 =	simm.s32 $0x0;
	s30 =	simm.s32 $0x1  }
0x5: {  	s31 =	simm.s32 $0x2;
	s9 =	smul.u32 $0x2780, s12;
	s4 =	sand.u32 $0x1, s3  }
0x6: {  	[smem:$0x7FF] =	sst s2;
	s3 =	sadd.s32 $0x7A00, s0;
	s11 =	smul.u32 $0x4E, s12  }
0x7: {  	p0 =	seq.s32 s12, $0x0;
	s29 =	sshll.u32 s12, $0x6;
	s6 =	smul.u32 $0x27800, s4  }
0x8: {  	_ =	strace $0x8000004A;
	s8 =	smul.u32 $0x4E2, s4;
	s10 =	ssub.s32 $0x2, s4  }
0x9: {  	s26 =	smul.u32 $0x9C40, s4;
	s4 =	simm.s32 $0x50;
	s7 =	sshrl.u32 s9, $0x3  }
0xa: {  	s24 =	sshrl.u32 s10, $0x1;
	s4 =	simm.s32 @!p0 $0x4E;
	s15 =	sadd.s32 s9, s1  }
0xb: {  	p0 =	sne.s32 s12, $0x0;
	s12 =	sor.u32 $0x1C03, s29;
	s6 =	sadd.s32 s9, s6  }
0xc: {  	s13 =	sadd.s32 s7, s0;
	s14 =	ssub.s32 s10, s24;
	s25 =	sadd.s32 s11, s8  }
0xd: {  	s6 =	sshrl.u32 s6, $0x3;
	s9 =	sadd.s32 $0x2A00, s13;
	s11 =	smax.u32 s14, $0x1  }
0xe: {  	s13 =	sshrl.u32 s15, $0x3;
	s0 =	sadd.s32 s6, s0;
	s6 =	sshll.u32 s25, $0x5  }
0xf: {  	s14 =	simm.s32 $0x3;
	s15 =	simm.s32 $0x80;
	s28 =	sadd.s32 s6, s5  }
0x10: {  	s5 =	sadd.s32 s5, s26;
	s10 =	sadd.s32 $0xCA00, s0;
	s0 =	simm.s32 $0x0  }
0x11: {  	s6 =	sadd.s32 $0x40, s28;
	s7 =	sadd.s32 $0x50, s28;
	s8 =	sadd.s32 $0x10, s5  }
.LBB2_1:
0x12: {  	s16 =	simm.s32 @p0 $0x80;
	s17 =	simm.s32 @p0 $0x100;
	s18 =	simm.s32 @p0 $0x0  }
0x13: {  	[tilespmem:s18], [sflag:$0x3] =	stream.strided.gather @p0 [hbm4b:s6+s16], $0x2700, s17, s16, $0x38;
	[tilespmem:$0x13780] =	vst v63  }
0x14: {  	s18 =	simm.s32 @p0 $0x3  }
0x15: {  	_ =	swait.ge @p0 [sflag:s18], $0x2700  }
0x16: {  	[sflag:s18] =	ssyncset.done @p0 $0x0  }
0x17: {  	s19 =	simm.s32 @p0 $0x2800;
	[sflag:s18] =	ssyncadd.s32 @p0 $0xFFFFD900  }
0x18: {  	[tilespmem:s19], [sflag:$0x3] =	stream.strided.gather @p0 [hbm4b:s7+s16], $0x2700, s17, s16, $0x38;
	[tilespmem:$0x13780] =	vst v63  }
0x19: {  	_ =	swait.ge @p0 [sflag:s18], $0x2700  }
0x1a: {  	s16 =	simm.s32 @!p0 $0x80;
	[sflag:s18] =	ssyncset.done @p0 $0x0  }
0x1b: {  	s17 =	simm.s32 @!p0 $0x100;
	[sflag:s18] =	ssyncadd.s32 @p0 $0xFFFFD900;
	s18 =	simm.s32 @!p0 $0x0  }
0x1c: {  	[tilespmem:s18], [sflag:$0x3] =	stream.strided.gather @!p0 [hbm4b:s5+s16], $0x2800, s17, s16, $0x38;
	[tilespmem:$0x13780] =	vst v63  }
0x1d: {  	s18 =	simm.s32 @!p0 $0x3  }
0x1e: {  	_ =	swait.ge @!p0 [sflag:s18], $0x2800  }
0x1f: {  	[sflag:s18] =	ssyncset.done @!p0 $0x0  }
0x20: {  	s19 =	simm.s32 @!p0 $0x2800;
	[sflag:s18] =	ssyncadd.s32 @!p0 $0xFFFFD800  }
0x21: {  	[tilespmem:s19], [sflag:$0x3] =	stream.strided.gather @!p0 [hbm4b:s8+s16], $0x2800, s17, s16, $0x38;
	[tilespmem:$0x13780] =	vst v63  }
0x22: {  	_ =	swait.ge @!p0 [sflag:s18], $0x2800  }
0x23: {  	[sflag:s18] =	ssyncset.done @!p0 $0x0  }
0x24: {  	[sflag:s18] =	ssyncadd.s32 @!p0 $0xFFFFD800  }
0x25: {  	[spmem:s13], [sflag:s12] =	dma.local [hbm:s9], $0x4F0  }
0x26: {  	_ =	swait.ge [sflag:s14], $0x4F0  }
0x27: {  	[sflag:s14] =	ssyncset.done $0x0  }
0x28: {  	[sflag:s14] =	ssyncadd.s32 $0xFFFFFB10  }
0x29: {  	s21 =	simm.s32 $0x5000;
	[bflag:$0x0] =	sbarrier.arrive $0xFFFF  }
0x2a: {  	[tilespmem:s21], [sflag:$0x1] =	stream.indirect.gather [hbm4b:s3+s15], $0x10, s2, s15, $0xb8;
	[tilespmem:$0x13780] =	vst v63  }
0x2b: {  	s22 =	simm.s32 $0x5800  }
0x2c: {  	[tilespmem:s22], [sflag:$0x1] =	stream.indirect.gather [hbm4b:s3+s15], $0x10, s15, s15, $0xb8;
	[tilespmem:$0x13780] =	vst v63  }
0x2d: {  	s23 =	simm.s32 $0x100;
	s24 =	simm.s32 $0x6000  }
0x2e: {  	[tilespmem:s24], [sflag:$0x1] =	stream.indirect.gather [hbm4b:s3+s15], $0x10, s23, s15, $0xb8;
	[tilespmem:$0x13780] =	vst v63  }
0x2f: {  	s25 =	simm.s32 $0x180;
	s26 =	simm.s32 $0x6800;
	s28 =	simm.s32 $0x200  }
0x30: {  	[tilespmem:s26], [sflag:$0x1] =	stream.indirect.gather [hbm4b:s3+s15], $0x10, s25, s15, $0xb8;
	[tilespmem:$0x13780] =	vst v63  }
0x31: {  	s29 =	simm.s32 $0x7000;
	s20 =	simm.s32 $0x8000;
	p1 =	por $0x1, $0x1  }
0x32: {  	[tilespmem:s29], [sflag:$0x1] =	stream.indirect.gather [hbm4b:s3+s15], $0x10, s28, s15, $0xb8;
	[tilespmem:$0x13780] =	vst v63  }
0x33: {  	p2 =	sne.s32 s4, $0x1;
	s17 =	simm.s32 $0x280;
	s18 =	simm.s32 $0x7800  }
0x34: {  	[tilespmem:s18], [sflag:$0x1] =	stream.indirect.gather [hbm4b:s3+s15], $0x10, s17, s15, $0xb8;
	[tilespmem:$0x13780] =	vst v63  }
0x35: {  	s19 =	simm.s32 $0x300;
	s16 =	simm.s32 $0x800;
	s21 =	simm.s32 $0x380  }
0x36: {  	[tilespmem:s20], [sflag:$0x1] =	stream.indirect.gather [hbm4b:s3+s15], $0x10, s19, s15, $0xb8;
	[tilespmem:$0x13780] =	vst v63  }
0x37: {  	s22 =	simm.s32 $0x8800;
	s23 =	simm.s32 $0x400;
	s24 =	simm.s32 $0x9000  }
0x38: {  	[tilespmem:s22], [sflag:$0x1] =	stream.indirect.gather [hbm4b:s3+s15], $0x10, s21, s15, $0xb8;
	[tilespmem:$0x13780] =	vst v63  }
0x39: {  	s25 =	simm.s32 $0x480;
	s26 =	simm.s32 $0x9800;
	s28 =	simm.s32 $0x500  }
0x3a: {  	[tilespmem:s24], [sflag:$0x1] =	stream.indirect.gather [hbm4b:s3+s15], $0x10, s23, s15, $0xb8;
	[tilespmem:$0x13780] =	vst v63  }
0x3b: {  	s29 =	simm.s32 $0xA000;
	s18 =	simm.s32 $0x580;
	s17 =	simm.s32 $0x2800  }
0x3c: {  	[tilespmem:s26], [sflag:$0x1] =	stream.indirect.gather [hbm4b:s3+s15], $0x10, s25, s15, $0xb8;
	[tilespmem:$0x13780] =	vst v63  }
0x3d: {  	s19 =	simm.s32 $0xA800;
	s20 =	simm.s32 $0x600;
	s21 =	simm.s32 $0xB000  }
0x3e: {  	[tilespmem:s29], [sflag:$0x1] =	stream.indirect.gather [hbm4b:s3+s15], $0x10, s28, s15, $0xb8;
	[tilespmem:$0x13780] =	vst v63  }
0x3f: {  	s22 =	simm.s32 $0x680;
	s23 =	simm.s32 $0xB800;
	s24 =	simm.s32 $0x700  }
0x40: {  	[tilespmem:s19], [sflag:$0x1] =	stream.indirect.gather [hbm4b:s3+s15], $0x10, s18, s15, $0xb8;
	[tilespmem:$0x13780] =	vst v63  }
0x41: {  	s25 =	simm.s32 $0xC000;
	s26 =	simm.s32 $0x780;
	s28 =	simm.s32 $0xC800  }
0x42: {  	[tilespmem:s21], [sflag:$0x1] =	stream.indirect.gather [hbm4b:s3+s15], $0x10, s20, s15, $0xb8;
	[tilespmem:$0x13780] =	vst v63  }
0x43: {  	s18 =	simm.s32 $0x5800;
	s20 =	simm.s32 $0x10;
	s21 =	smulhi.u32 $0xAAAAAAAB, s2  }
0x44: {  	[tilespmem:s23], [sflag:$0x1] =	stream.indirect.gather [hbm4b:s3+s15], $0x10, s22, s15, $0xb8;
	[tilespmem:$0x13780] =	vst v63  }
0x45: {  	s19 =	simm.s32 $0x2880;
	s23 =	smulhi.u32 $0xAAAAAAAB, s20;
	s21 =	sshrl.u32 s21, $0x4  }
0x46: {  	[tilespmem:s25], [sflag:$0x1] =	stream.indirect.gather [hbm4b:s3+s15], $0x10, s24, s15, $0xb8;
	[tilespmem:$0x13780] =	vst v63  }
0x47: {  	s22 =	simm.s32 @!p1 $0x2;
	s24 =	smul.u32 $0xFFFD0000, s21;
	s29 =	sshrl.u32 s23, $0x4  }
0x48: {  	[tilespmem:s28], [sflag:$0x1] =	stream.indirect.gather [hbm4b:s3+s15], $0x10, s26, s15, $0xb8;
	[tilespmem:$0x13780] =	vst v63  }
0x49: {  	s20 =	simm.s32 $0x11;
	s23 =	smul.u32 $0xFFFD0000, s29;
	_ =	swait.ge @!p1 [sflag:s22], $0x800  }
.Ltmp0:
0x4a: {  	s24 =	sshra.s32 s24, $0x2;
	[sflag:s22] =	ssyncset.done @!p1 $0x0;
	(pc) =	sbr.rel @!p2 .LBB2_3-.Ltmp0, $4  }
0x4b: {  	s21 =	simm.s32 $0x880;
	s24 =	sadd.s32 $0x5000, s24;
	[sflag:s22] =	ssyncadd.s32 @!p1 $0xFFFFF800  }
0x4c: {  	s25 =	sshra.s32 s23, $0x2;
	s23 =	simm.s32 $0x1;
	_ =	swait.ge [sflag:s30], $0x800  }
0x4d: {  	s25 =	sadd.s32 $0xD000, s25;
	p1 =	sle.u32 s4, $0x10;
	[sflag:s30] =	ssyncset.done $0x0  }
0x4e: {  	s22 =	simm.s32 $0xD800;
	s26 =	simm.s32 @!p1 $0x80;
	[sflag:s30] =	ssyncadd.s32 $0xFFFFF800  }
.LBB2_2:
0x4f: {  	[spmem:s1] =	stream.indirect.scatter.add.f32 [tilespmem:s24], [sflag:$0x2], $0x10, s17, s15, $0xb8;
	[tilespmem:$0x13780] =	vst v63  }
0x50: {  	s24 =	smov.u32 s18;
	s17 =	smov.u32 s19;
	s28 =	smov.u32 s20  }
0x51: {  	s29 =	smov.u32 s22;
	s18 =	sadd.s32 $0x800, s18  }
0x52: {  	[tilespmem:s25], [sflag:$0x1] =	stream.indirect.gather @!p1 [hbm4b:s3+s26], $0x10, s16, s26, $0xb8;
	[tilespmem:$0x13780] =	vst v63  }
0x53: {  	s19 =	sadd.s32 $0x80, s19;
	p1 =	slt.u32 s23, $0x8;
	s16 =	smov.u32 s21  }
0x54: {  	s20 =	sadd.s32 $0x1, s20;
	s25 =	smulhi.u32 $0xAAAAAAAB, s23;
	s26 =	simm.s32 @!p1 $0x2  }
0x55: {  	s28 =	smulhi.u32 $0xAAAAAAAB, s28;
	s21 =	sadd.s32 $0x80, s21;
	_ =	swait.ge @!p1 [sflag:s26], $0x800  }
0x56: {  	s23 =	sadd.s32 $0x10, s23;
	s25 =	sshrl.u32 s25, $0x4;
	[sflag:s26] =	ssyncset.done @!p1 $0x0  }
0x57: {  	[sflag:s26] =	ssyncadd.s32 @!p1 $0xFFFFF800;
	p1 =	sge.u32 s23, s4;
	s23 =	sadd.s32 $0xFFFFFFF1, s23  }
0x58: {  	s22 =	sadd.s32 $0x800, s22;
	s25 =	smul.u32 $0xFFFD0000, s25;
	p2 =	sne.s32 s23, s4  }
.Ltmp1:
0x59: {  	s26 =	sshrl.u32 s28, $0x4;
	_ =	swait.ge [sflag:s30], $0x800;
	(pc) =	sbr.rel @p2 .LBB2_2-.Ltmp1, $4  }
0x5a: {  	s25 =	sshra.s32 s25, $0x2;
	s26 =	smul.u32 $0xFFFD0000, s26;
	[sflag:s30] =	ssyncset.done $0x0  }
0x5b: {  	s24 =	sadd.s32 s25, s24;
	[sflag:s30] =	ssyncadd.s32 $0xFFFFF800  }
0x5c: {  	s25 =	sshra.s32 s26, $0x2  }
0x5d: {  	s26 =	simm.s32 @!p1 $0x80;
	s25 =	sadd.s32 s25, s29  }
.LBB2_3:
0x5e: {  	[spmem:s1] =	stream.indirect.scatter.add.f32 [tilespmem:s24], [sflag:$0x2], $0x10, s17, s15, $0xb8;
	[tilespmem:$0x13780] =	vst v63  }
0x5f: {  	_ = 	snop  }
0x60: {  	[tilespmem:s25], [sflag:$0x1] =	stream.indirect.gather @!p1 [hbm4b:s3+s26], $0x10, s16, s26, $0xb8;
	[tilespmem:$0x13780] =	vst v63  }
0x61: {  	_ =	swait.ge [sflag:s31], $0x800  }
0x62: {  	[sflag:s31] =	ssyncset.done $0x0  }
0x63: {  	[sflag:s31] =	ssyncadd.s32 $0xFFFFF800  }
0x64: {  	_ =	swait.ge [sflag:s31], $0x800  }
0x65: {  	[sflag:s31] =	ssyncset.done $0x0  }
0x66: {  	[sflag:s31] =	ssyncadd.s32 $0xFFFFF800  }
0x67: {  	_ =	swait.ge [sflag:s31], $0x800  }
0x68: {  	[sflag:s31] =	ssyncset.done $0x0  }
0x69: {  	[sflag:s31] =	ssyncadd.s32 $0xFFFFF800  }
0x6a: {  	_ =	swait.ge [sflag:s31], $0x800  }
0x6b: {  	[sflag:s31] =	ssyncset.done $0x0  }
0x6c: {  	[sflag:s31] =	ssyncadd.s32 $0xFFFFF800  }
0x6d: {  	_ =	swait.ge [sflag:s31], $0x800  }
0x6e: {  	[sflag:s31] =	ssyncset.done $0x0  }
0x6f: {  	[sflag:s31] =	ssyncadd.s32 $0xFFFFF800  }
0x70: {  	_ =	swait.ge [sflag:s31], $0x800  }
0x71: {  	[sflag:s31] =	ssyncset.done $0x0  }
0x72: {  	[sflag:s31] =	ssyncadd.s32 $0xFFFFF800  }
0x73: {  	_ =	swait.ge [sflag:s31], $0x800  }
0x74: {  	[sflag:s31] =	ssyncset.done $0x0  }
0x75: {  	[sflag:s31] =	ssyncadd.s32 $0xFFFFF800  }
0x76: {  	_ =	swait.ge [sflag:s31], $0x800  }
0x77: {  	s0 =	sadd.s32 $0x1, s0;
	[sflag:s31] =	ssyncset.done $0x0  }
0x78: {  	p1 =	sne.s32 s0, s11;
	[sflag:s31] =	ssyncadd.s32 $0xFFFFF800  }
.Ltmp2:
0x79: {  	[bflag:$0x0] =	sbarrier.arrive $0xFFFF;
	(pc) =	sbr.rel @p1 .LBB2_1-.Ltmp2, $4  }
0x7a: {  	[hbm:s10], [sflag:s12] =	dma.local [spmem:s13], $0x4F0  }
0x7b: {  	_ =	swait.ge [sflag:s14], $0x4F0  }
0x7c: {  	[sflag:s14] =	ssyncset.done $0x0  }
0x7d: {  	[sflag:s14] =	ssyncadd.s32 $0xFFFFFB10  }
0x7e: {  	_ =	sfence.sel $0x180000  }
0x7f: {  	[bflag:$0x0] =	sbarrier.arrive $0xFFFF  }
0x80: {  	_ =	strace $0x9000004A  }
0x81: {  	[bflag:$0x2] =	sbarrier.arrive $0xFFFF  }
0x82: {  	s0 =	rddreg [dreg:$0x3]  }
0x83: {  	s0 =	sadd.s32 @!p0 $0x100000, s0  }
0x84: {  	[sflag:s0] =	ssyncadd.tile.s32 @!p0 $0x1;
	_ =	shalt  }
.Lfunc_end2:
_tile_overlayer_lowered:
.L_overlay_start_2:
0x85: {  	(tag) =	ssettag $0x2  }
0x86: {  	s0 =	rddreg [dreg:$0x0];
	s2 =	stileid.u32  }
0x87: {  	s1 =	rddreg [dreg:$0x1];
	p0 =	sne.s32 s2, $0x0  }
0x88: {  	s3 =	rddreg [dreg:$0x2];
	[bflag:$0x3] =	sbarrier.arrive $0xFFFF;
	s2 =	simm.s32 @!p0 $0x1C03  }
0x89: {  	[timem:s3], [sflag:s2] =	dma.local @!p0 [hbm:s0], s1  }
0x8a: {  	s0 =	simm.s32 @!p0 $0x3  }
0x8b: {  	_ =	swait.ge @!p0 [sflag:s0], s1  }
0x8c: {  	s1 =	ssub.s32 @!p0 $0x0, s1;
	[sflag:s0] =	ssyncset.done @!p0 $0x0  }
0x8d: {  	[sflag:s0] =	ssyncadd.s32 @!p0 s1  }
0x8e: {  	[bflag:$0x3] =	sbarrier.arrive $0xFFFF  }
0x8f: {  	_ =	shalt  }

// kernel: kernel.15.cloned.1.call-start
scs
__scs_entry_jumppad:
0x0: {  	(pc) =	sbr.rel $0x88, $3  }
0x1: {  	(tag) =	ssettag $0x0;
	lr =	simm.s32 $0x1  }
0x2: {  	[smem:$0x3F9B] =	sst lr;
	_ =	strace $0xD0000000  }
0x3: {  	_ = 	snop  }
0x4: {  	_ = 	snop  }
0x5: {  	_ = 	snop  }
0x6: {  	_ = 	snop  }
0x7: {  	_ = 	snop  }
__scs_overlays_trampoline_lowered:
0x8: {  	[smem:$0x3FAA] =	sst s0  }
0x9: {  	[smem:$0x3FAB] =	sst s1  }
0xa: {  	[smem:$0x3FAC] =	sst s2  }
0xb: {  	[smem:$0x3FAD] =	sst s3  }
0xc: {  	[smem:$0x3FAE] =	sst s4  }
0xd: {  	[smem:$0x3FAF] =	sst s5  }
0xe: {  	[smem:$0x3FB0] =	sst s6  }
0xf: {  	[smem:$0x3FB1] =	sst s7  }
0x10: {  	[smem:$0x3FB2] =	sst s8  }
0x11: {  	[smem:$0x3FB3] =	sst s9;
	s0 =	simm.s32 @!p0 $0x0  }
0x12: {  	s1 =	sld [smem:$0x3F99];
	s0 =	simm.s32 @p0 $0x1  }
0x13: {  	[smem:$0x3FB4] =	sst s0;
	s0 =	simm.s32 @!p1 $0x0  }
0x14: {  	s2 =	sld [smem:$0x3F98];
	s0 =	simm.s32 @p1 $0x1  }
0x15: {  	[smem:$0x3FB5] =	sst s0;
	s0 =	simm.s32 @!p2 $0x0  }
0x16: {  	s3 =	sld [smem:$0x3FDB];
	s0 =	simm.s32 @p2 $0x1  }
0x17: {  	s4 =	simm.s32 $0x1BF5;
	[smem:$0x3FB7] =	sst s0  }
0x18: {  	s0 =	sld [smem:$0x3F9A];
	_ =	swait.ge [sflag:s4], $0x0  }
0x19: {  	s7 =	sld [smem:$0x3F9B]  }
0x1a: {  	s8 =	sadd.s32 $0xFFFFE003, lr  }
0x1b: {  	s9 =	sadd.s32 $0xFFFFFEF7, lr;
	s5 =	simm.s32 $0xFFFFFFFF;
	p2 =	slt.u32 s8, $0xFFFFF086  }
0x1c: {  	p1 =	slt.u32 s9, $0xF7A;
	s5 =	simm.s32 @!p2 $0x0  }
0x1d: {  	s5 =	simm.s32 @p1 $0x1;
	p0 =	seq.s32 s7, s2  }
0x1e: {  	s7 =	smul.u32 @!p0 $0xF7A, s2;
	p2 =	seq.s32 @!p0 s5, $0x0  }
0x1f: {  	s9 =	smul.u32 $0xF7A, s1;
	s8 =	simm.s32 @!p0 $0x1BF5;
	p2 =	por !p2, p0  }
0x20: {  	[sflag:s8] =	ssyncset.s32 @!p0 $0xFFFFF086;
	s6 =	sadd.s32 @!p0 s3, s7;
	s7 =	simm.s32 @!p0 $0x108  }
0x21: {  	s3 =	sadd.s32 s3, s9;
	s6 =	sadd.s32 @!p0 $0x88, s6;
	s7 =	simm.s32 @p2 $0x1082  }
0x22: {  	[simem:s7], [sflag:s8] =	dma.local @!p0 [hbm:s6], $0xF7A  }
0x23: {  	s9 =	sor.u32 $0xD0000000, s2;
	s6 =	simm.s32 $0x108;
	_ =	swait.ge @!p0 [sflag:s8], $0x0  }
0x24: {  	s3 =	sadd.s32 $0x88, s3;
	s6 =	simm.s32 @!p1 $0x1082;
	[sflag:s4] =	ssyncset.s32 $0xFFFFF086  }
0x25: {  	[simem:s6], [sflag:s4] =	dma.local [hbm:s3], $0xF7A  }
0x26: {  	[smem:$0x3F9B] =	sst s1;
	(tag) =	ssettag s2;
	_ =	strace s9  }
0x27: {  	s1 =	sld [smem:$0x3FAB]  }
0x28: {  	s2 =	sld [smem:$0x3FAC]  }
0x29: {  	s4 =	sld [smem:$0x3FAE]  }
0x2a: {  	p0 =	seq.s32 s5, $0x0;
	s5 =	sld [smem:$0x3FAF]  }
0x2b: {  	s6 =	sld [smem:$0x3FB0]  }
0x2c: {  	s7 =	sld [smem:$0x3FB1]  }
0x2d: {  	s3 =	simm.s32 $0x108;
	s8 =	sld [smem:$0x3FB2]  }
0x2e: {  	s3 =	simm.s32 @!p0 $0x1082;
	s9 =	sld [smem:$0x3FB3]  }
0x2f: {  	lr =	sadd.s32 s0, s3;
	s0 =	sld [smem:$0x3FAA]  }
0x30: {  	s3 =	sld [smem:$0x3FAD]  }
0x31: {  	[smem:$0x3FB6] =	sst s10  }
0x32: {  	s10 =	sld [smem:$0x3FB4];
	_ =	sdelay $0x3  }
0x33: {  	p0 =	seq.s32 s10, $0x1;
	s10 =	sld [smem:$0x3FB6];
	_ =	sdelay $0x3  }
0x34: {  	[smem:$0x3FB6] =	sst s10  }
0x35: {  	s10 =	sld [smem:$0x3FB5];
	_ =	sdelay $0x3  }
0x36: {  	p1 =	seq.s32 s10, $0x1;
	s10 =	sld [smem:$0x3FB6];
	_ =	sdelay $0x3  }
0x37: {  	[smem:$0x3FB6] =	sst s10  }
0x38: {  	s10 =	sld [smem:$0x3FB7]  }
0x39: {  	_ = 	snop;
	(pc) =	sbr.ind lr, $3  }
0x3a: {  	_ = 	snop  }
0x3b: {  	_ = 	snop  }
0x3c: {  	p2 =	seq.s32 s10, $0x1;
	s10 =	sld [smem:$0x3FB6]  }
0x3d: {  	_ =	shalt  }
0x3e: {  	_ =	shalt  }
0x3f: {  	_ =	shalt  }
0x40: {  	_ =	shalt  }
0x41: {  	_ =	shalt  }
0x42: {  	_ =	shalt  }
0x43: {  	_ =	shalt  }
0x44: {  	_ =	shalt  }
0x45: {  	_ =	shalt  }
0x46: {  	_ =	shalt  }
0x47: {  	_ =	shalt  }
0x48: {  	_ =	shalt  }
0x49: {  	_ =	shalt  }
0x4a: {  	_ =	shalt  }
0x4b: {  	_ =	shalt  }
0x4c: {  	_ =	shalt  }
0x4d: {  	_ =	shalt  }
0x4e: {  	_ =	shalt  }
0x4f: {  	_ =	shalt  }
0x50: {  	_ =	shalt  }
0x51: {  	_ =	shalt  }
0x52: {  	_ =	shalt  }
0x53: {  	_ =	shalt  }
0x54: {  	_ =	shalt  }
0x55: {  	_ =	shalt  }
0x56: {  	_ =	shalt  }
0x57: {  	_ =	shalt  }
0x58: {  	_ =	shalt  }
0x59: {  	_ =	shalt  }
0x5a: {  	_ =	shalt  }
0x5b: {  	_ =	shalt  }
0x5c: {  	_ =	shalt  }
0x5d: {  	_ =	shalt  }
0x5e: {  	_ =	shalt  }
0x5f: {  	_ =	shalt  }
0x60: {  	_ =	shalt  }
0x61: {  	_ =	shalt  }
0x62: {  	_ =	shalt  }
0x63: {  	_ =	shalt  }
0x64: {  	_ =	shalt  }
0x65: {  	_ =	shalt  }
0x66: {  	_ =	shalt  }
0x67: {  	_ =	shalt  }
0x68: {  	_ =	shalt  }
0x69: {  	_ =	shalt  }
0x6a: {  	_ =	shalt  }
0x6b: {  	_ =	shalt  }
0x6c: {  	_ =	shalt  }
0x6d: {  	_ =	shalt  }
0x6e: {  	_ =	shalt  }
0x6f: {  	_ =	shalt  }
0x70: {  	_ =	shalt  }
0x71: {  	_ =	shalt  }
0x72: {  	_ =	shalt  }
0x73: {  	_ =	shalt  }
0x74: {  	_ =	shalt  }
0x75: {  	_ =	shalt  }
0x76: {  	_ =	shalt  }
0x77: {  	_ =	shalt  }
0x78: {  	_ =	shalt  }
0x79: {  	_ =	shalt  }
0x7a: {  	_ =	shalt  }
0x7b: {  	_ =	shalt  }
0x7c: {  	_ =	shalt  }
0x7d: {  	_ =	shalt  }
0x7e: {  	_ =	shalt  }
0x7f: {  	_ =	shalt  }
0x80: {  	_ =	shalt  }
0x81: {  	_ =	shalt  }
0x82: {  	_ =	shalt  }
0x83: {  	_ =	shalt  }
0x84: {  	_ =	shalt  }
0x85: {  	_ =	shalt  }
0x86: {  	_ =	shalt  }
0x87: {  	_ =	shalt  }
.Lfunc_end0:
.L_simem_size_0:
called_computation.2_lowered:
.L_overlay_start_0:
0x88: {  	s2 =	sld [smem:$0x3FD9]  }
0x89: {  	s3 =	sld [smem:$0x3FFE];
	_ =	sdelay $0x1  }
0x8a: {  	s1 =	srdreg.scid  }
0x8b: {  	s0 =	sand.u32 $0x1, s1  }
0x8c: {  	s17 =	sshll.u32 s0, $0xA;
	s2 =	sadd.s32 s3, s2  }
0x8d: {  	s2 =	sadd.s32 s2, s17  }
0x8e: {  	[smem:$0x3FC2] =	sst s2  }
0x8f: {  	_ = 	snop  }
0x90: {  	s2 =	sld [smem:$0x3FC8];
	(tm) =	ssettm $0x1  }
0x91: {  	s18 =	sld [smem:$0x3FFB];
	_ =	sdelay $0x3  }
0x92: {  	_ =	strace s18  }
0x93: {  	s3 =	sld [smem:$0x3FFC];
	_ =	sdelay $0x3  }
0x94: {  	_ =	strace s3  }
0x95: {  	s3 =	sld [smem:$0x3FFD];
	_ =	sdelay $0x3  }
0x96: {  	_ =	strace s3  }
0x97: {  	_ =	strace $0x8FFFFFFF  }
0x98: {  	s19 =	sld [smem:$0x3FDB];
	_ =	sdelay $0x1  }
0x99: {  	s4 =	simm.s32 $_scs_section_size  }
0x9a: {  	s5 =	simm.s32 $_size__tile_overlayer_lowered;
	s6 =	simm.s32 $_tile_overlayer_lowered  }
0x9b: {  	s22 =	simm.s32 $0x1BFF;
	s21 =	sshll.u32 s6, $0x1;
	s3 =	sadd.s32 s4, s19  }
0x9c: {  	s7 =	simm.s32 $0x0;
	s20 =	sshll.u32 s5, $0x1;
	s5 =	sadd.s32 s21, s3  }
0x9d: {  	[timem:s7], [sflag:s22] =	dma.local [hbm:s5], s20  }
0x9e: {  	_ =	swait.ge [sflag:s22], s20  }
0x9f: {  	s4 =	ssub.s32 $0x0, s20;
	[sflag:s22] =	ssyncset.done $0x0  }
0xa0: {  	[sflag:s22] =	ssyncadd.s32 s4;
	_ =	sdelay $0x1  }
0xa1: {  	s23 =	simm.s32 $0x1B8B  }
0xa2: {  	_ =	swait.ge [sflag:s23], $0x1  }
0xa3: {  	[sflag:s23] =	ssyncset.done $0x0  }
0xa4: {  	s25 =	simm.s32 $0x1B8E;
	s24 =	sld [smem:$0x3FFE];
	[sflag:s23] =	ssyncadd.s32 $0xFFFFFFFF  }
0xa5: {  	s26 =	simm.s32 $execute0_lowered;
	[smem:$0x3FD2] =	sst s25  }
0xa6: {  	s5 =	sshll.u32 s26, $0x1;
	_ =	strace $0x8000004C;
	[dreg:$0x1] =	wrdreg $0xFFFFFFFF  }
0xa7: {  	s28 =	simm.s32 $_size_execute0_lowered;
	s3 =	sadd.s32 s3, s5;
	[dreg:$0x0] =	wrdreg $0x0  }
0xa8: {  	s5 =	sshll.u32 s28, $0x1;
	[dreg:$0x2] =	wrdreg s3  }
0xa9: {  	[dreg:$0x3] =	wrdreg s5  }
0xaa: {  	[dreg:$0x4] =	wrdreg $0xC0  }
0xab: {  	_ =	task [dreg:s7], $0x5FFFF  }
0xac: {  	[dreg:$0x1] =	wrdreg $0xFFFFFFFF  }
0xad: {  	[dreg:$0x0] =	wrdreg $0x60  }
0xae: {  	[dreg:$0x2] =	wrdreg s24  }
0xaf: {  	[dreg:$0x3] =	wrdreg s2  }
0xb0: {  	[dreg:$0x4] =	wrdreg $0x110000  }
0xb1: {  	[dreg:$0x5] =	wrdreg $0x9  }
0xb2: {  	_ =	task.clear_ibuf [dreg:s7], $0x6FFFF;
	_ =	strace $0x9000004C  }
0xb3: {  	s29 =	simm.s32 $0x9;
	_ =	strace $0x8000004E  }
0xb4: {  	_ =	swait.ge [sflag:s29], $0x1  }
0xb5: {  	[sflag:s29] =	ssyncadd.s32 $0xFFFFFFFF  }
0xb6: {  	_ =	strace $0x9000004E  }
0xb7: {  	_ =	sfence  }
0xb8: {  	s30 =	sld [smem:$0x0];
	_ =	sdelay $0x2  }
0xb9: {  	s31 =	sshll.u32 s1, $0xD;
	s1 =	sshrl.u32 s1, $0x2  }
0xba: {  	s3 =	sand.u32 $0x4000, s31;
	s1 =	sadd.s32 s1, s30  }
0xbb: {  	s0 =	sor.u32 s3, s0;
	s1 =	sshll.u32 s1, $0x11  }
0xbc: {  	s0 =	sor.u32 s1, s0  }
0xbd: {  	s0 =	sadd.s32 $0x8F2B, s0  }
0xbe: {  	[sflag:s0] =	ssyncadd.remote.s32 $0x1  }
0xbf: {  	_ =	sfence.sel $0xFFFF  }
0xc0: {  	[dreg:$0x0] =	wrdreg $0xFFFFFFFF;
	(pc) =	sbr.abs _section_cstart, $3  }
0xc1: {  	[dreg:$0x1] =	wrdreg $0xFFFFFFFF  }
0xc2: {  	_ =	task.clear_ibuf [dreg:s7], $0x2FFFF;
	_ =	strace $0x9FFFFFFF  }
0xc3: {  	(tm) =	ssettm $0x7FFFFFFF  }
tec
execute0_lowered:
.L_overlay_start_1:
0x0: {  	(tag) =	ssettag $0x1  }
0x1: {  	s0 =	rddreg [dreg:$0x0]  }
0x2: {  	s5 =	rddreg [dreg:$0x1]  }
0x3: {  	s1 =	rddreg [dreg:$0x2];
	s12 =	stileid.u32  }
0x4: {  	s3 =	srdreg.scid;
	s2 =	simm.s32 $0x0;
	s30 =	simm.s32 $0x1  }
0x5: {  	s31 =	simm.s32 $0x2;
	s9 =	smul.u32 $0x2780, s12;
	s4 =	sand.u32 $0x1, s3  }
0x6: {  	[smem:$0x7FF] =	sst s2;
	s3 =	sadd.s32 $0x7A00, s0;
	s11 =	smul.u32 $0x4E, s12  }
0x7: {  	p0 =	seq.s32 s12, $0x0;
	s29 =	sshll.u32 s12, $0x6;
	s6 =	smul.u32 $0x27800, s4  }
0x8: {  	_ =	strace $0x8000004D;
	s8 =	smul.u32 $0x4E2, s4;
	s10 =	ssub.s32 $0x2, s4  }
0x9: {  	s26 =	smul.u32 $0x9C40, s4;
	s4 =	simm.s32 $0x50;
	s7 =	sshrl.u32 s9, $0x3  }
0xa: {  	s24 =	sshrl.u32 s10, $0x1;
	s4 =	simm.s32 @!p0 $0x4E;
	s15 =	sadd.s32 s9, s1  }
0xb: {  	p0 =	sne.s32 s12, $0x0;
	s12 =	sor.u32 $0x1C03, s29;
	s6 =	sadd.s32 s9, s6  }
0xc: {  	s13 =	sadd.s32 s7, s0;
	s14 =	ssub.s32 s10, s24;
	s25 =	sadd.s32 s11, s8  }
0xd: {  	s6 =	sshrl.u32 s6, $0x3;
	s9 =	sadd.s32 $0x2A00, s13;
	s11 =	smax.u32 s14, $0x1  }
0xe: {  	s13 =	sshrl.u32 s15, $0x3;
	s0 =	sadd.s32 s6, s0;
	s6 =	sshll.u32 s25, $0x5  }
0xf: {  	s14 =	simm.s32 $0x3;
	s15 =	simm.s32 $0x80;
	s28 =	sadd.s32 s6, s5  }
0x10: {  	s5 =	sadd.s32 s5, s26;
	s10 =	sadd.s32 $0xCA00, s0;
	s0 =	simm.s32 $0x0  }
0x11: {  	s6 =	sadd.s32 $0x40, s28;
	s7 =	sadd.s32 $0x50, s28;
	s8 =	sadd.s32 $0x10, s5  }
.LBB2_1:
0x12: {  	s16 =	simm.s32 @p0 $0x80;
	s17 =	simm.s32 @p0 $0x100;
	s18 =	simm.s32 @p0 $0x0  }
0x13: {  	[tilespmem:s18], [sflag:$0x3] =	stream.strided.gather @p0 [hbm4b:s6+s16], $0x2700, s17, s16, $0x38;
	[tilespmem:$0x13780] =	vst v63  }
0x14: {  	s18 =	simm.s32 @p0 $0x3  }
0x15: {  	_ =	swait.ge @p0 [sflag:s18], $0x2700  }
0x16: {  	[sflag:s18] =	ssyncset.done @p0 $0x0  }
0x17: {  	s19 =	simm.s32 @p0 $0x2800;
	[sflag:s18] =	ssyncadd.s32 @p0 $0xFFFFD900  }
0x18: {  	[tilespmem:s19], [sflag:$0x3] =	stream.strided.gather @p0 [hbm4b:s7+s16], $0x2700, s17, s16, $0x38;
	[tilespmem:$0x13780] =	vst v63  }
0x19: {  	_ =	swait.ge @p0 [sflag:s18], $0x2700  }
0x1a: {  	s16 =	simm.s32 @!p0 $0x80;
	[sflag:s18] =	ssyncset.done @p0 $0x0  }
0x1b: {  	s17 =	simm.s32 @!p0 $0x100;
	[sflag:s18] =	ssyncadd.s32 @p0 $0xFFFFD900;
	s18 =	simm.s32 @!p0 $0x0  }
0x1c: {  	[tilespmem:s18], [sflag:$0x3] =	stream.strided.gather @!p0 [hbm4b:s5+s16], $0x2800, s17, s16, $0x38;
	[tilespmem:$0x13780] =	vst v63  }
0x1d: {  	s18 =	simm.s32 @!p0 $0x3  }
0x1e: {  	_ =	swait.ge @!p0 [sflag:s18], $0x2800  }
0x1f: {  	[sflag:s18] =	ssyncset.done @!p0 $0x0  }
0x20: {  	s19 =	simm.s32 @!p0 $0x2800;
	[sflag:s18] =	ssyncadd.s32 @!p0 $0xFFFFD800  }
0x21: {  	[tilespmem:s19], [sflag:$0x3] =	stream.strided.gather @!p0 [hbm4b:s8+s16], $0x2800, s17, s16, $0x38;
	[tilespmem:$0x13780] =	vst v63  }
0x22: {  	_ =	swait.ge @!p0 [sflag:s18], $0x2800  }
0x23: {  	[sflag:s18] =	ssyncset.done @!p0 $0x0  }
0x24: {  	[sflag:s18] =	ssyncadd.s32 @!p0 $0xFFFFD800  }
0x25: {  	[spmem:s13], [sflag:s12] =	dma.local [hbm:s9], $0x4F0  }
0x26: {  	_ =	swait.ge [sflag:s14], $0x4F0  }
0x27: {  	[sflag:s14] =	ssyncset.done $0x0  }
0x28: {  	[sflag:s14] =	ssyncadd.s32 $0xFFFFFB10  }
0x29: {  	s21 =	simm.s32 $0x5000;
	[bflag:$0x0] =	sbarrier.arrive $0xFFFF  }
0x2a: {  	[tilespmem:s21], [sflag:$0x1] =	stream.indirect.gather [hbm4b:s3+s15], $0x10, s2, s15, $0xb8;
	[tilespmem:$0x13780] =	vst v63  }
0x2b: {  	s22 =	simm.s32 $0x5800  }
0x2c: {  	[tilespmem:s22], [sflag:$0x1] =	stream.indirect.gather [hbm4b:s3+s15], $0x10, s15, s15, $0xb8;
	[tilespmem:$0x13780] =	vst v63  }
0x2d: {  	s23 =	simm.s32 $0x100;
	s24 =	simm.s32 $0x6000  }
0x2e: {  	[tilespmem:s24], [sflag:$0x1] =	stream.indirect.gather [hbm4b:s3+s15], $0x10, s23, s15, $0xb8;
	[tilespmem:$0x13780] =	vst v63  }
0x2f: {  	s25 =	simm.s32 $0x180;
	s26 =	simm.s32 $0x6800;
	s28 =	simm.s32 $0x200  }
0x30: {  	[tilespmem:s26], [sflag:$0x1] =	stream.indirect.gather [hbm4b:s3+s15], $0x10, s25, s15, $0xb8;
	[tilespmem:$0x13780] =	vst v63  }
0x31: {  	s29 =	simm.s32 $0x7000;
	s20 =	simm.s32 $0x8000;
	p1 =	por $0x1, $0x1  }
0x32: {  	[tilespmem:s29], [sflag:$0x1] =	stream.indirect.gather [hbm4b:s3+s15], $0x10, s28, s15, $0xb8;
	[tilespmem:$0x13780] =	vst v63  }
0x33: {  	p2 =	sne.s32 s4, $0x1;
	s17 =	simm.s32 $0x280;
	s18 =	simm.s32 $0x7800  }
0x34: {  	[tilespmem:s18], [sflag:$0x1] =	stream.indirect.gather [hbm4b:s3+s15], $0x10, s17, s15, $0xb8;
	[tilespmem:$0x13780] =	vst v63  }
0x35: {  	s19 =	simm.s32 $0x300;
	s16 =	simm.s32 $0x800;
	s21 =	simm.s32 $0x380  }
0x36: {  	[tilespmem:s20], [sflag:$0x1] =	stream.indirect.gather [hbm4b:s3+s15], $0x10, s19, s15, $0xb8;
	[tilespmem:$0x13780] =	vst v63  }
0x37: {  	s22 =	simm.s32 $0x8800;
	s23 =	simm.s32 $0x400;
	s24 =	simm.s32 $0x9000  }
0x38: {  	[tilespmem:s22], [sflag:$0x1] =	stream.indirect.gather [hbm4b:s3+s15], $0x10, s21, s15, $0xb8;
	[tilespmem:$0x13780] =	vst v63  }
0x39: {  	s25 =	simm.s32 $0x480;
	s26 =	simm.s32 $0x9800;
	s28 =	simm.s32 $0x500  }
0x3a: {  	[tilespmem:s24], [sflag:$0x1] =	stream.indirect.gather [hbm4b:s3+s15], $0x10, s23, s15, $0xb8;
	[tilespmem:$0x13780] =	vst v63  }
0x3b: {  	s29 =	simm.s32 $0xA000;
	s18 =	simm.s32 $0x580;
	s17 =	simm.s32 $0x2800  }
0x3c: {  	[tilespmem:s26], [sflag:$0x1] =	stream.indirect.gather [hbm4b:s3+s15], $0x10, s25, s15, $0xb8;
	[tilespmem:$0x13780] =	vst v63  }
0x3d: {  	s19 =	simm.s32 $0xA800;
	s20 =	simm.s32 $0x600;
	s21 =	simm.s32 $0xB000  }
0x3e: {  	[tilespmem:s29], [sflag:$0x1] =	stream.indirect.gather [hbm4b:s3+s15], $0x10, s28, s15, $0xb8;
	[tilespmem:$0x13780] =	vst v63  }
0x3f: {  	s22 =	simm.s32 $0x680;
	s23 =	simm.s32 $0xB800;
	s24 =	simm.s32 $0x700  }
0x40: {  	[tilespmem:s19], [sflag:$0x1] =	stream.indirect.gather [hbm4b:s3+s15], $0x10, s18, s15, $0xb8;
	[tilespmem:$0x13780] =	vst v63  }
0x41: {  	s25 =	simm.s32 $0xC000;
	s26 =	simm.s32 $0x780;
	s28 =	simm.s32 $0xC800  }
0x42: {  	[tilespmem:s21], [sflag:$0x1] =	stream.indirect.gather [hbm4b:s3+s15], $0x10, s20, s15, $0xb8;
	[tilespmem:$0x13780] =	vst v63  }
0x43: {  	s18 =	simm.s32 $0x5800;
	s20 =	simm.s32 $0x10;
	s21 =	smulhi.u32 $0xAAAAAAAB, s2  }
0x44: {  	[tilespmem:s23], [sflag:$0x1] =	stream.indirect.gather [hbm4b:s3+s15], $0x10, s22, s15, $0xb8;
	[tilespmem:$0x13780] =	vst v63  }
0x45: {  	s19 =	simm.s32 $0x2880;
	s23 =	smulhi.u32 $0xAAAAAAAB, s20;
	s21 =	sshrl.u32 s21, $0x4  }
0x46: {  	[tilespmem:s25], [sflag:$0x1] =	stream.indirect.gather [hbm4b:s3+s15], $0x10, s24, s15, $0xb8;
	[tilespmem:$0x13780] =	vst v63  }
0x47: {  	s22 =	simm.s32 @!p1 $0x2;
	s24 =	smul.u32 $0xFFFD0000, s21;
	s29 =	sshrl.u32 s23, $0x4  }
0x48: {  	[tilespmem:s28], [sflag:$0x1] =	stream.indirect.gather [hbm4b:s3+s15], $0x10, s26, s15, $0xb8;
	[tilespmem:$0x13780] =	vst v63  }
0x49: {  	s20 =	simm.s32 $0x11;
	s23 =	smul.u32 $0xFFFD0000, s29;
	_ =	swait.ge @!p1 [sflag:s22], $0x800  }
.Ltmp0:
0x4a: {  	s24 =	sshra.s32 s24, $0x2;
	[sflag:s22] =	ssyncset.done @!p1 $0x0;
	(pc) =	sbr.rel @!p2 .LBB2_3-.Ltmp0, $4  }
0x4b: {  	s21 =	simm.s32 $0x880;
	s24 =	sadd.s32 $0x5000, s24;
	[sflag:s22] =	ssyncadd.s32 @!p1 $0xFFFFF800  }
0x4c: {  	s25 =	sshra.s32 s23, $0x2;
	s23 =	simm.s32 $0x1;
	_ =	swait.ge [sflag:s30], $0x800  }
0x4d: {  	s25 =	sadd.s32 $0xD000, s25;
	p1 =	sle.u32 s4, $0x10;
	[sflag:s30] =	ssyncset.done $0x0  }
0x4e: {  	s22 =	simm.s32 $0xD800;
	s26 =	simm.s32 @!p1 $0x80;
	[sflag:s30] =	ssyncadd.s32 $0xFFFFF800  }
.LBB2_2:
0x4f: {  	[spmem:s1] =	stream.indirect.scatter.add.f32 [tilespmem:s24], [sflag:$0x2], $0x10, s17, s15, $0xb8;
	[tilespmem:$0x13780] =	vst v63  }
0x50: {  	s24 =	smov.u32 s18;
	s17 =	smov.u32 s19;
	s28 =	smov.u32 s20  }
0x51: {  	s29 =	smov.u32 s22;
	s18 =	sadd.s32 $0x800, s18  }
0x52: {  	[tilespmem:s25], [sflag:$0x1] =	stream.indirect.gather @!p1 [hbm4b:s3+s26], $0x10, s16, s26, $0xb8;
	[tilespmem:$0x13780] =	vst v63  }
0x53: {  	s19 =	sadd.s32 $0x80, s19;
	p1 =	slt.u32 s23, $0x8;
	s16 =	smov.u32 s21  }
0x54: {  	s20 =	sadd.s32 $0x1, s20;
	s25 =	smulhi.u32 $0xAAAAAAAB, s23;
	s26 =	simm.s32 @!p1 $0x2  }
0x55: {  	s28 =	smulhi.u32 $0xAAAAAAAB, s28;
	s21 =	sadd.s32 $0x80, s21;
	_ =	swait.ge @!p1 [sflag:s26], $0x800  }
0x56: {  	s23 =	sadd.s32 $0x10, s23;
	s25 =	sshrl.u32 s25, $0x4;
	[sflag:s26] =	ssyncset.done @!p1 $0x0  }
0x57: {  	[sflag:s26] =	ssyncadd.s32 @!p1 $0xFFFFF800;
	p1 =	sge.u32 s23, s4;
	s23 =	sadd.s32 $0xFFFFFFF1, s23  }
0x58: {  	s22 =	sadd.s32 $0x800, s22;
	s25 =	smul.u32 $0xFFFD0000, s25;
	p2 =	sne.s32 s23, s4  }
.Ltmp1:
0x59: {  	s26 =	sshrl.u32 s28, $0x4;
	_ =	swait.ge [sflag:s30], $0x800;
	(pc) =	sbr.rel @p2 .LBB2_2-.Ltmp1, $4  }
0x5a: {  	s25 =	sshra.s32 s25, $0x2;
	s26 =	smul.u32 $0xFFFD0000, s26;
	[sflag:s30] =	ssyncset.done $0x0  }
0x5b: {  	s24 =	sadd.s32 s25, s24;
	[sflag:s30] =	ssyncadd.s32 $0xFFFFF800  }
0x5c: {  	s25 =	sshra.s32 s26, $0x2  }
0x5d: {  	s26 =	simm.s32 @!p1 $0x80;
	s25 =	sadd.s32 s25, s29  }
.LBB2_3:
0x5e: {  	[spmem:s1] =	stream.indirect.scatter.add.f32 [tilespmem:s24], [sflag:$0x2], $0x10, s17, s15, $0xb8;
	[tilespmem:$0x13780] =	vst v63  }
0x5f: {  	_ = 	snop  }
0x60: {  	[tilespmem:s25], [sflag:$0x1] =	stream.indirect.gather @!p1 [hbm4b:s3+s26], $0x10, s16, s26, $0xb8;
	[tilespmem:$0x13780] =	vst v63  }
0x61: {  	_ =	swait.ge [sflag:s31], $0x800  }
0x62: {  	[sflag:s31] =	ssyncset.done $0x0  }
0x63: {  	[sflag:s31] =	ssyncadd.s32 $0xFFFFF800  }
0x64: {  	_ =	swait.ge [sflag:s31], $0x800  }
0x65: {  	[sflag:s31] =	ssyncset.done $0x0  }
0x66: {  	[sflag:s31] =	ssyncadd.s32 $0xFFFFF800  }
0x67: {  	_ =	swait.ge [sflag:s31], $0x800  }
0x68: {  	[sflag:s31] =	ssyncset.done $0x0  }
0x69: {  	[sflag:s31] =	ssyncadd.s32 $0xFFFFF800  }
0x6a: {  	_ =	swait.ge [sflag:s31], $0x800  }
0x6b: {  	[sflag:s31] =	ssyncset.done $0x0  }
0x6c: {  	[sflag:s31] =	ssyncadd.s32 $0xFFFFF800  }
0x6d: {  	_ =	swait.ge [sflag:s31], $0x800  }
0x6e: {  	[sflag:s31] =	ssyncset.done $0x0  }
0x6f: {  	[sflag:s31] =	ssyncadd.s32 $0xFFFFF800  }
0x70: {  	_ =	swait.ge [sflag:s31], $0x800  }
0x71: {  	[sflag:s31] =	ssyncset.done $0x0  }
0x72: {  	[sflag:s31] =	ssyncadd.s32 $0xFFFFF800  }
0x73: {  	_ =	swait.ge [sflag:s31], $0x800  }
0x74: {  	[sflag:s31] =	ssyncset.done $0x0  }
0x75: {  	[sflag:s31] =	ssyncadd.s32 $0xFFFFF800  }
0x76: {  	_ =	swait.ge [sflag:s31], $0x800  }
0x77: {  	s0 =	sadd.s32 $0x1, s0;
	[sflag:s31] =	ssyncset.done $0x0  }
0x78: {  	p1 =	sne.s32 s0, s11;
	[sflag:s31] =	ssyncadd.s32 $0xFFFFF800  }
.Ltmp2:
0x79: {  	[bflag:$0x0] =	sbarrier.arrive $0xFFFF;
	(pc) =	sbr.rel @p1 .LBB2_1-.Ltmp2, $4  }
0x7a: {  	[hbm:s10], [sflag:s12] =	dma.local [spmem:s13], $0x4F0  }
0x7b: {  	_ =	swait.ge [sflag:s14], $0x4F0  }
0x7c: {  	[sflag:s14] =	ssyncset.done $0x0  }
0x7d: {  	[sflag:s14] =	ssyncadd.s32 $0xFFFFFB10  }
0x7e: {  	_ =	sfence.sel $0x180000  }
0x7f: {  	[bflag:$0x0] =	sbarrier.arrive $0xFFFF  }
0x80: {  	_ =	strace $0x9000004D  }
0x81: {  	[bflag:$0x2] =	sbarrier.arrive $0xFFFF  }
0x82: {  	s0 =	rddreg [dreg:$0x3]  }
0x83: {  	s0 =	sadd.s32 @!p0 $0x100000, s0  }
0x84: {  	[sflag:s0] =	ssyncadd.tile.s32 @!p0 $0x1;
	_ =	shalt  }
.Lfunc_end2:
_tile_overlayer_lowered:
.L_overlay_start_2:
0x85: {  	(tag) =	ssettag $0x2  }
0x86: {  	s0 =	rddreg [dreg:$0x0];
	s2 =	stileid.u32  }
0x87: {  	s1 =	rddreg [dreg:$0x1];
	p0 =	sne.s32 s2, $0x0  }
0x88: {  	s3 =	rddreg [dreg:$0x2];
	[bflag:$0x3] =	sbarrier.arrive $0xFFFF;
	s2 =	simm.s32 @!p0 $0x1C03  }
0x89: {  	[timem:s3], [sflag:s2] =	dma.local @!p0 [hbm:s0], s1  }
0x8a: {  	s0 =	simm.s32 @!p0 $0x3  }
0x8b: {  	_ =	swait.ge @!p0 [sflag:s0], s1  }
0x8c: {  	s1 =	ssub.s32 @!p0 $0x0, s1;
	[sflag:s0] =	ssyncset.done @!p0 $0x0  }
0x8d: {  	[sflag:s0] =	ssyncadd.s32 @!p0 s1  }
0x8e: {  	[bflag:$0x3] =	sbarrier.arrive $0xFFFF  }
0x8f: {  	_ =	shalt  }

// kernel: kernel.9.cloned.1.call-start
scs
__scs_entry_jumppad:
0x0: {  	(pc) =	sbr.rel $0x88, $3  }
0x1: {  	(tag) =	ssettag $0x0;
	lr =	simm.s32 $0x1  }
0x2: {  	[smem:$0x3F9B] =	sst lr;
	_ =	strace $0xD0000000  }
0x3: {  	_ = 	snop  }
0x4: {  	_ = 	snop  }
0x5: {  	_ = 	snop  }
0x6: {  	_ = 	snop  }
0x7: {  	_ = 	snop  }
__scs_overlays_trampoline_lowered:
0x8: {  	[smem:$0x3FAA] =	sst s0  }
0x9: {  	[smem:$0x3FAB] =	sst s1  }
0xa: {  	[smem:$0x3FAC] =	sst s2  }
0xb: {  	[smem:$0x3FAD] =	sst s3  }
0xc: {  	[smem:$0x3FAE] =	sst s4  }
0xd: {  	[smem:$0x3FAF] =	sst s5  }
0xe: {  	[smem:$0x3FB0] =	sst s6  }
0xf: {  	[smem:$0x3FB1] =	sst s7  }
0x10: {  	[smem:$0x3FB2] =	sst s8  }
0x11: {  	[smem:$0x3FB3] =	sst s9;
	s0 =	simm.s32 @!p0 $0x0  }
0x12: {  	s1 =	sld [smem:$0x3F99];
	s0 =	simm.s32 @p0 $0x1  }
0x13: {  	[smem:$0x3FB4] =	sst s0;
	s0 =	simm.s32 @!p1 $0x0  }
0x14: {  	s2 =	sld [smem:$0x3F98];
	s0 =	simm.s32 @p1 $0x1  }
0x15: {  	[smem:$0x3FB5] =	sst s0;
	s0 =	simm.s32 @!p2 $0x0  }
0x16: {  	s3 =	sld [smem:$0x3FDB];
	s0 =	simm.s32 @p2 $0x1  }
0x17: {  	s4 =	simm.s32 $0x1BF5;
	[smem:$0x3FB7] =	sst s0  }
0x18: {  	s0 =	sld [smem:$0x3F9A];
	_ =	swait.ge [sflag:s4], $0x0  }
0x19: {  	s7 =	sld [smem:$0x3F9B]  }
0x1a: {  	s8 =	sadd.s32 $0xFFFFE003, lr  }
0x1b: {  	s9 =	sadd.s32 $0xFFFFFEF7, lr;
	s5 =	simm.s32 $0xFFFFFFFF;
	p2 =	slt.u32 s8, $0xFFFFF086  }
0x1c: {  	p1 =	slt.u32 s9, $0xF7A;
	s5 =	simm.s32 @!p2 $0x0  }
0x1d: {  	s5 =	simm.s32 @p1 $0x1;
	p0 =	seq.s32 s7, s2  }
0x1e: {  	s7 =	smul.u32 @!p0 $0xF7A, s2;
	p2 =	seq.s32 @!p0 s5, $0x0  }
0x1f: {  	s9 =	smul.u32 $0xF7A, s1;
	s8 =	simm.s32 @!p0 $0x1BF5;
	p2 =	por !p2, p0  }
0x20: {  	[sflag:s8] =	ssyncset.s32 @!p0 $0xFFFFF086;
	s6 =	sadd.s32 @!p0 s3, s7;
	s7 =	simm.s32 @!p0 $0x108  }
0x21: {  	s3 =	sadd.s32 s3, s9;
	s6 =	sadd.s32 @!p0 $0x88, s6;
	s7 =	simm.s32 @p2 $0x1082  }
0x22: {  	[simem:s7], [sflag:s8] =	dma.local @!p0 [hbm:s6], $0xF7A  }
0x23: {  	s9 =	sor.u32 $0xD0000000, s2;
	s6 =	simm.s32 $0x108;
	_ =	swait.ge @!p0 [sflag:s8], $0x0  }
0x24: {  	s3 =	sadd.s32 $0x88, s3;
	s6 =	simm.s32 @!p1 $0x1082;
	[sflag:s4] =	ssyncset.s32 $0xFFFFF086  }
0x25: {  	[simem:s6], [sflag:s4] =	dma.local [hbm:s3], $0xF7A  }
0x26: {  	[smem:$0x3F9B] =	sst s1;
	(tag) =	ssettag s2;
	_ =	strace s9  }
0x27: {  	s1 =	sld [smem:$0x3FAB]  }
0x28: {  	s2 =	sld [smem:$0x3FAC]  }
0x29: {  	s4 =	sld [smem:$0x3FAE]  }
0x2a: {  	p0 =	seq.s32 s5, $0x0;
	s5 =	sld [smem:$0x3FAF]  }
0x2b: {  	s6 =	sld [smem:$0x3FB0]  }
0x2c: {  	s7 =	sld [smem:$0x3FB1]  }
0x2d: {  	s3 =	simm.s32 $0x108;
	s8 =	sld [smem:$0x3FB2]  }
0x2e: {  	s3 =	simm.s32 @!p0 $0x1082;
	s9 =	sld [smem:$0x3FB3]  }
0x2f: {  	lr =	sadd.s32 s0, s3;
	s0 =	sld [smem:$0x3FAA]  }
0x30: {  	s3 =	sld [smem:$0x3FAD]  }
0x31: {  	[smem:$0x3FB6] =	sst s10  }
0x32: {  	s10 =	sld [smem:$0x3FB4];
	_ =	sdelay $0x3  }
0x33: {  	p0 =	seq.s32 s10, $0x1;
	s10 =	sld [smem:$0x3FB6];
	_ =	sdelay $0x3  }
0x34: {  	[smem:$0x3FB6] =	sst s10  }
0x35: {  	s10 =	sld [smem:$0x3FB5];
	_ =	sdelay $0x3  }
0x36: {  	p1 =	seq.s32 s10, $0x1;
	s10 =	sld [smem:$0x3FB6];
	_ =	sdelay $0x3  }
0x37: {  	[smem:$0x3FB6] =	sst s10  }
0x38: {  	s10 =	sld [smem:$0x3FB7]  }
0x39: {  	_ = 	snop;
	(pc) =	sbr.ind lr, $3  }
0x3a: {  	_ = 	snop  }
0x3b: {  	_ = 	snop  }
0x3c: {  	p2 =	seq.s32 s10, $0x1;
	s10 =	sld [smem:$0x3FB6]  }
0x3d: {  	_ =	shalt  }
0x3e: {  	_ =	shalt  }
0x3f: {  	_ =	shalt  }
0x40: {  	_ =	shalt  }
0x41: {  	_ =	shalt  }
0x42: {  	_ =	shalt  }
0x43: {  	_ =	shalt  }
0x44: {  	_ =	shalt  }
0x45: {  	_ =	shalt  }
0x46: {  	_ =	shalt  }
0x47: {  	_ =	shalt  }
0x48: {  	_ =	shalt  }
0x49: {  	_ =	shalt  }
0x4a: {  	_ =	shalt  }
0x4b: {  	_ =	shalt  }
0x4c: {  	_ =	shalt  }
0x4d: {  	_ =	shalt  }
0x4e: {  	_ =	shalt  }
0x4f: {  	_ =	shalt  }
0x50: {  	_ =	shalt  }
0x51: {  	_ =	shalt  }
0x52: {  	_ =	shalt  }
0x53: {  	_ =	shalt  }
0x54: {  	_ =	shalt  }
0x55: {  	_ =	shalt  }
0x56: {  	_ =	shalt  }
0x57: {  	_ =	shalt  }
0x58: {  	_ =	shalt  }
0x59: {  	_ =	shalt  }
0x5a: {  	_ =	shalt  }
0x5b: {  	_ =	shalt  }
0x5c: {  	_ =	shalt  }
0x5d: {  	_ =	shalt  }
0x5e: {  	_ =	shalt  }
0x5f: {  	_ =	shalt  }
0x60: {  	_ =	shalt  }
0x61: {  	_ =	shalt  }
0x62: {  	_ =	shalt  }
0x63: {  	_ =	shalt  }
0x64: {  	_ =	shalt  }
0x65: {  	_ =	shalt  }
0x66: {  	_ =	shalt  }
0x67: {  	_ =	shalt  }
0x68: {  	_ =	shalt  }
0x69: {  	_ =	shalt  }
0x6a: {  	_ =	shalt  }
0x6b: {  	_ =	shalt  }
0x6c: {  	_ =	shalt  }
0x6d: {  	_ =	shalt  }
0x6e: {  	_ =	shalt  }
0x6f: {  	_ =	shalt  }
0x70: {  	_ =	shalt  }
0x71: {  	_ =	shalt  }
0x72: {  	_ =	shalt  }
0x73: {  	_ =	shalt  }
0x74: {  	_ =	shalt  }
0x75: {  	_ =	shalt  }
0x76: {  	_ =	shalt  }
0x77: {  	_ =	shalt  }
0x78: {  	_ =	shalt  }
0x79: {  	_ =	shalt  }
0x7a: {  	_ =	shalt  }
0x7b: {  	_ =	shalt  }
0x7c: {  	_ =	shalt  }
0x7d: {  	_ =	shalt  }
0x7e: {  	_ =	shalt  }
0x7f: {  	_ =	shalt  }
0x80: {  	_ =	shalt  }
0x81: {  	_ =	shalt  }
0x82: {  	_ =	shalt  }
0x83: {  	_ =	shalt  }
0x84: {  	_ =	shalt  }
0x85: {  	_ =	shalt  }
0x86: {  	_ =	shalt  }
0x87: {  	_ =	shalt  }
.Lfunc_end0:
.L_simem_size_0:
called_computation_lowered:
.L_overlay_start_0:
0x88: {  	s2 =	sld [smem:$0x3FD9]  }
0x89: {  	s3 =	sld [smem:$0x3FFE];
	_ =	sdelay $0x1  }
0x8a: {  	s1 =	srdreg.scid  }
0x8b: {  	s0 =	sand.u32 $0x1, s1  }
0x8c: {  	s17 =	sshll.u32 s0, $0xA;
	s2 =	sadd.s32 s3, s2  }
0x8d: {  	s2 =	sadd.s32 s2, s17  }
0x8e: {  	[smem:$0x3FC2] =	sst s2  }
0x8f: {  	_ = 	snop  }
0x90: {  	s2 =	sld [smem:$0x3FC8]  }
0x91: {  	s18 =	sld [smem:$0x3FD0];
	(tm) =	ssettm $0x1  }
0x92: {  	s4 =	sld [smem:$0x3FFB];
	_ =	sdelay $0x3  }
0x93: {  	_ =	strace s4  }
0x94: {  	s4 =	sld [smem:$0x3FFC];
	_ =	sdelay $0x3  }
0x95: {  	_ =	strace s4  }
0x96: {  	s4 =	sld [smem:$0x3FFD];
	_ =	sdelay $0x3  }
0x97: {  	_ =	strace s4  }
0x98: {  	_ =	strace $0x8FFFFFFF  }
0x99: {  	s19 =	sld [smem:$0x3FDB];
	_ =	sdelay $0x1  }
0x9a: {  	s5 =	simm.s32 $_scs_section_size  }
0x9b: {  	s6 =	simm.s32 $_size__tile_overlayer_lowered;
	s7 =	simm.s32 $_tile_overlayer_lowered  }
0x9c: {  	s22 =	simm.s32 $0x1BFF;
	s21 =	sshll.u32 s7, $0x1;
	s4 =	sadd.s32 s5, s19  }
0x9d: {  	s8 =	simm.s32 $0x0;
	s20 =	sshll.u32 s6, $0x1;
	s6 =	sadd.s32 s21, s4  }
0x9e: {  	[timem:s8], [sflag:s22] =	dma.local [hbm:s6], s20  }
0x9f: {  	_ =	swait.ge [sflag:s22], s20  }
0xa0: {  	s5 =	ssub.s32 $0x0, s20;
	[sflag:s22] =	ssyncset.done $0x0  }
0xa1: {  	[sflag:s22] =	ssyncadd.s32 s5;
	_ =	sdelay $0x1  }
0xa2: {  	s23 =	simm.s32 $0x1B8B  }
0xa3: {  	_ =	swait.ge [sflag:s23], $0x1  }
0xa4: {  	[sflag:s23] =	ssyncset.done $0x0  }
0xa5: {  	s25 =	simm.s32 $0x1B8E;
	s24 =	sld [smem:$0x3FFE];
	[sflag:s23] =	ssyncadd.s32 $0xFFFFFFFF  }
0xa6: {  	s26 =	simm.s32 $execute0_lowered;
	[smem:$0x3FD2] =	sst s25  }
0xa7: {  	s6 =	sshll.u32 s26, $0x1;
	_ =	strace $0x80000046;
	[dreg:$0x1] =	wrdreg $0xFFFFFFFF  }
0xa8: {  	s28 =	simm.s32 $_size_execute0_lowered;
	s4 =	sadd.s32 s4, s6;
	[dreg:$0x0] =	wrdreg $0x0  }
0xa9: {  	s6 =	sshll.u32 s28, $0x1;
	[dreg:$0x2] =	wrdreg s4  }
0xaa: {  	[dreg:$0x3] =	wrdreg s6  }
0xab: {  	[dreg:$0x4] =	wrdreg $0xC0  }
0xac: {  	_ =	task [dreg:s8], $0x5FFFF  }
0xad: {  	[dreg:$0x1] =	wrdreg $0xFFFFFFFF  }
0xae: {  	[dreg:$0x0] =	wrdreg $0x60  }
0xaf: {  	[dreg:$0x2] =	wrdreg s2  }
0xb0: {  	[dreg:$0x3] =	wrdreg s18  }
0xb1: {  	[dreg:$0x4] =	wrdreg s24  }
0xb2: {  	[dreg:$0x5] =	wrdreg $0x30000  }
0xb3: {  	[dreg:$0x6] =	wrdreg $0x9  }
0xb4: {  	_ =	task.clear_ibuf [dreg:s8], $0x7FFFF;
	_ =	strace $0x90000046  }
0xb5: {  	s29 =	simm.s32 $0x9;
	_ =	strace $0x80000048  }
0xb6: {  	_ =	swait.ge [sflag:s29], $0x1  }
0xb7: {  	[sflag:s29] =	ssyncadd.s32 $0xFFFFFFFF  }
0xb8: {  	_ =	strace $0x90000048  }
0xb9: {  	_ =	sfence  }
0xba: {  	s30 =	sld [smem:$0x0];
	_ =	sdelay $0x2  }
0xbb: {  	s31 =	sshll.u32 s1, $0xD;
	s1 =	sshrl.u32 s1, $0x2  }
0xbc: {  	s3 =	sand.u32 $0x4000, s31;
	s1 =	sadd.s32 s1, s30  }
0xbd: {  	s0 =	sor.u32 s3, s0;
	s1 =	sshll.u32 s1, $0x11  }
0xbe: {  	s0 =	sor.u32 s1, s0  }
0xbf: {  	s0 =	sadd.s32 $0x8F2B, s0  }
0xc0: {  	[sflag:s0] =	ssyncadd.remote.s32 $0x1  }
0xc1: {  	_ =	sfence.sel $0xFFFF  }
0xc2: {  	[dreg:$0x0] =	wrdreg $0xFFFFFFFF;
	(pc) =	sbr.abs _section_cstart, $3  }
0xc3: {  	[dreg:$0x1] =	wrdreg $0xFFFFFFFF  }
0xc4: {  	_ =	task.clear_ibuf [dreg:s8], $0x2FFFF;
	_ =	strace $0x9FFFFFFF  }
0xc5: {  	(tm) =	ssettm $0x7FFFFFFF  }
tec
execute0_lowered:
.L_overlay_start_1:
0x0: {  	(tag) =	ssettag $0x1  }
0x1: {  	s5 =	rddreg [dreg:$0x0]  }
0x2: {  	s1 =	rddreg [dreg:$0x1]  }
0x3: {  	s4 =	rddreg [dreg:$0x2]  }
0x4: {  	s2 =	rddreg [dreg:$0x3]  }
0x5: {  	s0 =	rddreg [dreg:$0x4]  }
0x6: {  	s11 =	stileid.u32;
	s6 =	srdreg.scid;
	s3 =	simm.s32 $0x0  }
0x7: {  	s14 =	simm.s32 $0x80;
	s15 =	simm.s32 $0x1;
	s16 =	simm.s32 $0x0  }
0x8: {  	s7 =	smul.u32 $0x2780, s11;
	s6 =	sand.u32 $0x1, s6;
	[smem:$0x7FF] =	sst s3  }
0x9: {  	s13 =	smul.u32 $0x9C0, s11;
	p0 =	seq.s32 s11, $0x0;
	s31 =	sshll.u32 s11, $0x6  }
0xa: {  	s8 =	smul.u32 $0x27800, s6;
	_ =	strace $0x80000047;
	s10 =	ssub.s32 $0x2, s6  }
0xb: {  	s6 =	smul.u32 $0x9C40, s6;
	s9 =	sshrl.u32 s7, $0x3;
	s12 =	sshrl.u32 s10, $0x1  }
0xc: {  	s30 =	sadd.s32 s7, s2;
	s8 =	sadd.s32 s7, s8;
	s9 =	sadd.s32 s9, s4  }
0xd: {  	s10 =	ssub.s32 s10, s12;
	s29 =	sadd.s32 s13, s6;
	s6 =	sadd.s32 s6, s5  }
0xe: {  	s13 =	sshrl.u32 s30, $0x3;
	s8 =	sshrl.u32 s8, $0x3;
	s12 =	sadd.s32 s29, s5  }
0xf: {  	s6 =	sadd.s32 $0x10, s6;
	s7 =	sadd.s32 $0x2A00, s9;
	s9 =	smax.u32 s10, $0x1  }
0x10: {  	s10 =	simm.s32 $0x2800;
	s8 =	sadd.s32 s8, s4;
	s4 =	simm.s32 $0x50  }
0x11: {  	s5 =	sadd.s32 $0x50, s12;
	s12 =	sor.u32 $0x1C02, s31;
	s4 =	simm.s32 @!p0 $0x4E  }
0x12: {  	s8 =	sadd.s32 $0x7A00, s8;
	p0 =	sne.s32 s11, $0x0;
	s11 =	simm.s32 $0x2  }
.LBB2_1:
0x13: {  	s17 =	simm.s32 @p0 $0x80;
	s18 =	simm.s32 @p0 $0x100;
	s19 =	simm.s32 @p0 $0x0  }
0x14: {  	[tilespmem:s19], [sflag:$0x2] =	stream.strided.gather @p0 [hbm4b:s5+s17], $0x2700, s18, s17, $0x38;
	[tilespmem:$0x5780] =	vst v63  }
0x15: {  	s17 =	simm.s32 @p0 $0x2  }
0x16: {  	_ =	swait.ge @p0 [sflag:s17], $0x2700  }
0x17: {  	s18 =	simm.s32 @!p0 $0x100;
	[sflag:s17] =	ssyncset.done @p0 $0x0  }
0x18: {  	s19 =	simm.s32 @!p0 $0x0;
	[sflag:s17] =	ssyncadd.s32 @p0 $0xFFFFD900;
	s17 =	simm.s32 @!p0 $0x80  }
0x19: {  	[tilespmem:s19], [sflag:$0x2] =	stream.strided.gather @!p0 [hbm4b:s6+s17], $0x2800, s18, s17, $0x38;
	[tilespmem:$0x5780] =	vst v63  }
0x1a: {  	s17 =	simm.s32 @!p0 $0x2  }
0x1b: {  	_ =	swait.ge @!p0 [sflag:s17], $0x2800  }
0x1c: {  	[sflag:s17] =	ssyncset.done @!p0 $0x0  }
0x1d: {  	[sflag:s17] =	ssyncadd.s32 @!p0 $0xFFFFD800  }
0x1e: {  	[tilespmem:s10], [sflag:$0x2] =	stream.linear.gather [hbm4b:s1+s3], $0x800, $0x38;
	[tilespmem:$0x5780] =	vst v63  }
0x1f: {  	_ =	swait.ge [sflag:s11], $0x800  }
0x20: {  	[sflag:s11] =	ssyncset.done $0x0  }
0x21: {  	[sflag:s11] =	ssyncadd.s32 $0xFFFFF800  }
0x22: {  	[spmem:s13], [sflag:s12] =	dma.local [hbm:s7], $0x4F0  }
0x23: {  	_ =	swait.ge [sflag:s11], $0x4F0  }
0x24: {  	p2 =	sne.s32 s4, $0x1;
	[sflag:s11] =	ssyncset.done $0x0  }
.Ltmp0:
0x25: {  	p1 =	por $0x1, $0x1;
	[sflag:s11] =	ssyncadd.s32 $0xFFFFFB10;
	(pc) =	sbr.rel @!p2 .LBB2_3-.Ltmp0, $4  }
0x26: {  	s18 =	simm.s32 @!p1 $0x1;
	[bflag:$0x0] =	sbarrier.arrive $0xFFFF  }
0x27: {  	_ =	swait.ge @!p1 [sflag:s18], $0x800  }
0x28: {  	s19 =	simm.s32 $0x0;
	[sflag:s18] =	ssyncset.done @!p1 $0x0  }
0x29: {  	s17 =	simm.s32 $0x1;
	[sflag:s18] =	ssyncadd.s32 @!p1 $0xFFFFF800;
	s18 =	simm.s32 $0x80  }
.LBB2_2:
0x2a: {  	[spmem:s2] =	stream.indirect.scatter.add.f32 [tilespmem:s10], [sflag:$0x1], $0x10, s19, s14, $0xb8;
	[tilespmem:$0x5780] =	vst v63  }
0x2b: {  	p1 =	slt.u32 s17, $0x8;
	s17 =	sadd.s32 $0x1, s17  }
0x2c: {  	p2 =	sne.s32 s4, s17  }
.Ltmp1:
0x2d: {  	(pc) =	sbr.rel @p2 .LBB2_2-.Ltmp1, $4  }
0x2e: {  	s19 =	smov.u32 s18;
	s20 =	simm.s32 @!p1 $0x1  }
0x2f: {  	_ =	swait.ge @!p1 [sflag:s20], $0x800  }
0x30: {  	[sflag:s20] =	ssyncset.done @!p1 $0x0  }
0x31: {  	s18 =	sadd.s32 $0x80, s18;
	[sflag:s20] =	ssyncadd.s32 @!p1 $0xFFFFF800  }
.LBB2_3:
0x32: {  	[spmem:s2] =	stream.indirect.scatter.add.f32 [tilespmem:s10], [sflag:$0x1], $0x10, s19, s14, $0xb8;
	[tilespmem:$0x5780] =	vst v63  }
0x33: {  	_ =	swait.ge [sflag:s15], $0x800  }
0x34: {  	[sflag:s15] =	ssyncset.done $0x0  }
0x35: {  	[sflag:s15] =	ssyncadd.s32 $0xFFFFF800  }
0x36: {  	_ =	swait.ge [sflag:s15], $0x800  }
0x37: {  	[sflag:s15] =	ssyncset.done $0x0  }
0x38: {  	[sflag:s15] =	ssyncadd.s32 $0xFFFFF800  }
0x39: {  	_ =	swait.ge [sflag:s15], $0x800  }
0x3a: {  	[sflag:s15] =	ssyncset.done $0x0  }
0x3b: {  	[sflag:s15] =	ssyncadd.s32 $0xFFFFF800  }
0x3c: {  	_ =	swait.ge [sflag:s15], $0x800  }
0x3d: {  	[sflag:s15] =	ssyncset.done $0x0  }
0x3e: {  	[sflag:s15] =	ssyncadd.s32 $0xFFFFF800  }
0x3f: {  	_ =	swait.ge [sflag:s15], $0x800  }
0x40: {  	[sflag:s15] =	ssyncset.done $0x0  }
0x41: {  	[sflag:s15] =	ssyncadd.s32 $0xFFFFF800  }
0x42: {  	_ =	swait.ge [sflag:s15], $0x800  }
0x43: {  	[sflag:s15] =	ssyncset.done $0x0  }
0x44: {  	[sflag:s15] =	ssyncadd.s32 $0xFFFFF800  }
0x45: {  	_ =	swait.ge [sflag:s15], $0x800  }
0x46: {  	[sflag:s15] =	ssyncset.done $0x0  }
0x47: {  	[sflag:s15] =	ssyncadd.s32 $0xFFFFF800  }
0x48: {  	_ =	swait.ge [sflag:s15], $0x800  }
0x49: {  	s16 =	sadd.s32 $0x1, s16;
	[sflag:s15] =	ssyncset.done $0x0  }
0x4a: {  	p1 =	sne.s32 s16, s9;
	[sflag:s15] =	ssyncadd.s32 $0xFFFFF800  }
.Ltmp2:
0x4b: {  	[bflag:$0x0] =	sbarrier.arrive $0xFFFF;
	(pc) =	sbr.rel @p1 .LBB2_1-.Ltmp2, $4  }
0x4c: {  	[hbm:s8], [sflag:s12] =	dma.local [spmem:s13], $0x4F0  }
0x4d: {  	_ =	swait.ge [sflag:s11], $0x4F0  }
0x4e: {  	[sflag:s11] =	ssyncset.done $0x0  }
0x4f: {  	[sflag:s11] =	ssyncadd.s32 $0xFFFFFB10  }
0x50: {  	_ =	sfence.sel $0x180000  }
0x51: {  	[bflag:$0x0] =	sbarrier.arrive $0xFFFF  }
0x52: {  	_ =	strace $0x90000047  }
0x53: {  	s0 =	sadd.s32 @!p0 $0x100000, s0;
	[bflag:$0x2] =	sbarrier.arrive $0xFFFF  }
0x54: {  	[sflag:s0] =	ssyncadd.tile.s32 @!p0 $0x1;
	_ =	shalt  }
.Lfunc_end2:
_tile_overlayer_lowered:
.L_overlay_start_2:
0x55: {  	(tag) =	ssettag $0x2  }
0x56: {  	s0 =	rddreg [dreg:$0x0];
	s2 =	stileid.u32  }
0x57: {  	s1 =	rddreg [dreg:$0x1];
	p0 =	sne.s32 s2, $0x0  }
0x58: {  	s3 =	rddreg [dreg:$0x2];
	[bflag:$0x3] =	sbarrier.arrive $0xFFFF;
	s2 =	simm.s32 @!p0 $0x1C02  }
0x59: {  	[timem:s3], [sflag:s2] =	dma.local @!p0 [hbm:s0], s1  }
0x5a: {  	s0 =	simm.s32 @!p0 $0x2  }
0x5b: {  	_ =	swait.ge @!p0 [sflag:s0], s1  }
0x5c: {  	s1 =	ssub.s32 @!p0 $0x0, s1;
	[sflag:s0] =	ssyncset.done @!p0 $0x0  }
0x5d: {  	[sflag:s0] =	ssyncadd.s32 @!p0 s1  }
0x5e: {  	[bflag:$0x3] =	sbarrier.arrive $0xFFFF  }
0x5f: {  	_ =	shalt  }

</sc_bundles>
